<compile_context>
chip_gen: v7x
topology: tpu7x:2x2x1
jax: 0.10.2.dev20260603
libtpu: 0.0.44.dev20260713+nightly
codegen_flags: <defaults>
</compile_context>

<pallas_src>
import functools

import jax
import jax.numpy as jnp
from jax import lax
from jax.experimental import pallas as pl
from jax.experimental.pallas import tpu as pltpu
from jax.experimental.pallas import tpu_sc as plsc

NC = 2
NS = 16
DEGW = 16


def _sc_mesh():
    return plsc.VectorSubcoreMesh(
        core_axis_name="c", subcore_axis_name="s",
        num_cores=NC, num_subcores=NS)


def _pick_chunk(per_tile, cap=128):
    for c in range(cap, 0, -8):
        if per_tile % c == 0:
            return c
    return None


def _pad_nodes(N):
    per_tile = -(-N // (NS * 8)) * 8
    return NS * per_tile, per_tile


def _segsum(N, W, E):
    e_per_tile = E // NS
    chunk = _pick_chunk(e_per_tile)
    n_iters = e_per_tile // chunk
    n_pad, n_per_tile = _pad_nodes(N)

    assert n_iters % 2 == 1
    groups = chunk // 16

    @functools.partial(
        pl.kernel,
        out_type=jax.ShapeDtypeStruct((NC, n_pad, W), jnp.float32),
        mesh=_sc_mesh(),
        scratch_types=[
            pltpu.VMEM((e_per_tile,), jnp.int32),
            pltpu.VMEM((e_per_tile,), jnp.int32),
            pltpu.VMEM((chunk, W), jnp.float32),
            pltpu.VMEM((chunk, W), jnp.float32),
            pltpu.VMEM_SHARED((n_pad, W), jnp.float32),
            pltpu.SemaphoreType.DMA,
            pltpu.SemaphoreType.DMA,
            pltpu.SemaphoreType.DMA,
            pltpu.SemaphoreType.DMA,
        ])
    def k(x_hbm, src_hbm, dst_hbm, zeros_hbm, agg_out,
          sidx, didx, rows_a, rows_b, agg_sh, sem_a, sem_b, sem_sa,
          sem_sb):
        c = lax.axis_index("c")
        s = lax.axis_index("s")
        rbase = s * n_per_tile
        pltpu.sync_copy(zeros_hbm.at[pl.ds(rbase, n_per_tile)],
                        agg_sh.at[pl.ds(rbase, n_per_tile)])
        e_base = s * e_per_tile
        pltpu.sync_copy(src_hbm.at[pl.ds(e_base, e_per_tile)], sidx)
        pltpu.sync_copy(dst_hbm.at[pl.ds(e_base, e_per_tile)], didx)
        coff = c

        def offs(g, _):
            sl = pl.ds(g * 16, 16)
            sidx[sl] = sidx[sl] * NC + coff
            return 0

        lax.fori_loop(0, e_per_tile // 16, offs, 0)
        plsc.subcore_barrier()

        def gather(i, buf, sem):
            pltpu.async_copy(
                x_hbm.at[sidx.at[pl.ds(i * chunk, chunk)]], buf, sem)

        def gwait(buf, sem):
            pltpu.make_async_copy(zeros_hbm.at[pl.ds(0, chunk)], buf,
                                  sem).wait()

        def scatter(i, buf, sem):
            descs = []
            for j in range(groups):
                idx_v = didx[pl.ds(i * chunk + j * 16, 16)]
                descs.append(pltpu.async_copy(
                    buf.at[pl.ds(j * 16, 16)], agg_sh.at[idx_v], sem,
                    add=True))
            for d in descs:
                d.wait()

        gather(0, rows_a, sem_a)

        def body(kk, _):
            i0 = 2 * kk
            gather(i0 + 1, rows_b, sem_b)
            gwait(rows_a, sem_a)
            scatter(i0, rows_a, sem_sa)
            gather(i0 + 2, rows_a, sem_a)
            gwait(rows_b, sem_b)
            scatter(i0 + 1, rows_b, sem_sb)
            return 0

        lax.fori_loop(0, (n_iters - 1) // 2, body, 0)
        gwait(rows_a, sem_a)
        scatter(n_iters - 1, rows_a, sem_sa)
        plsc.subcore_barrier()
        pltpu.sync_copy(agg_sh.at[pl.ds(rbase, n_per_tile)],
                        agg_out.at[c].at[pl.ds(rbase, n_per_tile)])

    return k


def _deg(N, E, W):
    e_per_tile = E // NS
    chunk = _pick_chunk(e_per_tile)
    n_iters = e_per_tile // chunk
    n_pad, n_per_tile = _pad_nodes(N)

    c0_chunks = (n_iters + 1) // 2
    groups = chunk // 16

    @functools.partial(
        pl.kernel,
        out_type=jax.ShapeDtypeStruct((NC, n_pad, W), jnp.float32),
        mesh=_sc_mesh(),
        scratch_types=[
            pltpu.VMEM((e_per_tile,), jnp.int32),
            pltpu.VMEM((16, W), jnp.float32),
            pltpu.VMEM_SHARED((n_pad, W), jnp.float32),
            pltpu.SemaphoreType.DMA,
        ])
    def k(dst_hbm, zeros_hbm, ones_hbm, deg_out, didx, ones_v, deg_sh,
          sem_s):
        c = lax.axis_index("c")
        s = lax.axis_index("s")
        rbase = s * n_per_tile
        pltpu.sync_copy(zeros_hbm.at[pl.ds(rbase, n_per_tile)],
                        deg_sh.at[pl.ds(rbase, n_per_tile)])
        pltpu.sync_copy(ones_hbm, ones_v)
        e_base = s * e_per_tile
        pltpu.sync_copy(dst_hbm.at[pl.ds(e_base, e_per_tile)], didx)
        plsc.subcore_barrier()

        cstart = c * c0_chunks
        n_chunks = c0_chunks - c

        def body(i, _):
            base = (cstart + i) * chunk
            descs = []
            for j in range(groups):
                idx_v = didx[pl.ds(base + j * 16, 16)]
                descs.append(pltpu.async_copy(
                    ones_v, deg_sh.at[idx_v], sem_s, add=True))
            for d in descs:
                d.wait()
            return 0

        lax.fori_loop(0, n_chunks, body, 0)
        plsc.subcore_barrier()
        pltpu.sync_copy(deg_sh.at[pl.ds(rbase, n_per_tile)],
                        deg_out.at[c].at[pl.ds(rbase, n_per_tile)])

    return k


def _gather2(N, H, Q):
    q_per_tile = Q // NS
    chunk = _pick_chunk(q_per_tile)
    n_iters = q_per_tile // chunk

    assert n_iters % 2 == 0

    @functools.partial(
        pl.kernel,
        out_type=[jax.ShapeDtypeStruct((NC, Q, H), jnp.float32),
                  jax.ShapeDtypeStruct((NC, Q, H), jnp.float32)],
        mesh=_sc_mesh(),
        scratch_types=[
            pltpu.VMEM((q_per_tile,), jnp.int32),
            pltpu.VMEM((q_per_tile,), jnp.int32),
            pltpu.VMEM((chunk, H), jnp.float32),
            pltpu.VMEM((chunk, H), jnp.float32),
            pltpu.VMEM((chunk, H), jnp.float32),
            pltpu.VMEM((chunk, H), jnp.float32),
            pltpu.SemaphoreType.DMA,
            pltpu.SemaphoreType.DMA,
            pltpu.SemaphoreType.DMA,
            pltpu.SemaphoreType.DMA,
        ])
    def k(x_hbm, e0_hbm, e1_hbm, g0_out, g1_out, idx0, idx1,
          a0, a1, b0, b1, sem_a, sem_b, sem_wa, sem_wb):
        c = lax.axis_index("c")
        s = lax.axis_index("s")
        coff = c
        qbase = s * q_per_tile
        pltpu.sync_copy(e0_hbm.at[pl.ds(qbase, q_per_tile)], idx0)
        pltpu.sync_copy(e1_hbm.at[pl.ds(qbase, q_per_tile)], idx1)

        def offs(g, _):
            sl = pl.ds(g * 16, 16)
            idx0[sl] = idx0[sl] * NC + coff
            idx1[sl] = idx1[sl] * NC + coff
            return 0

        lax.fori_loop(0, q_per_tile // 16, offs, 0)

        def gathers(i, r0, r1, sem):
            sl = pl.ds(i * chunk, chunk)
            pltpu.async_copy(x_hbm.at[idx0.at[sl]], r0, sem)
            pltpu.async_copy(x_hbm.at[idx1.at[sl]], r1, sem)

        def gwait(r0, r1, sem):
            pltpu.make_async_copy(x_hbm.at[pl.ds(0, chunk)], r0, sem).wait()
            pltpu.make_async_copy(x_hbm.at[pl.ds(0, chunk)], r1, sem).wait()

        def writes(i, r0, r1, sem):
            sl = pl.ds(qbase + i * chunk, chunk)
            pltpu.async_copy(r0, g0_out.at[c].at[sl], sem)
            pltpu.async_copy(r1, g1_out.at[c].at[sl], sem)

        def wdrain(r0, r1, sem):
            pltpu.make_async_copy(x_hbm.at[pl.ds(0, chunk)], r0, sem).wait()
            pltpu.make_async_copy(x_hbm.at[pl.ds(0, chunk)], r1, sem).wait()

        gathers(0, a0, a1, sem_a)

        def body(kk, _):
            i0 = 2 * kk
            gathers(i0 + 1, b0, b1, sem_b)
            gwait(a0, a1, sem_a)
            writes(i0, a0, a1, sem_wa)
            gwait(b0, b1, sem_b)
            writes(i0 + 1, b0, b1, sem_wb)
            wdrain(a0, a1, sem_wa)
            gathers(i0 + 2, a0, a1, sem_a)
            wdrain(b0, b1, sem_wb)
            return 0

        lax.fori_loop(0, n_iters // 2 - 1, body, 0)
        gathers(n_iters - 1, b0, b1, sem_b)
        gwait(a0, a1, sem_a)
        writes(n_iters - 2, a0, a1, sem_wa)
        gwait(b0, b1, sem_b)
        writes(n_iters - 1, b0, b1, sem_wb)
        wdrain(a0, a1, sem_wa)
        wdrain(b0, b1, sem_wb)

    return k


def _layer_tc(N, D, H, relu, wagg):
    R = 2000

    def body(agg_ref, deg_ref, x_ref, wl_ref, bl_ref, wr_ref, out_ref):
        agg = jnp.concatenate(
            [agg_ref[0][:, :H], agg_ref[1][:, :H]], axis=1)
        x = x_ref[...].reshape(R, 2 * H)
        d = jnp.maximum(deg_ref[0][:, 0:1] + deg_ref[1][:, 0:1], 1.0)
        res = (jnp.dot(agg / d, wl_ref[...], preferred_element_type=jnp.float32)
               + bl_ref[...]
               + jnp.dot(x, wr_ref[...], preferred_element_type=jnp.float32))
        if relu:
            res = jnp.maximum(res, 0.0)
        out_ref[...] = res.reshape(R, NC, H)

    return pl.pallas_call(
        body,
        grid=(N // R,),
        in_specs=[
            pl.BlockSpec((2, R, wagg), lambda i: (0, i, 0)),
            pl.BlockSpec((2, R, H), lambda i: (0, i, 0)),
            pl.BlockSpec((R, NC, H), lambda i: (i, 0, 0)),
            pl.BlockSpec((D, D), lambda i: (0, 0)),
            pl.BlockSpec((1, D), lambda i: (0, 0)),
            pl.BlockSpec((D, D), lambda i: (0, 0)),
        ],
        out_specs=pl.BlockSpec((R, NC, H), lambda i: (i, 0, 0)),
        out_shape=jax.ShapeDtypeStruct((N, NC, H), jnp.float32),
    )


def _predict_tc(Q, D, H):
    R = 4096

    def body(g0_ref, g1_ref, w1_ref, b1_ref, w2_ref, b2_ref, out_ref):
        a = jnp.concatenate([g0_ref[0], g0_ref[1]], axis=1)
        b = jnp.concatenate([g1_ref[0], g1_ref[1]], axis=1)
        h = a * b
        h = jnp.maximum(
            jnp.dot(h, w1_ref[...], preferred_element_type=jnp.float32)
            + b1_ref[...], 0.0)
        o = (jnp.dot(h, w2_ref[...], preferred_element_type=jnp.float32)
             + b2_ref[...])
        out_ref[...] = jax.nn.sigmoid(o)

    return pl.pallas_call(
        body,
        grid=(Q // R,),
        in_specs=[
            pl.BlockSpec((2, R, H), lambda i: (0, i, 0)),
            pl.BlockSpec((2, R, H), lambda i: (0, i, 0)),
            pl.BlockSpec((D, D), lambda i: (0, 0)),
            pl.BlockSpec((1, D), lambda i: (0, 0)),
            pl.BlockSpec((D, 1), lambda i: (0, 0)),
            pl.BlockSpec((1, 1), lambda i: (0, 0)),
        ],
        out_specs=pl.BlockSpec((R, 1), lambda i: (i, 0)),
        out_shape=jax.ShapeDtypeStruct((Q, 1), jnp.float32),
    )


def kernel(adj_t, edges, emb, Wl1, bl1, Wr1, Wl2, bl2, Wr2, Wp1, bp1, Wp2, bp2):
    N, D = emb.shape
    E = adj_t.shape[1]
    Q = edges.shape[1]
    H = D // NC

    segsum = _segsum(N, H, E)
    deg_k = _deg(N, E, H)
    layer1 = _layer_tc(N, D, H, relu=True, wagg=H)
    layer2 = _layer_tc(N, D, H, relu=False, wagg=H)

    n_pad, _ = _pad_nodes(N)
    zeros = jnp.zeros((n_pad, H), jnp.float32)
    ones16 = jnp.ones((16, H), jnp.float32)

    xs0 = emb.reshape(N, NC, H)
    e_src, e_dst = adj_t[0], adj_t[1]
    dega = deg_k(e_dst, zeros, ones16)
    agg1 = segsum(xs0.reshape(NC * N, H), e_src, e_dst, zeros)
    xs1 = layer1(agg1, dega, xs0, Wl1, bl1.reshape(1, D), Wr1)
    agg2 = segsum(xs1.reshape(NC * N, H), e_src, e_dst, zeros)
    xs2 = layer2(agg2, dega, xs1, Wl2, bl2.reshape(1, D), Wr2)
    gather2 = _gather2(N, H, Q)
    predict = _predict_tc(Q, D, H)
    g0, g1 = gather2(xs2.reshape(NC * N, H), edges[0], edges[1])
    return predict(g0, g1, Wp1, bp1.reshape(1, D), Wp2, bp2.reshape(1, 1))

# --- scband reference (transcript-rebuilt; emitter-appended) ---
"""Pipeline reference for scband-sage-linear-23081154248744 (READ-ONLY COPY).

The authoritative reference and input builder live on the scoring server;
editing this copy changes nothing except your own understanding.
"""

import jax, jax.numpy as jnp
import numpy as np

N = 10000   # num_nodes
D = 256     # embedding/hidden/output dim
E = 160000  # n_edges in adjacency
Q = 65536   # link-prediction query edges


def setup_inputs(seed: int = 0) -> dict:
    key = jax.random.key(seed)
    ks = jax.random.split(key, 16)
    inp = {}
    inp['adj_t'] = jax.random.randint(ks[0], (2, E), 0, N, dtype=jnp.int32)
    inp['edges'] = jax.random.randint(ks[1], (2, Q), 0, N, dtype=jnp.int32)
    # learned parameters
    inp['emb'] = jax.random.normal(ks[2], (N, D), dtype=jnp.float32) * 0.1
    # SAGEConv layer 1: lin_l (neighbors, with bias), lin_r (self, no bias)
    inp['Wl1'] = jax.random.normal(ks[3], (D, D), dtype=jnp.float32) * (1.0 / np.sqrt(D))
    inp['bl1'] = jnp.zeros((D,), dtype=jnp.float32)
    inp['Wr1'] = jax.random.normal(ks[4], (D, D), dtype=jnp.float32) * (1.0 / np.sqrt(D))
    # SAGEConv layer 2
    inp['Wl2'] = jax.random.normal(ks[5], (D, D), dtype=jnp.float32) * (1.0 / np.sqrt(D))
    inp['bl2'] = jnp.zeros((D,), dtype=jnp.float32)
    inp['Wr2'] = jax.random.normal(ks[6], (D, D), dtype=jnp.float32) * (1.0 / np.sqrt(D))
    # LinkPredictor: 2-layer MLP 256 -> 256 -> 1
    inp['Wp1'] = jax.random.normal(ks[7], (D, D), dtype=jnp.float32) * (1.0 / np.sqrt(D))
    inp['bp1'] = jnp.zeros((D,), dtype=jnp.float32)
    inp['Wp2'] = jax.random.normal(ks[8], (D, 1), dtype=jnp.float32) * (1.0 / np.sqrt(D))
    inp['bp2'] = jnp.zeros((1,), dtype=jnp.float32)
    return inp


def reference(adj_t, edges, emb, Wl1, bl1, Wr1, Wl2, bl2, Wr2, Wp1, bp1, Wp2, bp2):
    src = adj_t[0]
    dst = adj_t[1]

    def sage_conv(x, Wl, bl, Wr):
        # mean aggregation of neighbor messages (adj_t.matmul(x, reduce='mean'))
        msg = x[src]
        agg = jax.ops.segment_sum(msg, dst, num_segments=N)
        deg = jax.ops.segment_sum(jnp.ones((E, 1), dtype=x.dtype), dst, num_segments=N)
        agg = agg / jnp.maximum(deg, 1.0)
        return agg @ Wl + bl + x @ Wr

    # SAGE network (dropout is identity in eval mode)
    x = jax.nn.relu(sage_conv(emb, Wl1, bl1, Wr1))
    x = sage_conv(x, Wl2, bl2, Wr2)

    # LinkPredictor: elementwise product of endpoint embeddings -> MLP -> sigmoid
    h = x[edges[0]] * x[edges[1]]
    h = jax.nn.relu(h @ Wp1 + bp1)
    out = jax.nn.sigmoid(h @ Wp2 + bp2)
    return out

if __name__ == "__main__":
    import jax
    _d = setup_inputs()
    print(jax.jit(kernel)(*tuple(_d.values())))

</pallas_src>

<mosaic_0001>
#map = affine_map<(d0, d1) -> (0, 0)>
#map1 = affine_map<(d0, d1) -> (0)>
#map2 = affine_map<(d0, d1) -> (0, 0, 0)>
module attributes {stable_mosaic.version = 14 : i64} {
  func.func @k(%arg0: i32, %arg1: i32, %arg2: memref<20000x128xf32, #tpu.memory_space<hbm>>, %arg3: memref<160000xi32, #tpu.memory_space<hbm>>, %arg4: memref<160000xi32, #tpu.memory_space<hbm>>, %arg5: memref<10112x128xf32, #tpu.memory_space<hbm>>, %arg6: memref<2x10112x128xf32, #tpu.memory_space<hbm>>, %arg7: memref<10000xi32, #tpu.memory_space<vmem>>, %arg8: memref<10000xi32, #tpu.memory_space<vmem>>, %arg9: memref<80x128xf32, #tpu.memory_space<vmem>>, %arg10: memref<80x128xf32, #tpu.memory_space<vmem>>, %arg11: memref<10112x128xf32, #tpu.memory_space<vmem_shared>>, %arg12: memref<!tpu.dma_semaphore, #tpu.memory_space<semaphore_mem>>, %arg13: memref<!tpu.dma_semaphore, #tpu.memory_space<semaphore_mem>>, %arg14: memref<!tpu.dma_semaphore, #tpu.memory_space<semaphore_mem>>, %arg15: memref<!tpu.dma_semaphore, #tpu.memory_space<semaphore_mem>>) attributes {dimension_semantics = [#tpu.dimension_semantics<core_parallel>, #tpu.dimension_semantics<subcore_parallel>], iteration_bounds = array<i64: 2, 16>, scalar_prefetch = 0 : i64, scratch_operands = 9 : i64, tpu.core_type = #tpu.core_type<sc_vector_subcore>, window_params = [{transform_indices = #map}, {transform_indices = #map1}, {transform_indices = #map1}, {transform_indices = #map}, {transform_indices = #map2}]} {
    %mul3A = arith.constant 632 : i32
    %mul3A_0 = arith.muli %arg1, %mul3A : i32
    "tpu.region"() ({
      %run_scoped3A = tpu.sem_alloc : memref<!tpu.dma_semaphore, #tpu.memory_space<semaphore_mem>>
      %dma_start3A_100 = arith.constant 0 : i32
      %dma_start3A_101 = tpu.memref_slice %arg11[%mul3A_0, %dma_start3A_100] : memref<10112x128xf32, #tpu.memory_space<vmem_shared>> -> memref<632x128xf32, #tpu.memory_space<vmem_shared>>
      %dma_start3A_102 = arith.constant 0 : i32
      %dma_start3A_103 = tpu.memref_slice %arg5[%mul3A_0, %dma_start3A_102] : memref<10112x128xf32, #tpu.memory_space<hbm>> -> memref<632x128xf32, #tpu.memory_space<hbm>>
      tpu.enqueue_dma source(%dma_start3A_103 : memref<632x128xf32, #tpu.memory_space<hbm>>) target(%dma_start3A_101 : memref<632x128xf32, #tpu.memory_space<vmem_shared>>) target_semaphore(%run_scoped3A : memref<!tpu.dma_semaphore, #tpu.memory_space<semaphore_mem>>)
      %dma_wait3A_104 = arith.constant 0 : i32
      %dma_wait3A_105 = tpu.memref_slice %arg11[%mul3A_0, %dma_wait3A_104] : memref<10112x128xf32, #tpu.memory_space<vmem_shared>> -> memref<632x128xf32, #tpu.memory_space<vmem_shared>>
      %dma_wait3A_106 = arith.constant 0 : i32
      %dma_wait3A_107 = tpu.memref_slice %arg5[%mul3A_0, %dma_wait3A_106] : memref<10112x128xf32, #tpu.memory_space<hbm>> -> memref<632x128xf32, #tpu.memory_space<hbm>>
      tpu.wait_dma2 semaphore(%run_scoped3A : memref<!tpu.dma_semaphore, #tpu.memory_space<semaphore_mem>>) src(%dma_wait3A_107 : memref<632x128xf32, #tpu.memory_space<hbm>>) dst(%dma_wait3A_105 : memref<632x128xf32, #tpu.memory_space<vmem_shared>>)
      tpu.yield
    }) : () -> ()
    %mul3A_1 = arith.constant 10000 : i32
    %mul3A_2 = arith.muli %arg1, %mul3A_1 : i32
    "tpu.region"() ({
      %run_scoped3A = tpu.sem_alloc : memref<!tpu.dma_semaphore, #tpu.memory_space<semaphore_mem>>
      %dma_start3A_100 = tpu.memref_slice %arg3[%mul3A_2] : memref<160000xi32, #tpu.memory_space<hbm>> -> memref<10000xi32, #tpu.memory_space<hbm>>
      %dma_start3A_101 = tpu.memref_slice %arg3[%mul3A_2] : memref<160000xi32, #tpu.memory_space<hbm>> -> memref<10000xi32, #tpu.memory_space<hbm>>
      tpu.enqueue_dma source(%dma_start3A_101 : memref<10000xi32, #tpu.memory_space<hbm>>) target(%arg7 : memref<10000xi32, #tpu.memory_space<vmem>>) target_semaphore(%run_scoped3A : memref<!tpu.dma_semaphore, #tpu.memory_space<semaphore_mem>>)
      %dma_wait3A_102 = tpu.memref_slice %arg3[%mul3A_2] : memref<160000xi32, #tpu.memory_space<hbm>> -> memref<10000xi32, #tpu.memory_space<hbm>>
      %dma_wait3A_103 = tpu.memref_slice %arg3[%mul3A_2] : memref<160000xi32, #tpu.memory_space<hbm>> -> memref<10000xi32, #tpu.memory_space<hbm>>
      tpu.wait_dma2 semaphore(%run_scoped3A : memref<!tpu.dma_semaphore, #tpu.memory_space<semaphore_mem>>) src(%dma_wait3A_103 : memref<10000xi32, #tpu.memory_space<hbm>>) dst(%arg7 : memref<10000xi32, #tpu.memory_space<vmem>>)
      tpu.yield
    }) : () -> ()
    "tpu.region"() ({
      %run_scoped3A = tpu.sem_alloc : memref<!tpu.dma_semaphore, #tpu.memory_space<semaphore_mem>>
      %dma_start3A_100 = tpu.memref_slice %arg4[%mul3A_2] : memref<160000xi32, #tpu.memory_space<hbm>> -> memref<10000xi32, #tpu.memory_space<hbm>>
      %dma_start3A_101 = tpu.memref_slice %arg4[%mul3A_2] : memref<160000xi32, #tpu.memory_space<hbm>> -> memref<10000xi32, #tpu.memory_space<hbm>>
      tpu.enqueue_dma source(%dma_start3A_101 : memref<10000xi32, #tpu.memory_space<hbm>>) target(%arg8 : memref<10000xi32, #tpu.memory_space<vmem>>) target_semaphore(%run_scoped3A : memref<!tpu.dma_semaphore, #tpu.memory_space<semaphore_mem>>)
      %dma_wait3A_102 = tpu.memref_slice %arg4[%mul3A_2] : memref<160000xi32, #tpu.memory_space<hbm>> -> memref<10000xi32, #tpu.memory_space<hbm>>
      %dma_wait3A_103 = tpu.memref_slice %arg4[%mul3A_2] : memref<160000xi32, #tpu.memory_space<hbm>> -> memref<10000xi32, #tpu.memory_space<hbm>>
      tpu.wait_dma2 semaphore(%run_scoped3A : memref<!tpu.dma_semaphore, #tpu.memory_space<semaphore_mem>>) src(%dma_wait3A_103 : memref<10000xi32, #tpu.memory_space<hbm>>) dst(%arg8 : memref<10000xi32, #tpu.memory_space<vmem>>)
      tpu.yield
    }) : () -> ()
    %scan3A = arith.constant 0 : i32
    %scan3A_3 = arith.constant 0 : i32
    %scan3A_4 = arith.constant 625 : i32
    %scan3A_5 = arith.addi %scan3A_3, %scan3A_4 : i32
    %scan3A_6 = arith.constant 1 : i32
    %scan3A_7 = scf.for %scan3A_100 = %scan3A_3 to %scan3A_5 step %scan3A_6 iter_args(%scan3A_101 = %scan3A) -> (i32)  : i32 {
      %mul3A_102 = arith.constant 16 : i32
      %mul3A_103 = arith.muli %scan3A_100, %mul3A_102 : i32
      %get3A_104 = arith.index_cast %mul3A_103 : i32 to index
      %get3A_105 = tpu.vector_load %arg7[%get3A_104] {strides = array<i32>} : memref<10000xi32, #tpu.memory_space<vmem>>, vector<16xi32>,
      %get3A_106 = vector.shape_cast %get3A_105 : vector<16xi32> to vector<16xi32>
      %mul3A_107 = arith.constant 2 : i32
      %mul3A_108 = vector.broadcast %mul3A_107 : i32 to vector<16xi32>
      %mul3A_109 = arith.muli %get3A_106, %mul3A_108 : vector<16xi32>
      %add3A = vector.broadcast %arg0 : i32 to vector<16xi32>
      %add3A_110 = arith.addi %mul3A_109, %add3A : vector<16xi32>
      %swap3A = arith.index_cast %mul3A_103 : i32 to index
      %swap3A_111 = tpu.vector_load %arg7[%swap3A] {strides = array<i32>} : memref<10000xi32, #tpu.memory_space<vmem>>, vector<16xi32>,
      %swap3A_112 = vector.shape_cast %swap3A_111 : vector<16xi32> to vector<16xi32>
      %swap3A_113 = vector.shape_cast %add3A_110 : vector<16xi32> to vector<16xi32>
      tpu.vector_store %arg7[%swap3A], %swap3A_113 {strides = array<i32>} : memref<10000xi32, #tpu.memory_space<vmem>>, vector<16xi32>,
      %scan3A_114 = arith.constant 0 : i32
      scf.yield %scan3A_114 : i32
    }
    %scan3A_8 = arith.constant 625 : i32
    %barrier3A = arith.constant 0 : index
    tpu.barrier barrier_id(%barrier3A)
    %dma_start3A = arith.constant 0 : i32
    %dma_start3A_9 = tpu.memref_slice %arg7[%dma_start3A] : memref<10000xi32, #tpu.memory_space<vmem>> -> memref<80xi32, #tpu.memory_space<vmem>>
    %dma_start3A_10 = arith.constant 0 : i32
    %dma_start3A_11 = arith.constant 0 : i32
    %dma_start3A_12 = tpu.memref_slice %arg2[%dma_start3A_10, %dma_start3A_11] : memref<20000x128xf32, #tpu.memory_space<hbm>> -> memref<20000x128xf32, #tpu.memory_space<hbm>>
    tpu.enqueue_indirect_dma source(%dma_start3A_12 : memref<20000x128xf32, #tpu.memory_space<hbm>>) target(%arg9 : memref<80x128xf32, #tpu.memory_space<vmem>>) offsets(%dma_start3A_9 : memref<80xi32, #tpu.memory_space<vmem>>) semaphore(%arg12 : memref<!tpu.dma_semaphore, #tpu.memory_space<semaphore_mem>>)
    %scan3A_13 = arith.constant 0 : i32
    %scan3A_14 = arith.constant 0 : i32
    %scan3A_15 = arith.constant 62 : i32
    %scan3A_16 = arith.addi %scan3A_14, %scan3A_15 : i32
    %scan3A_17 = arith.constant 1 : i32
    %scan3A_18 = scf.for %scan3A_100 = %scan3A_14 to %scan3A_16 step %scan3A_17 iter_args(%scan3A_101 = %scan3A_13) -> (i32)  : i32 {
      %mul3A_102 = arith.constant 2 : i32
      %mul3A_103 = arith.muli %mul3A_102, %scan3A_100 : i32
      %add3A = arith.constant 1 : i32
      %add3A_104 = arith.addi %mul3A_103, %add3A : i32
      %mul3A_105 = arith.constant 80 : i32
      %mul3A_106 = arith.muli %add3A_104, %mul3A_105 : i32
      %dma_start3A_107 = tpu.memref_slice %arg7[%mul3A_106] : memref<10000xi32, #tpu.memory_space<vmem>> -> memref<80xi32, #tpu.memory_space<vmem>>
      %dma_start3A_108 = arith.constant 0 : i32
      %dma_start3A_109 = arith.constant 0 : i32
      %dma_start3A_110 = tpu.memref_slice %arg2[%dma_start3A_108, %dma_start3A_109] : memref<20000x128xf32, #tpu.memory_space<hbm>> -> memref<20000x128xf32, #tpu.memory_space<hbm>>
      tpu.enqueue_indirect_dma source(%dma_start3A_110 : memref<20000x128xf32, #tpu.memory_space<hbm>>) target(%arg10 : memref<80x128xf32, #tpu.memory_space<vmem>>) offsets(%dma_start3A_107 : memref<80xi32, #tpu.memory_space<vmem>>) semaphore(%arg13 : memref<!tpu.dma_semaphore, #tpu.memory_space<semaphore_mem>>)
      %dma_wait3A_111 = arith.constant 0 : i32
      %dma_wait3A_112 = arith.constant 0 : i32
      %dma_wait3A_113 = tpu.memref_slice %arg5[%dma_wait3A_111, %dma_wait3A_112] : memref<10112x128xf32, #tpu.memory_space<hbm>> -> memref<80x128xf32, #tpu.memory_space<hbm>>
      %dma_wait3A_114 = arith.constant 0 : i32
      %dma_wait3A_115 = arith.constant 0 : i32
      %dma_wait3A_116 = tpu.memref_slice %arg5[%dma_wait3A_114, %dma_wait3A_115] : memref<10112x128xf32, #tpu.memory_space<hbm>> -> memref<80x128xf32, #tpu.memory_space<hbm>>
      tpu.wait_dma2 semaphore(%arg12 : memref<!tpu.dma_semaphore, #tpu.memory_space<semaphore_mem>>) src(%dma_wait3A_116 : memref<80x128xf32, #tpu.memory_space<hbm>>) dst(%arg9 : memref<80x128xf32, #tpu.memory_space<vmem>>)
      %mul3A_117 = arith.constant 80 : i32
      %mul3A_118 = arith.muli %mul3A_103, %mul3A_117 : i32
      %add3A_119 = arith.constant 0 : i32
      %add3A_120 = arith.addi %mul3A_118, %add3A_119 : i32
      %get3A_121 = arith.index_cast %add3A_120 : i32 to index
      %get3A_122 = tpu.vector_load %arg8[%get3A_121] {strides = array<i32>} : memref<10000xi32, #tpu.memory_space<vmem>>, vector<16xi32>,
      %get3A_123 = vector.shape_cast %get3A_122 : vector<16xi32> to vector<16xi32>
      %dma_start3A_124 = arith.constant 0 : i32
      %dma_start3A_125 = arith.constant 0 : i32
      %dma_start3A_126 = tpu.memref_slice %arg9[%dma_start3A_124, %dma_start3A_125] : memref<80x128xf32, #tpu.memory_space<vmem>> -> memref<16x128xf32, #tpu.memory_space<vmem>>
      %dma_start3A_127 = arith.constant 0 : i32
      %dma_start3A_128 = arith.constant 0 : i32
      %dma_start3A_129 = tpu.memref_slice %arg11[%dma_start3A_127, %dma_start3A_128] : memref<10112x128xf32, #tpu.memory_space<vmem_shared>> -> memref<10112x128xf32, #tpu.memory_space<vmem_shared>>
      tpu.enqueue_indirect_dma source(%dma_start3A_126 : memref<16x128xf32, #tpu.memory_space<vmem>>) target(%dma_start3A_129 : memref<10112x128xf32, #tpu.memory_space<vmem_shared>>) offsets(%get3A_123 : vector<16xi32>) semaphore(%arg14 : memref<!tpu.dma_semaphore, #tpu.memory_space<semaphore_mem>>) {add = true}
      %mul3A_130 = arith.constant 80 : i32
      %mul3A_131 = arith.muli %mul3A_103, %mul3A_130 : i32
      %add3A_132 = arith.constant 16 : i32
      %add3A_133 = arith.addi %mul3A_131, %add3A_132 : i32
      %get3A_134 = arith.index_cast %add3A_133 : i32 to index
      %get3A_135 = tpu.vector_load %arg8[%get3A_134] {strides = array<i32>} : memref<10000xi32, #tpu.memory_space<vmem>>, vector<16xi32>,
      %get3A_136 = vector.shape_cast %get3A_135 : vector<16xi32> to vector<16xi32>
      %dma_start3A_137 = arith.constant 16 : i32
      %dma_start3A_138 = arith.constant 0 : i32
      %dma_start3A_139 = tpu.memref_slice %arg9[%dma_start3A_137, %dma_start3A_138] : memref<80x128xf32, #tpu.memory_space<vmem>> -> memref<16x128xf32, #tpu.memory_space<vmem>>
      %dma_start3A_140 = arith.constant 0 : i32
      %dma_start3A_141 = arith.constant 0 : i32
      %dma_start3A_142 = tpu.memref_slice %arg11[%dma_start3A_140, %dma_start3A_141] : memref<10112x128xf32, #tpu.memory_space<vmem_shared>> -> memref<10112x128xf32, #tpu.memory_space<vmem_shared>>
      tpu.enqueue_indirect_dma source(%dma_start3A_139 : memref<16x128xf32, #tpu.memory_space<vmem>>) target(%dma_start3A_142 : memref<10112x128xf32, #tpu.memory_space<vmem_shared>>) offsets(%get3A_136 : vector<16xi32>) semaphore(%arg14 : memref<!tpu.dma_semaphore, #tpu.memory_space<semaphore_mem>>) {add = true}
      %mul3A_143 = arith.constant 80 : i32
      %mul3A_144 = arith.muli %mul3A_103, %mul3A_143 : i32
      %add3A_145 = arith.constant 32 : i32
      %add3A_146 = arith.addi %mul3A_144, %add3A_145 : i32
      %get3A_147 = arith.index_cast %add3A_146 : i32 to index
      %get3A_148 = tpu.vector_load %arg8[%get3A_147] {strides = array<i32>} : memref<10000xi32, #tpu.memory_space<vmem>>, vector<16xi32>,
      %get3A_149 = vector.shape_cast %get3A_148 : vector<16xi32> to vector<16xi32>
      %dma_start3A_150 = arith.constant 32 : i32
      %dma_start3A_151 = arith.constant 0 : i32
      %dma_start3A_152 = tpu.memref_slice %arg9[%dma_start3A_150, %dma_start3A_151] : memref<80x128xf32, #tpu.memory_space<vmem>> -> memref<16x128xf32, #tpu.memory_space<vmem>>
      %dma_start3A_153 = arith.constant 0 : i32
      %dma_start3A_154 = arith.constant 0 : i32
      %dma_start3A_155 = tpu.memref_slice %arg11[%dma_start3A_153, %dma_start3A_154] : memref<10112x128xf32, #tpu.memory_space<vmem_shared>> -> memref<10112x128xf32, #tpu.memory_space<vmem_shared>>
      tpu.enqueue_indirect_dma source(%dma_start3A_152 : memref<16x128xf32, #tpu.memory_space<vmem>>) target(%dma_start3A_155 : memref<10112x128xf32, #tpu.memory_space<vmem_shared>>) offsets(%get3A_149 : vector<16xi32>) semaphore(%arg14 : memref<!tpu.dma_semaphore, #tpu.memory_space<semaphore_mem>>) {add = true}
      %mul3A_156 = arith.constant 80 : i32
      %mul3A_157 = arith.muli %mul3A_103, %mul3A_156 : i32
      %add3A_158 = arith.constant 48 : i32
      %add3A_159 = arith.addi %mul3A_157, %add3A_158 : i32
      %get3A_160 = arith.index_cast %add3A_159 : i32 to index
      %get3A_161 = tpu.vector_load %arg8[%get3A_160] {strides = array<i32>} : memref<10000xi32, #tpu.memory_space<vmem>>, vector<16xi32>,
      %get3A_162 = vector.shape_cast %get3A_161 : vector<16xi32> to vector<16xi32>
      %dma_start3A_163 = arith.constant 48 : i32
      %dma_start3A_164 = arith.constant 0 : i32
      %dma_start3A_165 = tpu.memref_slice %arg9[%dma_start3A_163, %dma_start3A_164] : memref<80x128xf32, #tpu.memory_space<vmem>> -> memref<16x128xf32, #tpu.memory_space<vmem>>
      %dma_start3A_166 = arith.constant 0 : i32
      %dma_start3A_167 = arith.constant 0 : i32
      %dma_start3A_168 = tpu.memref_slice %arg11[%dma_start3A_166, %dma_start3A_167] : memref<10112x128xf32, #tpu.memory_space<vmem_shared>> -> memref<10112x128xf32, #tpu.memory_space<vmem_shared>>
      tpu.enqueue_indirect_dma source(%dma_start3A_165 : memref<16x128xf32, #tpu.memory_space<vmem>>) target(%dma_start3A_168 : memref<10112x128xf32, #tpu.memory_space<vmem_shared>>) offsets(%get3A_162 : vector<16xi32>) semaphore(%arg14 : memref<!tpu.dma_semaphore, #tpu.memory_space<semaphore_mem>>) {add = true}
      %mul3A_169 = arith.constant 80 : i32
      %mul3A_170 = arith.muli %mul3A_103, %mul3A_169 : i32
      %add3A_171 = arith.constant 64 : i32
      %add3A_172 = arith.addi %mul3A_170, %add3A_171 : i32
      %get3A_173 = arith.index_cast %add3A_172 : i32 to index
      %get3A_174 = tpu.vector_load %arg8[%get3A_173] {strides = array<i32>} : memref<10000xi32, #tpu.memory_space<vmem>>, vector<16xi32>,
      %get3A_175 = vector.shape_cast %get3A_174 : vector<16xi32> to vector<16xi32>
      %dma_start3A_176 = arith.constant 64 : i32
      %dma_start3A_177 = arith.constant 0 : i32
      %dma_start3A_178 = tpu.memref_slice %arg9[%dma_start3A_176, %dma_start3A_177] : memref<80x128xf32, #tpu.memory_space<vmem>> -> memref<16x128xf32, #tpu.memory_space<vmem>>
      %dma_start3A_179 = arith.constant 0 : i32
      %dma_start3A_180 = arith.constant 0 : i32
      %dma_start3A_181 = tpu.memref_slice %arg11[%dma_start3A_179, %dma_start3A_180] : memref<10112x128xf32, #tpu.memory_space<vmem_shared>> -> memref<10112x128xf32, #tpu.memory_space<vmem_shared>>
      tpu.enqueue_indirect_dma source(%dma_start3A_178 : memref<16x128xf32, #tpu.memory_space<vmem>>) target(%dma_start3A_181 : memref<10112x128xf32, #tpu.memory_space<vmem_shared>>) offsets(%get3A_175 : vector<16xi32>) semaphore(%arg14 : memref<!tpu.dma_semaphore, #tpu.memory_space<semaphore_mem>>) {add = true}
      %dma_wait3A_182 = arith.constant 0 : i32
      %dma_wait3A_183 = arith.constant 0 : i32
      %dma_wait3A_184 = tpu.memref_slice %arg9[%dma_wait3A_182, %dma_wait3A_183] : memref<80x128xf32, #tpu.memory_space<vmem>> -> memref<16x128xf32, #tpu.memory_space<vmem>>
      %dma_wait3A_185 = arith.constant 0 : i32
      %dma_wait3A_186 = arith.constant 0 : i32
      %dma_wait3A_187 = tpu.memref_slice %arg11[%dma_wait3A_185, %dma_wait3A_186] : memref<10112x128xf32, #tpu.memory_space<vmem_shared>> -> memref<10112x128xf32, #tpu.memory_space<vmem_shared>>
      tpu.wait_indirect_dma semaphore(%arg14 : memref<!tpu.dma_semaphore, #tpu.memory_space<semaphore_mem>>) src(%dma_wait3A_184 : memref<16x128xf32, #tpu.memory_space<vmem>>) dst(%dma_wait3A_187 : memref<10112x128xf32, #tpu.memory_space<vmem_shared>>)
      %dma_wait3A_188 = arith.constant 16 : i32
      %dma_wait3A_189 = arith.constant 0 : i32
      %dma_wait3A_190 = tpu.memref_slice %arg9[%dma_wait3A_188, %dma_wait3A_189] : memref<80x128xf32, #tpu.memory_space<vmem>> -> memref<16x128xf32, #tpu.memory_space<vmem>>
      %dma_wait3A_191 = arith.constant 0 : i32
      %dma_wait3A_192 = arith.constant 0 : i32
      %dma_wait3A_193 = tpu.memref_slice %arg11[%dma_wait3A_191, %dma_wait3A_192] : memref<10112x128xf32, #tpu.memory_space<vmem_shared>> -> memref<10112x128xf32, #tpu.memory_space<vmem_shared>>
      tpu.wait_indirect_dma semaphore(%arg14 : memref<!tpu.dma_semaphore, #tpu.memory_space<semaphore_mem>>) src(%dma_wait3A_190 : memref<16x128xf32, #tpu.memory_space<vmem>>) dst(%dma_wait3A_193 : memref<10112x128xf32, #tpu.memory_space<vmem_shared>>)
      %dma_wait3A_194 = arith.constant 32 : i32
      %dma_wait3A_195 = arith.constant 0 : i32
      %dma_wait3A_196 = tpu.memref_slice %arg9[%dma_wait3A_194, %dma_wait3A_195] : memref<80x128xf32, #tpu.memory_space<vmem>> -> memref<16x128xf32, #tpu.memory_space<vmem>>
      %dma_wait3A_197 = arith.constant 0 : i32
      %dma_wait3A_198 = arith.constant 0 : i32
      %dma_wait3A_199 = tpu.memref_slice %arg11[%dma_wait3A_197, %dma_wait3A_198] : memref<10112x128xf32, #tpu.memory_space<vmem_shared>> -> memref<10112x128xf32, #tpu.memory_space<vmem_shared>>
      tpu.wait_indirect_dma semaphore(%arg14 : memref<!tpu.dma_semaphore, #tpu.memory_space<semaphore_mem>>) src(%dma_wait3A_196 : memref<16x128xf32, #tpu.memory_space<vmem>>) dst(%dma_wait3A_199 : memref<10112x128xf32, #tpu.memory_space<vmem_shared>>)
      %dma_wait3A_200 = arith.constant 48 : i32
      %dma_wait3A_201 = arith.constant 0 : i32
      %dma_wait3A_202 = tpu.memref_slice %arg9[%dma_wait3A_200, %dma_wait3A_201] : memref<80x128xf32, #tpu.memory_space<vmem>> -> memref<16x128xf32, #tpu.memory_space<vmem>>
      %dma_wait3A_203 = arith.constant 0 : i32
      %dma_wait3A_204 = arith.constant 0 : i32
      %dma_wait3A_205 = tpu.memref_slice %arg11[%dma_wait3A_203, %dma_wait3A_204] : memref<10112x128xf32, #tpu.memory_space<vmem_shared>> -> memref<10112x128xf32, #tpu.memory_space<vmem_shared>>
      tpu.wait_indirect_dma semaphore(%arg14 : memref<!tpu.dma_semaphore, #tpu.memory_space<semaphore_mem>>) src(%dma_wait3A_202 : memref<16x128xf32, #tpu.memory_space<vmem>>) dst(%dma_wait3A_205 : memref<10112x128xf32, #tpu.memory_space<vmem_shared>>)
      %dma_wait3A_206 = arith.constant 64 : i32
      %dma_wait3A_207 = arith.constant 0 : i32
      %dma_wait3A_208 = tpu.memref_slice %arg9[%dma_wait3A_206, %dma_wait3A_207] : memref<80x128xf32, #tpu.memory_space<vmem>> -> memref<16x128xf32, #tpu.memory_space<vmem>>
      %dma_wait3A_209 = arith.constant 0 : i32
      %dma_wait3A_210 = arith.constant 0 : i32
      %dma_wait3A_211 = tpu.memref_slice %arg11[%dma_wait3A_209, %dma_wait3A_210] : memref<10112x128xf32, #tpu.memory_space<vmem_shared>> -> memref<10112x128xf32, #tpu.memory_space<vmem_shared>>
      tpu.wait_indirect_dma semaphore(%arg14 : memref<!tpu.dma_semaphore, #tpu.memory_space<semaphore_mem>>) src(%dma_wait3A_208 : memref<16x128xf32, #tpu.memory_space<vmem>>) dst(%dma_wait3A_211 : memref<10112x128xf32, #tpu.memory_space<vmem_shared>>)
      %add3A_212 = arith.constant 2 : i32
      %add3A_213 = arith.addi %mul3A_103, %add3A_212 : i32
      %mul3A_214 = arith.constant 80 : i32
      %mul3A_215 = arith.muli %add3A_213, %mul3A_214 : i32
      %dma_start3A_216 = tpu.memref_slice %arg7[%mul3A_215] : memref<10000xi32, #tpu.memory_space<vmem>> -> memref<80xi32, #tpu.memory_space<vmem>>
      %dma_start3A_217 = arith.constant 0 : i32
      %dma_start3A_218 = arith.constant 0 : i32
      %dma_start3A_219 = tpu.memref_slice %arg2[%dma_start3A_217, %dma_start3A_218] : memref<20000x128xf32, #tpu.memory_space<hbm>> -> memref<20000x128xf32, #tpu.memory_space<hbm>>
      tpu.enqueue_indirect_dma source(%dma_start3A_219 : memref<20000x128xf32, #tpu.memory_space<hbm>>) target(%arg9 : memref<80x128xf32, #tpu.memory_space<vmem>>) offsets(%dma_start3A_216 : memref<80xi32, #tpu.memory_space<vmem>>) semaphore(%arg12 : memref<!tpu.dma_semaphore, #tpu.memory_space<semaphore_mem>>)
      %dma_wait3A_220 = arith.constant 0 : i32
      %dma_wait3A_221 = arith.constant 0 : i32
      %dma_wait3A_222 = tpu.memref_slice %arg5[%dma_wait3A_220, %dma_wait3A_221] : memref<10112x128xf32, #tpu.memory_space<hbm>> -> memref<80x128xf32, #tpu.memory_space<hbm>>
      %dma_wait3A_223 = arith.constant 0 : i32
      %dma_wait3A_224 = arith.constant 0 : i32
      %dma_wait3A_225 = tpu.memref_slice %arg5[%dma_wait3A_223, %dma_wait3A_224] : memref<10112x128xf32, #tpu.memory_space<hbm>> -> memref<80x128xf32, #tpu.memory_space<hbm>>
      tpu.wait_dma2 semaphore(%arg13 : memref<!tpu.dma_semaphore, #tpu.memory_space<semaphore_mem>>) src(%dma_wait3A_225 : memref<80x128xf32, #tpu.memory_space<hbm>>) dst(%arg10 : memref<80x128xf32, #tpu.memory_space<vmem>>)
      %add3A_226 = arith.constant 1 : i32
      %add3A_227 = arith.addi %mul3A_103, %add3A_226 : i32
      %mul3A_228 = arith.constant 80 : i32
      %mul3A_229 = arith.muli %add3A_227, %mul3A_228 : i32
      %add3A_230 = arith.constant 0 : i32
      %add3A_231 = arith.addi %mul3A_229, %add3A_230 : i32
      %get3A_232 = arith.index_cast %add3A_231 : i32 to index
      %get3A_233 = tpu.vector_load %arg8[%get3A_232] {strides = array<i32>} : memref<10000xi32, #tpu.memory_space<vmem>>, vector<16xi32>,
      %get3A_234 = vector.shape_cast %get3A_233 : vector<16xi32> to vector<16xi32>
      %dma_start3A_235 = arith.constant 0 : i32
      %dma_start3A_236 = arith.constant 0 : i32
      %dma_start3A_237 = tpu.memref_slice %arg10[%dma_start3A_235, %dma_start3A_236] : memref<80x128xf32, #tpu.memory_space<vmem>> -> memref<16x128xf32, #tpu.memory_space<vmem>>
      %dma_start3A_238 = arith.constant 0 : i32
      %dma_start3A_239 = arith.constant 0 : i32
      %dma_start3A_240 = tpu.memref_slice %arg11[%dma_start3A_238, %dma_start3A_239] : memref<10112x128xf32, #tpu.memory_space<vmem_shared>> -> memref<10112x128xf32, #tpu.memory_space<vmem_shared>>
      tpu.enqueue_indirect_dma source(%dma_start3A_237 : memref<16x128xf32, #tpu.memory_space<vmem>>) target(%dma_start3A_240 : memref<10112x128xf32, #tpu.memory_space<vmem_shared>>) offsets(%get3A_234 : vector<16xi32>) semaphore(%arg15 : memref<!tpu.dma_semaphore, #tpu.memory_space<semaphore_mem>>) {add = true}
      %mul3A_241 = arith.constant 80 : i32
      %mul3A_242 = arith.muli %add3A_227, %mul3A_241 : i32
      %add3A_243 = arith.constant 16 : i32
      %add3A_244 = arith.addi %mul3A_242, %add3A_243 : i32
      %get3A_245 = arith.index_cast %add3A_244 : i32 to index
      %get3A_246 = tpu.vector_load %arg8[%get3A_245] {strides = array<i32>} : memref<10000xi32, #tpu.memory_space<vmem>>, vector<16xi32>,
      %get3A_247 = vector.shape_cast %get3A_246 : vector<16xi32> to vector<16xi32>
      %dma_start3A_248 = arith.constant 16 : i32
      %dma_start3A_249 = arith.constant 0 : i32
      %dma_start3A_250 = tpu.memref_slice %arg10[%dma_start3A_248, %dma_start3A_249] : memref<80x128xf32, #tpu.memory_space<vmem>> -> memref<16x128xf32, #tpu.memory_space<vmem>>
      %dma_start3A_251 = arith.constant 0 : i32
      %dma_start3A_252 = arith.constant 0 : i32
      %dma_start3A_253 = tpu.memref_slice %arg11[%dma_start3A_251, %dma_start3A_252] : memref<10112x128xf32, #tpu.memory_space<vmem_shared>> -> memref<10112x128xf32, #tpu.memory_space<vmem_shared>>
      tpu.enqueue_indirect_dma source(%dma_start3A_250 : memref<16x128xf32, #tpu.memory_space<vmem>>) target(%dma_start3A_253 : memref<10112x128xf32, #tpu.memory_space<vmem_shared>>) offsets(%get3A_247 : vector<16xi32>) semaphore(%arg15 : memref<!tpu.dma_semaphore, #tpu.memory_space<semaphore_mem>>) {add = true}
      %mul3A_254 = arith.constant 80 : i32
      %mul3A_255 = arith.muli %add3A_227, %mul3A_254 : i32
      %add3A_256 = arith.constant 32 : i32
      %add3A_257 = arith.addi %mul3A_255, %add3A_256 : i32
      %get3A_258 = arith.index_cast %add3A_257 : i32 to index
      %get3A_259 = tpu.vector_load %arg8[%get3A_258] {strides = array<i32>} : memref<10000xi32, #tpu.memory_space<vmem>>, vector<16xi32>,
      %get3A_260 = vector.shape_cast %get3A_259 : vector<16xi32> to vector<16xi32>
      %dma_start3A_261 = arith.constant 32 : i32
      %dma_start3A_262 = arith.constant 0 : i32
      %dma_start3A_263 = tpu.memref_slice %arg10[%dma_start3A_261, %dma_start3A_262] : memref<80x128xf32, #tpu.memory_space<vmem>> -> memref<16x128xf32, #tpu.memory_space<vmem>>
      %dma_start3A_264 = arith.constant 0 : i32
      %dma_start3A_265 = arith.constant 0 : i32
      %dma_start3A_266 = tpu.memref_slice %arg11[%dma_start3A_264, %dma_start3A_265] : memref<10112x128xf32, #tpu.memory_space<vmem_shared>> -> memref<10112x128xf32, #tpu.memory_space<vmem_shared>>
      tpu.enqueue_indirect_dma source(%dma_start3A_263 : memref<16x128xf32, #tpu.memory_space<vmem>>) target(%dma_start3A_266 : memref<10112x128xf32, #tpu.memory_space<vmem_shared>>) offsets(%get3A_260 : vector<16xi32>) semaphore(%arg15 : memref<!tpu.dma_semaphore, #tpu.memory_space<semaphore_mem>>) {add = true}
      %mul3A_267 = arith.constant 80 : i32
      %mul3A_268 = arith.muli %add3A_227, %mul3A_267 : i32
      %add3A_269 = arith.constant 48 : i32
      %add3A_270 = arith.addi %mul3A_268, %add3A_269 : i32
      %get3A_271 = arith.index_cast %add3A_270 : i32 to index
      %get3A_272 = tpu.vector_load %arg8[%get3A_271] {strides = array<i32>} : memref<10000xi32, #tpu.memory_space<vmem>>, vector<16xi32>,
      %get3A_273 = vector.shape_cast %get3A_272 : vector<16xi32> to vector<16xi32>
      %dma_start3A_274 = arith.constant 48 : i32
      %dma_start3A_275 = arith.constant 0 : i32
      %dma_start3A_276 = tpu.memref_slice %arg10[%dma_start3A_274, %dma_start3A_275] : memref<80x128xf32, #tpu.memory_space<vmem>> -> memref<16x128xf32, #tpu.memory_space<vmem>>
      %dma_start3A_277 = arith.constant 0 : i32
      %dma_start3A_278 = arith.constant 0 : i32
      %dma_start3A_279 = tpu.memref_slice %arg11[%dma_start3A_277, %dma_start3A_278] : memref<10112x128xf32, #tpu.memory_space<vmem_shared>> -> memref<10112x128xf32, #tpu.memory_space<vmem_shared>>
      tpu.enqueue_indirect_dma source(%dma_start3A_276 : memref<16x128xf32, #tpu.memory_space<vmem>>) target(%dma_start3A_279 : memref<10112x128xf32, #tpu.memory_space<vmem_shared>>) offsets(%get3A_273 : vector<16xi32>) semaphore(%arg15 : memref<!tpu.dma_semaphore, #tpu.memory_space<semaphore_mem>>) {add = true}
      %mul3A_280 = arith.constant 80 : i32
      %mul3A_281 = arith.muli %add3A_227, %mul3A_280 : i32
      %add3A_282 = arith.constant 64 : i32
      %add3A_283 = arith.addi %mul3A_281, %add3A_282 : i32
      %get3A_284 = arith.index_cast %add3A_283 : i32 to index
      %get3A_285 = tpu.vector_load %arg8[%get3A_284] {strides = array<i32>} : memref<10000xi32, #tpu.memory_space<vmem>>, vector<16xi32>,
      %get3A_286 = vector.shape_cast %get3A_285 : vector<16xi32> to vector<16xi32>
      %dma_start3A_287 = arith.constant 64 : i32
      %dma_start3A_288 = arith.constant 0 : i32
      %dma_start3A_289 = tpu.memref_slice %arg10[%dma_start3A_287, %dma_start3A_288] : memref<80x128xf32, #tpu.memory_space<vmem>> -> memref<16x128xf32, #tpu.memory_space<vmem>>
      %dma_start3A_290 = arith.constant 0 : i32
      %dma_start3A_291 = arith.constant 0 : i32
      %dma_start3A_292 = tpu.memref_slice %arg11[%dma_start3A_290, %dma_start3A_291] : memref<10112x128xf32, #tpu.memory_space<vmem_shared>> -> memref<10112x128xf32, #tpu.memory_space<vmem_shared>>
      tpu.enqueue_indirect_dma source(%dma_start3A_289 : memref<16x128xf32, #tpu.memory_space<vmem>>) target(%dma_start3A_292 : memref<10112x128xf32, #tpu.memory_space<vmem_shared>>) offsets(%get3A_286 : vector<16xi32>) semaphore(%arg15 : memref<!tpu.dma_semaphore, #tpu.memory_space<semaphore_mem>>) {add = true}
      %dma_wait3A_293 = arith.constant 0 : i32
      %dma_wait3A_294 = arith.constant 0 : i32
      %dma_wait3A_295 = tpu.memref_slice %arg10[%dma_wait3A_293, %dma_wait3A_294] : memref<80x128xf32, #tpu.memory_space<vmem>> -> memref<16x128xf32, #tpu.memory_space<vmem>>
      %dma_wait3A_296 = arith.constant 0 : i32
      %dma_wait3A_297 = arith.constant 0 : i32
      %dma_wait3A_298 = tpu.memref_slice %arg11[%dma_wait3A_296, %dma_wait3A_297] : memref<10112x128xf32, #tpu.memory_space<vmem_shared>> -> memref<10112x128xf32, #tpu.memory_space<vmem_shared>>
      tpu.wait_indirect_dma semaphore(%arg15 : memref<!tpu.dma_semaphore, #tpu.memory_space<semaphore_mem>>) src(%dma_wait3A_295 : memref<16x128xf32, #tpu.memory_space<vmem>>) dst(%dma_wait3A_298 : memref<10112x128xf32, #tpu.memory_space<vmem_shared>>)
      %dma_wait3A_299 = arith.constant 16 : i32
      %dma_wait3A_300 = arith.constant 0 : i32
      %dma_wait3A_301 = tpu.memref_slice %arg10[%dma_wait3A_299, %dma_wait3A_300] : memref<80x128xf32, #tpu.memory_space<vmem>> -> memref<16x128xf32, #tpu.memory_space<vmem>>
      %dma_wait3A_302 = arith.constant 0 : i32
      %dma_wait3A_303 = arith.constant 0 : i32
      %dma_wait3A_304 = tpu.memref_slice %arg11[%dma_wait3A_302, %dma_wait3A_303] : memref<10112x128xf32, #tpu.memory_space<vmem_shared>> -> memref<10112x128xf32, #tpu.memory_space<vmem_shared>>
      tpu.wait_indirect_dma semaphore(%arg15 : memref<!tpu.dma_semaphore, #tpu.memory_space<semaphore_mem>>) src(%dma_wait3A_301 : memref<16x128xf32, #tpu.memory_space<vmem>>) dst(%dma_wait3A_304 : memref<10112x128xf32, #tpu.memory_space<vmem_shared>>)
      %dma_wait3A_305 = arith.constant 32 : i32
      %dma_wait3A_306 = arith.constant 0 : i32
      %dma_wait3A_307 = tpu.memref_slice %arg10[%dma_wait3A_305, %dma_wait3A_306] : memref<80x128xf32, #tpu.memory_space<vmem>> -> memref<16x128xf32, #tpu.memory_space<vmem>>
      %dma_wait3A_308 = arith.constant 0 : i32
      %dma_wait3A_309 = arith.constant 0 : i32
      %dma_wait3A_310 = tpu.memref_slice %arg11[%dma_wait3A_308, %dma_wait3A_309] : memref<10112x128xf32, #tpu.memory_space<vmem_shared>> -> memref<10112x128xf32, #tpu.memory_space<vmem_shared>>
      tpu.wait_indirect_dma semaphore(%arg15 : memref<!tpu.dma_semaphore, #tpu.memory_space<semaphore_mem>>) src(%dma_wait3A_307 : memref<16x128xf32, #tpu.memory_space<vmem>>) dst(%dma_wait3A_310 : memref<10112x128xf32, #tpu.memory_space<vmem_shared>>)
      %dma_wait3A_311 = arith.constant 48 : i32
      %dma_wait3A_312 = arith.constant 0 : i32
      %dma_wait3A_313 = tpu.memref_slice %arg10[%dma_wait3A_311, %dma_wait3A_312] : memref<80x128xf32, #tpu.memory_space<vmem>> -> memref<16x128xf32, #tpu.memory_space<vmem>>
      %dma_wait3A_314 = arith.constant 0 : i32
      %dma_wait3A_315 = arith.constant 0 : i32
      %dma_wait3A_316 = tpu.memref_slice %arg11[%dma_wait3A_314, %dma_wait3A_315] : memref<10112x128xf32, #tpu.memory_space<vmem_shared>> -> memref<10112x128xf32, #tpu.memory_space<vmem_shared>>
      tpu.wait_indirect_dma semaphore(%arg15 : memref<!tpu.dma_semaphore, #tpu.memory_space<semaphore_mem>>) src(%dma_wait3A_313 : memref<16x128xf32, #tpu.memory_space<vmem>>) dst(%dma_wait3A_316 : memref<10112x128xf32, #tpu.memory_space<vmem_shared>>)
      %dma_wait3A_317 = arith.constant 64 : i32
      %dma_wait3A_318 = arith.constant 0 : i32
      %dma_wait3A_319 = tpu.memref_slice %arg10[%dma_wait3A_317, %dma_wait3A_318] : memref<80x128xf32, #tpu.memory_space<vmem>> -> memref<16x128xf32, #tpu.memory_space<vmem>>
      %dma_wait3A_320 = arith.constant 0 : i32
      %dma_wait3A_321 = arith.constant 0 : i32
      %dma_wait3A_322 = tpu.memref_slice %arg11[%dma_wait3A_320, %dma_wait3A_321] : memref<10112x128xf32, #tpu.memory_space<vmem_shared>> -> memref<10112x128xf32, #tpu.memory_space<vmem_shared>>
      tpu.wait_indirect_dma semaphore(%arg15 : memref<!tpu.dma_semaphore, #tpu.memory_space<semaphore_mem>>) src(%dma_wait3A_319 : memref<16x128xf32, #tpu.memory_space<vmem>>) dst(%dma_wait3A_322 : memref<10112x128xf32, #tpu.memory_space<vmem_shared>>)
      %scan3A_323 = arith.constant 0 : i32
      scf.yield %scan3A_323 : i32
    }
    %scan3A_19 = arith.constant 62 : i32
    %dma_wait3A = arith.constant 0 : i32
    %dma_wait3A_20 = arith.constant 0 : i32
    %dma_wait3A_21 = tpu.memref_slice %arg5[%dma_wait3A, %dma_wait3A_20] : memref<10112x128xf32, #tpu.memory_space<hbm>> -> memref<80x128xf32, #tpu.memory_space<hbm>>
    %dma_wait3A_22 = arith.constant 0 : i32
    %dma_wait3A_23 = arith.constant 0 : i32
    %dma_wait3A_24 = tpu.memref_slice %arg5[%dma_wait3A_22, %dma_wait3A_23] : memref<10112x128xf32, #tpu.memory_space<hbm>> -> memref<80x128xf32, #tpu.memory_space<hbm>>
    tpu.wait_dma2 semaphore(%arg12 : memref<!tpu.dma_semaphore, #tpu.memory_space<semaphore_mem>>) src(%dma_wait3A_24 : memref<80x128xf32, #tpu.memory_space<hbm>>) dst(%arg9 : memref<80x128xf32, #tpu.memory_space<vmem>>)
    %get3A = arith.constant 9920 : index
    %get3A_25 = tpu.vector_load %arg8[%get3A] {strides = array<i32>} : memref<10000xi32, #tpu.memory_space<vmem>>, vector<16xi32>,
    %get3A_26 = vector.shape_cast %get3A_25 : vector<16xi32> to vector<16xi32>
    %dma_start3A_27 = arith.constant 0 : i32
    %dma_start3A_28 = arith.constant 0 : i32
    %dma_start3A_29 = tpu.memref_slice %arg9[%dma_start3A_27, %dma_start3A_28] : memref<80x128xf32, #tpu.memory_space<vmem>> -> memref<16x128xf32, #tpu.memory_space<vmem>>
    %dma_start3A_30 = arith.constant 0 : i32
    %dma_start3A_31 = arith.constant 0 : i32
    %dma_start3A_32 = tpu.memref_slice %arg11[%dma_start3A_30, %dma_start3A_31] : memref<10112x128xf32, #tpu.memory_space<vmem_shared>> -> memref<10112x128xf32, #tpu.memory_space<vmem_shared>>
    tpu.enqueue_indirect_dma source(%dma_start3A_29 : memref<16x128xf32, #tpu.memory_space<vmem>>) target(%dma_start3A_32 : memref<10112x128xf32, #tpu.memory_space<vmem_shared>>) offsets(%get3A_26 : vector<16xi32>) semaphore(%arg14 : memref<!tpu.dma_semaphore, #tpu.memory_space<semaphore_mem>>) {add = true}
    %get3A_33 = arith.constant 9936 : index
    %get3A_34 = tpu.vector_load %arg8[%get3A_33] {strides = array<i32>} : memref<10000xi32, #tpu.memory_space<vmem>>, vector<16xi32>,
    %get3A_35 = vector.shape_cast %get3A_34 : vector<16xi32> to vector<16xi32>
    %dma_start3A_36 = arith.constant 16 : i32
    %dma_start3A_37 = arith.constant 0 : i32
    %dma_start3A_38 = tpu.memref_slice %arg9[%dma_start3A_36, %dma_start3A_37] : memref<80x128xf32, #tpu.memory_space<vmem>> -> memref<16x128xf32, #tpu.memory_space<vmem>>
    %dma_start3A_39 = arith.constant 0 : i32
    %dma_start3A_40 = arith.constant 0 : i32
    %dma_start3A_41 = tpu.memref_slice %arg11[%dma_start3A_39, %dma_start3A_40] : memref<10112x128xf32, #tpu.memory_space<vmem_shared>> -> memref<10112x128xf32, #tpu.memory_space<vmem_shared>>
    tpu.enqueue_indirect_dma source(%dma_start3A_38 : memref<16x128xf32, #tpu.memory_space<vmem>>) target(%dma_start3A_41 : memref<10112x128xf32, #tpu.memory_space<vmem_shared>>) offsets(%get3A_35 : vector<16xi32>) semaphore(%arg14 : memref<!tpu.dma_semaphore, #tpu.memory_space<semaphore_mem>>) {add = true}
    %get3A_42 = arith.constant 9952 : index
    %get3A_43 = tpu.vector_load %arg8[%get3A_42] {strides = array<i32>} : memref<10000xi32, #tpu.memory_space<vmem>>, vector<16xi32>,
    %get3A_44 = vector.shape_cast %get3A_43 : vector<16xi32> to vector<16xi32>
    %dma_start3A_45 = arith.constant 32 : i32
    %dma_start3A_46 = arith.constant 0 : i32
    %dma_start3A_47 = tpu.memref_slice %arg9[%dma_start3A_45, %dma_start3A_46] : memref<80x128xf32, #tpu.memory_space<vmem>> -> memref<16x128xf32, #tpu.memory_space<vmem>>
    %dma_start3A_48 = arith.constant 0 : i32
    %dma_start3A_49 = arith.constant 0 : i32
    %dma_start3A_50 = tpu.memref_slice %arg11[%dma_start3A_48, %dma_start3A_49] : memref<10112x128xf32, #tpu.memory_space<vmem_shared>> -> memref<10112x128xf32, #tpu.memory_space<vmem_shared>>
    tpu.enqueue_indirect_dma source(%dma_start3A_47 : memref<16x128xf32, #tpu.memory_space<vmem>>) target(%dma_start3A_50 : memref<10112x128xf32, #tpu.memory_space<vmem_shared>>) offsets(%get3A_44 : vector<16xi32>) semaphore(%arg14 : memref<!tpu.dma_semaphore, #tpu.memory_space<semaphore_mem>>) {add = true}
    %get3A_51 = arith.constant 9968 : index
    %get3A_52 = tpu.vector_load %arg8[%get3A_51] {strides = array<i32>} : memref<10000xi32, #tpu.memory_space<vmem>>, vector<16xi32>,
    %get3A_53 = vector.shape_cast %get3A_52 : vector<16xi32> to vector<16xi32>
    %dma_start3A_54 = arith.constant 48 : i32
    %dma_start3A_55 = arith.constant 0 : i32
    %dma_start3A_56 = tpu.memref_slice %arg9[%dma_start3A_54, %dma_start3A_55] : memref<80x128xf32, #tpu.memory_space<vmem>> -> memref<16x128xf32, #tpu.memory_space<vmem>>
    %dma_start3A_57 = arith.constant 0 : i32
    %dma_start3A_58 = arith.constant 0 : i32
    %dma_start3A_59 = tpu.memref_slice %arg11[%dma_start3A_57, %dma_start3A_58] : memref<10112x128xf32, #tpu.memory_space<vmem_shared>> -> memref<10112x128xf32, #tpu.memory_space<vmem_shared>>
    tpu.enqueue_indirect_dma source(%dma_start3A_56 : memref<16x128xf32, #tpu.memory_space<vmem>>) target(%dma_start3A_59 : memref<10112x128xf32, #tpu.memory_space<vmem_shared>>) offsets(%get3A_53 : vector<16xi32>) semaphore(%arg14 : memref<!tpu.dma_semaphore, #tpu.memory_space<semaphore_mem>>) {add = true}
    %get3A_60 = arith.constant 9984 : index
    %get3A_61 = tpu.vector_load %arg8[%get3A_60] {strides = array<i32>} : memref<10000xi32, #tpu.memory_space<vmem>>, vector<16xi32>,
    %get3A_62 = vector.shape_cast %get3A_61 : vector<16xi32> to vector<16xi32>
    %dma_start3A_63 = arith.constant 64 : i32
    %dma_start3A_64 = arith.constant 0 : i32
    %dma_start3A_65 = tpu.memref_slice %arg9[%dma_start3A_63, %dma_start3A_64] : memref<80x128xf32, #tpu.memory_space<vmem>> -> memref<16x128xf32, #tpu.memory_space<vmem>>
    %dma_start3A_66 = arith.constant 0 : i32
    %dma_start3A_67 = arith.constant 0 : i32
    %dma_start3A_68 = tpu.memref_slice %arg11[%dma_start3A_66, %dma_start3A_67] : memref<10112x128xf32, #tpu.memory_space<vmem_shared>> -> memref<10112x128xf32, #tpu.memory_space<vmem_shared>>
    tpu.enqueue_indirect_dma source(%dma_start3A_65 : memref<16x128xf32, #tpu.memory_space<vmem>>) target(%dma_start3A_68 : memref<10112x128xf32, #tpu.memory_space<vmem_shared>>) offsets(%get3A_62 : vector<16xi32>) semaphore(%arg14 : memref<!tpu.dma_semaphore, #tpu.memory_space<semaphore_mem>>) {add = true}
    %dma_wait3A_69 = arith.constant 0 : i32
    %dma_wait3A_70 = arith.constant 0 : i32
    %dma_wait3A_71 = tpu.memref_slice %arg9[%dma_wait3A_69, %dma_wait3A_70] : memref<80x128xf32, #tpu.memory_space<vmem>> -> memref<16x128xf32, #tpu.memory_space<vmem>>
    %dma_wait3A_72 = arith.constant 0 : i32
    %dma_wait3A_73 = arith.constant 0 : i32
    %dma_wait3A_74 = tpu.memref_slice %arg11[%dma_wait3A_72, %dma_wait3A_73] : memref<10112x128xf32, #tpu.memory_space<vmem_shared>> -> memref<10112x128xf32, #tpu.memory_space<vmem_shared>>
    tpu.wait_indirect_dma semaphore(%arg14 : memref<!tpu.dma_semaphore, #tpu.memory_space<semaphore_mem>>) src(%dma_wait3A_71 : memref<16x128xf32, #tpu.memory_space<vmem>>) dst(%dma_wait3A_74 : memref<10112x128xf32, #tpu.memory_space<vmem_shared>>)
    %dma_wait3A_75 = arith.constant 16 : i32
    %dma_wait3A_76 = arith.constant 0 : i32
    %dma_wait3A_77 = tpu.memref_slice %arg9[%dma_wait3A_75, %dma_wait3A_76] : memref<80x128xf32, #tpu.memory_space<vmem>> -> memref<16x128xf32, #tpu.memory_space<vmem>>
    %dma_wait3A_78 = arith.constant 0 : i32
    %dma_wait3A_79 = arith.constant 0 : i32
    %dma_wait3A_80 = tpu.memref_slice %arg11[%dma_wait3A_78, %dma_wait3A_79] : memref<10112x128xf32, #tpu.memory_space<vmem_shared>> -> memref<10112x128xf32, #tpu.memory_space<vmem_shared>>
    tpu.wait_indirect_dma semaphore(%arg14 : memref<!tpu.dma_semaphore, #tpu.memory_space<semaphore_mem>>) src(%dma_wait3A_77 : memref<16x128xf32, #tpu.memory_space<vmem>>) dst(%dma_wait3A_80 : memref<10112x128xf32, #tpu.memory_space<vmem_shared>>)
    %dma_wait3A_81 = arith.constant 32 : i32
    %dma_wait3A_82 = arith.constant 0 : i32
    %dma_wait3A_83 = tpu.memref_slice %arg9[%dma_wait3A_81, %dma_wait3A_82] : memref<80x128xf32, #tpu.memory_space<vmem>> -> memref<16x128xf32, #tpu.memory_space<vmem>>
    %dma_wait3A_84 = arith.constant 0 : i32
    %dma_wait3A_85 = arith.constant 0 : i32
    %dma_wait3A_86 = tpu.memref_slice %arg11[%dma_wait3A_84, %dma_wait3A_85] : memref<10112x128xf32, #tpu.memory_space<vmem_shared>> -> memref<10112x128xf32, #tpu.memory_space<vmem_shared>>
    tpu.wait_indirect_dma semaphore(%arg14 : memref<!tpu.dma_semaphore, #tpu.memory_space<semaphore_mem>>) src(%dma_wait3A_83 : memref<16x128xf32, #tpu.memory_space<vmem>>) dst(%dma_wait3A_86 : memref<10112x128xf32, #tpu.memory_space<vmem_shared>>)
    %dma_wait3A_87 = arith.constant 48 : i32
    %dma_wait3A_88 = arith.constant 0 : i32
    %dma_wait3A_89 = tpu.memref_slice %arg9[%dma_wait3A_87, %dma_wait3A_88] : memref<80x128xf32, #tpu.memory_space<vmem>> -> memref<16x128xf32, #tpu.memory_space<vmem>>
    %dma_wait3A_90 = arith.constant 0 : i32
    %dma_wait3A_91 = arith.constant 0 : i32
    %dma_wait3A_92 = tpu.memref_slice %arg11[%dma_wait3A_90, %dma_wait3A_91] : memref<10112x128xf32, #tpu.memory_space<vmem_shared>> -> memref<10112x128xf32, #tpu.memory_space<vmem_shared>>
    tpu.wait_indirect_dma semaphore(%arg14 : memref<!tpu.dma_semaphore, #tpu.memory_space<semaphore_mem>>) src(%dma_wait3A_89 : memref<16x128xf32, #tpu.memory_space<vmem>>) dst(%dma_wait3A_92 : memref<10112x128xf32, #tpu.memory_space<vmem_shared>>)
    %dma_wait3A_93 = arith.constant 64 : i32
    %dma_wait3A_94 = arith.constant 0 : i32
    %dma_wait3A_95 = tpu.memref_slice %arg9[%dma_wait3A_93, %dma_wait3A_94] : memref<80x128xf32, #tpu.memory_space<vmem>> -> memref<16x128xf32, #tpu.memory_space<vmem>>
    %dma_wait3A_96 = arith.constant 0 : i32
    %dma_wait3A_97 = arith.constant 0 : i32
    %dma_wait3A_98 = tpu.memref_slice %arg11[%dma_wait3A_96, %dma_wait3A_97] : memref<10112x128xf32, #tpu.memory_space<vmem_shared>> -> memref<10112x128xf32, #tpu.memory_space<vmem_shared>>
    tpu.wait_indirect_dma semaphore(%arg14 : memref<!tpu.dma_semaphore, #tpu.memory_space<semaphore_mem>>) src(%dma_wait3A_95 : memref<16x128xf32, #tpu.memory_space<vmem>>) dst(%dma_wait3A_98 : memref<10112x128xf32, #tpu.memory_space<vmem_shared>>)
    %barrier3A_99 = arith.constant 0 : index
    tpu.barrier barrier_id(%barrier3A_99)
    "tpu.region"() ({
      %run_scoped3A = tpu.sem_alloc : memref<!tpu.dma_semaphore, #tpu.memory_space<semaphore_mem>>
      %dma_start3A_100 = arith.constant 0 : i32
      %dma_start3A_101 = arith.constant 0 : i32
      %dma_start3A_102 = tpu.memref_slice %arg6[%arg0, %dma_start3A_100, %dma_start3A_101] : memref<2x10112x128xf32, #tpu.memory_space<hbm>> -> memref<1x10112x128xf32, #tpu.memory_space<hbm>>
      %dma_start3A_103 = tpu.memref_squeeze %dma_start3A_102 : memref<1x10112x128xf32, #tpu.memory_space<hbm>> -> memref<10112x128xf32, #tpu.memory_space<hbm>>
      %dma_start3A_104 = arith.constant 0 : i32
      %dma_start3A_105 = tpu.memref_slice %dma_start3A_103[%mul3A_0, %dma_start3A_104] : memref<10112x128xf32, #tpu.memory_space<hbm>> -> memref<632x128xf32, #tpu.memory_space<hbm>>
      %dma_start3A_106 = arith.constant 0 : i32
      %dma_start3A_107 = tpu.memref_slice %arg11[%mul3A_0, %dma_start3A_106] : memref<10112x128xf32, #tpu.memory_space<vmem_shared>> -> memref<632x128xf32, #tpu.memory_space<vmem_shared>>
      tpu.enqueue_dma source(%dma_start3A_107 : memref<632x128xf32, #tpu.memory_space<vmem_shared>>) target(%dma_start3A_105 : memref<632x128xf32, #tpu.memory_space<hbm>>) target_semaphore(%run_scoped3A : memref<!tpu.dma_semaphore, #tpu.memory_space<semaphore_mem>>)
      %dma_wait3A_108 = arith.constant 0 : i32
      %dma_wait3A_109 = arith.constant 0 : i32
      %dma_wait3A_110 = tpu.memref_slice %arg6[%arg0, %dma_wait3A_108, %dma_wait3A_109] : memref<2x10112x128xf32, #tpu.memory_space<hbm>> -> memref<1x10112x128xf32, #tpu.memory_space<hbm>>
      %dma_wait3A_111 = tpu.memref_squeeze %dma_wait3A_110 : memref<1x10112x128xf32, #tpu.memory_space<hbm>> -> memref<10112x128xf32, #tpu.memory_space<hbm>>
      %dma_wait3A_112 = arith.constant 0 : i32
      %dma_wait3A_113 = tpu.memref_slice %dma_wait3A_111[%mul3A_0, %dma_wait3A_112] : memref<10112x128xf32, #tpu.memory_space<hbm>> -> memref<632x128xf32, #tpu.memory_space<hbm>>
      %dma_wait3A_114 = arith.constant 0 : i32
      %dma_wait3A_115 = tpu.memref_slice %arg11[%mul3A_0, %dma_wait3A_114] : memref<10112x128xf32, #tpu.memory_space<vmem_shared>> -> memref<632x128xf32, #tpu.memory_space<vmem_shared>>
      tpu.wait_dma2 semaphore(%run_scoped3A : memref<!tpu.dma_semaphore, #tpu.memory_space<semaphore_mem>>) src(%dma_wait3A_115 : memref<632x128xf32, #tpu.memory_space<vmem_shared>>) dst(%dma_wait3A_113 : memref<632x128xf32, #tpu.memory_space<hbm>>)
      tpu.yield
    }) : () -> ()
    return
  }
}

#map = affine_map<(d0, d1) -> (0, 0)>
#map1 = affine_map<(d0, d1) -> (0)>
#map2 = affine_map<(d0, d1) -> (0, 0, 0)>
module attributes {stable_mosaic.version = 14 : i64} {
  func.func @k(%arg0: i32, %arg1: i32, %arg2: memref<20000x128xf32, #tpu.memory_space<hbm>>, %arg3: memref<160000xi32, #tpu.memory_space<hbm>>, %arg4: memref<160000xi32, #tpu.memory_space<hbm>>, %arg5: memref<10112x128xf32, #tpu.memory_space<hbm>>, %arg6: memref<2x10112x128xf32, #tpu.memory_space<hbm>>, %arg7: memref<10000xi32, #tpu.memory_space<vmem>>, %arg8: memref<10000xi32, #tpu.memory_space<vmem>>, %arg9: memref<80x128xf32, #tpu.memory_space<vmem>>, %arg10: memref<80x128xf32, #tpu.memory_space<vmem>>, %arg11: memref<10112x128xf32, #tpu.memory_space<vmem_shared>>, %arg12: memref<!tpu.dma_semaphore, #tpu.memory_space<semaphore_mem>>, %arg13: memref<!tpu.dma_semaphore, #tpu.memory_space<semaphore_mem>>, %arg14: memref<!tpu.dma_semaphore, #tpu.memory_space<semaphore_mem>>, %arg15: memref<!tpu.dma_semaphore, #tpu.memory_space<semaphore_mem>>) attributes {dimension_semantics = [#tpu.dimension_semantics<core_parallel>, #tpu.dimension_semantics<subcore_parallel>], iteration_bounds = array<i64: 2, 16>, scalar_prefetch = 0 : i64, scratch_operands = 9 : i64, tpu.core_type = #tpu.core_type<sc_vector_subcore>, window_params = [{transform_indices = #map}, {transform_indices = #map1}, {transform_indices = #map1}, {transform_indices = #map}, {transform_indices = #map2}]} {
    %mul3A = arith.constant 632 : i32
    %mul3A_0 = arith.muli %arg1, %mul3A : i32
    "tpu.region"() ({
      %run_scoped3A = tpu.sem_alloc : memref<!tpu.dma_semaphore, #tpu.memory_space<semaphore_mem>>
      %dma_start3A_100 = arith.constant 0 : i32
      %dma_start3A_101 = tpu.memref_slice %arg11[%mul3A_0, %dma_start3A_100] : memref<10112x128xf32, #tpu.memory_space<vmem_shared>> -> memref<632x128xf32, #tpu.memory_space<vmem_shared>>
      %dma_start3A_102 = arith.constant 0 : i32
      %dma_start3A_103 = tpu.memref_slice %arg5[%mul3A_0, %dma_start3A_102] : memref<10112x128xf32, #tpu.memory_space<hbm>> -> memref<632x128xf32, #tpu.memory_space<hbm>>
      tpu.enqueue_dma source(%dma_start3A_103 : memref<632x128xf32, #tpu.memory_space<hbm>>) target(%dma_start3A_101 : memref<632x128xf32, #tpu.memory_space<vmem_shared>>) target_semaphore(%run_scoped3A : memref<!tpu.dma_semaphore, #tpu.memory_space<semaphore_mem>>)
      %dma_wait3A_104 = arith.constant 0 : i32
      %dma_wait3A_105 = tpu.memref_slice %arg11[%mul3A_0, %dma_wait3A_104] : memref<10112x128xf32, #tpu.memory_space<vmem_shared>> -> memref<632x128xf32, #tpu.memory_space<vmem_shared>>
      %dma_wait3A_106 = arith.constant 0 : i32
      %dma_wait3A_107 = tpu.memref_slice %arg5[%mul3A_0, %dma_wait3A_106] : memref<10112x128xf32, #tpu.memory_space<hbm>> -> memref<632x128xf32, #tpu.memory_space<hbm>>
      tpu.wait_dma2 semaphore(%run_scoped3A : memref<!tpu.dma_semaphore, #tpu.memory_space<semaphore_mem>>) src(%dma_wait3A_107 : memref<632x128xf32, #tpu.memory_space<hbm>>) dst(%dma_wait3A_105 : memref<632x128xf32, #tpu.memory_space<vmem_shared>>)
      tpu.yield
    }) : () -> ()
    %mul3A_1 = arith.constant 10000 : i32
    %mul3A_2 = arith.muli %arg1, %mul3A_1 : i32
    "tpu.region"() ({
      %run_scoped3A = tpu.sem_alloc : memref<!tpu.dma_semaphore, #tpu.memory_space<semaphore_mem>>
      %dma_start3A_100 = tpu.memref_slice %arg3[%mul3A_2] : memref<160000xi32, #tpu.memory_space<hbm>> -> memref<10000xi32, #tpu.memory_space<hbm>>
      %dma_start3A_101 = tpu.memref_slice %arg3[%mul3A_2] : memref<160000xi32, #tpu.memory_space<hbm>> -> memref<10000xi32, #tpu.memory_space<hbm>>
      tpu.enqueue_dma source(%dma_start3A_101 : memref<10000xi32, #tpu.memory_space<hbm>>) target(%arg7 : memref<10000xi32, #tpu.memory_space<vmem>>) target_semaphore(%run_scoped3A : memref<!tpu.dma_semaphore, #tpu.memory_space<semaphore_mem>>)
      %dma_wait3A_102 = tpu.memref_slice %arg3[%mul3A_2] : memref<160000xi32, #tpu.memory_space<hbm>> -> memref<10000xi32, #tpu.memory_space<hbm>>
      %dma_wait3A_103 = tpu.memref_slice %arg3[%mul3A_2] : memref<160000xi32, #tpu.memory_space<hbm>> -> memref<10000xi32, #tpu.memory_space<hbm>>
      tpu.wait_dma2 semaphore(%run_scoped3A : memref<!tpu.dma_semaphore, #tpu.memory_space<semaphore_mem>>) src(%dma_wait3A_103 : memref<10000xi32, #tpu.memory_space<hbm>>) dst(%arg7 : memref<10000xi32, #tpu.memory_space<vmem>>)
      tpu.yield
    }) : () -> ()
    "tpu.region"() ({
      %run_scoped3A = tpu.sem_alloc : memref<!tpu.dma_semaphore, #tpu.memory_space<semaphore_mem>>
      %dma_start3A_100 = tpu.memref_slice %arg4[%mul3A_2] : memref<160000xi32, #tpu.memory_space<hbm>> -> memref<10000xi32, #tpu.memory_space<hbm>>
      %dma_start3A_101 = tpu.memref_slice %arg4[%mul3A_2] : memref<160000xi32, #tpu.memory_space<hbm>> -> memref<10000xi32, #tpu.memory_space<hbm>>
      tpu.enqueue_dma source(%dma_start3A_101 : memref<10000xi32, #tpu.memory_space<hbm>>) target(%arg8 : memref<10000xi32, #tpu.memory_space<vmem>>) target_semaphore(%run_scoped3A : memref<!tpu.dma_semaphore, #tpu.memory_space<semaphore_mem>>)
      %dma_wait3A_102 = tpu.memref_slice %arg4[%mul3A_2] : memref<160000xi32, #tpu.memory_space<hbm>> -> memref<10000xi32, #tpu.memory_space<hbm>>
      %dma_wait3A_103 = tpu.memref_slice %arg4[%mul3A_2] : memref<160000xi32, #tpu.memory_space<hbm>> -> memref<10000xi32, #tpu.memory_space<hbm>>
      tpu.wait_dma2 semaphore(%run_scoped3A : memref<!tpu.dma_semaphore, #tpu.memory_space<semaphore_mem>>) src(%dma_wait3A_103 : memref<10000xi32, #tpu.memory_space<hbm>>) dst(%arg8 : memref<10000xi32, #tpu.memory_space<vmem>>)
      tpu.yield
    }) : () -> ()
    %scan3A = arith.constant 0 : i32
    %scan3A_3 = arith.constant 0 : i32
    %scan3A_4 = arith.constant 625 : i32
    %scan3A_5 = arith.addi %scan3A_3, %scan3A_4 : i32
    %scan3A_6 = arith.constant 1 : i32
    %scan3A_7 = scf.for %scan3A_100 = %scan3A_3 to %scan3A_5 step %scan3A_6 iter_args(%scan3A_101 = %scan3A) -> (i32)  : i32 {
      %mul3A_102 = arith.constant 16 : i32
      %mul3A_103 = arith.muli %scan3A_100, %mul3A_102 : i32
      %get3A_104 = arith.index_cast %mul3A_103 : i32 to index
      %get3A_105 = tpu.vector_load %arg7[%get3A_104] {strides = array<i32>} : memref<10000xi32, #tpu.memory_space<vmem>>, vector<16xi32>,
      %get3A_106 = vector.shape_cast %get3A_105 : vector<16xi32> to vector<16xi32>
      %mul3A_107 = arith.constant 2 : i32
      %mul3A_108 = vector.broadcast %mul3A_107 : i32 to vector<16xi32>
      %mul3A_109 = arith.muli %get3A_106, %mul3A_108 : vector<16xi32>
      %add3A = vector.broadcast %arg0 : i32 to vector<16xi32>
      %add3A_110 = arith.addi %mul3A_109, %add3A : vector<16xi32>
      %swap3A = arith.index_cast %mul3A_103 : i32 to index
      %swap3A_111 = tpu.vector_load %arg7[%swap3A] {strides = array<i32>} : memref<10000xi32, #tpu.memory_space<vmem>>, vector<16xi32>,
      %swap3A_112 = vector.shape_cast %swap3A_111 : vector<16xi32> to vector<16xi32>
      %swap3A_113 = vector.shape_cast %add3A_110 : vector<16xi32> to vector<16xi32>
      tpu.vector_store %arg7[%swap3A], %swap3A_113 {strides = array<i32>} : memref<10000xi32, #tpu.memory_space<vmem>>, vector<16xi32>,
      %scan3A_114 = arith.constant 0 : i32
      scf.yield %scan3A_114 : i32
    }
    %scan3A_8 = arith.constant 625 : i32
    %barrier3A = arith.constant 0 : index
    tpu.barrier barrier_id(%barrier3A)
    %dma_start3A = arith.constant 0 : i32
    %dma_start3A_9 = tpu.memref_slice %arg7[%dma_start3A] : memref<10000xi32, #tpu.memory_space<vmem>> -> memref<80xi32, #tpu.memory_space<vmem>>
    %dma_start3A_10 = arith.constant 0 : i32
    %dma_start3A_11 = arith.constant 0 : i32
    %dma_start3A_12 = tpu.memref_slice %arg2[%dma_start3A_10, %dma_start3A_11] : memref<20000x128xf32, #tpu.memory_space<hbm>> -> memref<20000x128xf32, #tpu.memory_space<hbm>>
    tpu.enqueue_indirect_dma source(%dma_start3A_12 : memref<20000x128xf32, #tpu.memory_space<hbm>>) target(%arg9 : memref<80x128xf32, #tpu.memory_space<vmem>>) offsets(%dma_start3A_9 : memref<80xi32, #tpu.memory_space<vmem>>) semaphore(%arg12 : memref<!tpu.dma_semaphore, #tpu.memory_space<semaphore_mem>>)
    %scan3A_13 = arith.constant 0 : i32
    %scan3A_14 = arith.constant 0 : i32
    %scan3A_15 = arith.constant 62 : i32
    %scan3A_16 = arith.addi %scan3A_14, %scan3A_15 : i32
    %scan3A_17 = arith.constant 1 : i32
    %scan3A_18 = scf.for %scan3A_100 = %scan3A_14 to %scan3A_16 step %scan3A_17 iter_args(%scan3A_101 = %scan3A_13) -> (i32)  : i32 {
      %mul3A_102 = arith.constant 2 : i32
      %mul3A_103 = arith.muli %mul3A_102, %scan3A_100 : i32
      %add3A = arith.constant 1 : i32
      %add3A_104 = arith.addi %mul3A_103, %add3A : i32
      %mul3A_105 = arith.constant 80 : i32
      %mul3A_106 = arith.muli %add3A_104, %mul3A_105 : i32
      %dma_start3A_107 = tpu.memref_slice %arg7[%mul3A_106] : memref<10000xi32, #tpu.memory_space<vmem>> -> memref<80xi32, #tpu.memory_space<vmem>>
      %dma_start3A_108 = arith.constant 0 : i32
      %dma_start3A_109 = arith.constant 0 : i32
      %dma_start3A_110 = tpu.memref_slice %arg2[%dma_start3A_108, %dma_start3A_109] : memref<20000x128xf32, #tpu.memory_space<hbm>> -> memref<20000x128xf32, #tpu.memory_space<hbm>>
      tpu.enqueue_indirect_dma source(%dma_start3A_110 : memref<20000x128xf32, #tpu.memory_space<hbm>>) target(%arg10 : memref<80x128xf32, #tpu.memory_space<vmem>>) offsets(%dma_start3A_107 : memref<80xi32, #tpu.memory_space<vmem>>) semaphore(%arg13 : memref<!tpu.dma_semaphore, #tpu.memory_space<semaphore_mem>>)
      %dma_wait3A_111 = arith.constant 0 : i32
      %dma_wait3A_112 = arith.constant 0 : i32
      %dma_wait3A_113 = tpu.memref_slice %arg5[%dma_wait3A_111, %dma_wait3A_112] : memref<10112x128xf32, #tpu.memory_space<hbm>> -> memref<80x128xf32, #tpu.memory_space<hbm>>
      %dma_wait3A_114 = arith.constant 0 : i32
      %dma_wait3A_115 = arith.constant 0 : i32
      %dma_wait3A_116 = tpu.memref_slice %arg5[%dma_wait3A_114, %dma_wait3A_115] : memref<10112x128xf32, #tpu.memory_space<hbm>> -> memref<80x128xf32, #tpu.memory_space<hbm>>
      tpu.wait_dma2 semaphore(%arg12 : memref<!tpu.dma_semaphore, #tpu.memory_space<semaphore_mem>>) src(%dma_wait3A_116 : memref<80x128xf32, #tpu.memory_space<hbm>>) dst(%arg9 : memref<80x128xf32, #tpu.memory_space<vmem>>)
      %mul3A_117 = arith.constant 80 : i32
      %mul3A_118 = arith.muli %mul3A_103, %mul3A_117 : i32
      %add3A_119 = arith.constant 0 : i32
      %add3A_120 = arith.addi %mul3A_118, %add3A_119 : i32
      %get3A_121 = arith.index_cast %add3A_120 : i32 to index
      %get3A_122 = tpu.vector_load %arg8[%get3A_121] {strides = array<i32>} : memref<10000xi32, #tpu.memory_space<vmem>>, vector<16xi32>,
      %get3A_123 = vector.shape_cast %get3A_122 : vector<16xi32> to vector<16xi32>
      %dma_start3A_124 = arith.constant 0 : i32
      %dma_start3A_125 = arith.constant 0 : i32
      %dma_start3A_126 = tpu.memref_slice %arg9[%dma_start3A_124, %dma_start3A_125] : memref<80x128xf32, #tpu.memory_space<vmem>> -> memref<16x128xf32, #tpu.memory_space<vmem>>
      %dma_start3A_127 = arith.constant 0 : i32
      %dma_start3A_128 = arith.constant 0 : i32
      %dma_start3A_129 = tpu.memref_slice %arg11[%dma_start3A_127, %dma_start3A_128] : memref<10112x128xf32, #tpu.memory_space<vmem_shared>> -> memref<10112x128xf32, #tpu.memory_space<vmem_shared>>
      tpu.enqueue_indirect_dma source(%dma_start3A_126 : memref<16x128xf32, #tpu.memory_space<vmem>>) target(%dma_start3A_129 : memref<10112x128xf32, #tpu.memory_space<vmem_shared>>) offsets(%get3A_123 : vector<16xi32>) semaphore(%arg14 : memref<!tpu.dma_semaphore, #tpu.memory_space<semaphore_mem>>) {add = true}
      %mul3A_130 = arith.constant 80 : i32
      %mul3A_131 = arith.muli %mul3A_103, %mul3A_130 : i32
      %add3A_132 = arith.constant 16 : i32
      %add3A_133 = arith.addi %mul3A_131, %add3A_132 : i32
      %get3A_134 = arith.index_cast %add3A_133 : i32 to index
      %get3A_135 = tpu.vector_load %arg8[%get3A_134] {strides = array<i32>} : memref<10000xi32, #tpu.memory_space<vmem>>, vector<16xi32>,
      %get3A_136 = vector.shape_cast %get3A_135 : vector<16xi32> to vector<16xi32>
      %dma_start3A_137 = arith.constant 16 : i32
      %dma_start3A_138 = arith.constant 0 : i32
      %dma_start3A_139 = tpu.memref_slice %arg9[%dma_start3A_137, %dma_start3A_138] : memref<80x128xf32, #tpu.memory_space<vmem>> -> memref<16x128xf32, #tpu.memory_space<vmem>>
      %dma_start3A_140 = arith.constant 0 : i32
      %dma_start3A_141 = arith.constant 0 : i32
      %dma_start3A_142 = tpu.memref_slice %arg11[%dma_start3A_140, %dma_start3A_141] : memref<10112x128xf32, #tpu.memory_space<vmem_shared>> -> memref<10112x128xf32, #tpu.memory_space<vmem_shared>>
      tpu.enqueue_indirect_dma source(%dma_start3A_139 : memref<16x128xf32, #tpu.memory_space<vmem>>) target(%dma_start3A_142 : memref<10112x128xf32, #tpu.memory_space<vmem_shared>>) offsets(%get3A_136 : vector<16xi32>) semaphore(%arg14 : memref<!tpu.dma_semaphore, #tpu.memory_space<semaphore_mem>>) {add = true}
      %mul3A_143 = arith.constant 80 : i32
      %mul3A_144 = arith.muli %mul3A_103, %mul3A_143 : i32
      %add3A_145 = arith.constant 32 : i32
      %add3A_146 = arith.addi %mul3A_144, %add3A_145 : i32
      %get3A_147 = arith.index_cast %add3A_146 : i32 to index
      %get3A_148 = tpu.vector_load %arg8[%get3A_147] {strides = array<i32>} : memref<10000xi32, #tpu.memory_space<vmem>>, vector<16xi32>,
      %get3A_149 = vector.shape_cast %get3A_148 : vector<16xi32> to vector<16xi32>
      %dma_start3A_150 = arith.constant 32 : i32
      %dma_start3A_151 = arith.constant 0 : i32
      %dma_start3A_152 = tpu.memref_slice %arg9[%dma_start3A_150, %dma_start3A_151] : memref<80x128xf32, #tpu.memory_space<vmem>> -> memref<16x128xf32, #tpu.memory_space<vmem>>
      %dma_start3A_153 = arith.constant 0 : i32
      %dma_start3A_154 = arith.constant 0 : i32
      %dma_start3A_155 = tpu.memref_slice %arg11[%dma_start3A_153, %dma_start3A_154] : memref<10112x128xf32, #tpu.memory_space<vmem_shared>> -> memref<10112x128xf32, #tpu.memory_space<vmem_shared>>
      tpu.enqueue_indirect_dma source(%dma_start3A_152 : memref<16x128xf32, #tpu.memory_space<vmem>>) target(%dma_start3A_155 : memref<10112x128xf32, #tpu.memory_space<vmem_shared>>) offsets(%get3A_149 : vector<16xi32>) semaphore(%arg14 : memref<!tpu.dma_semaphore, #tpu.memory_space<semaphore_mem>>) {add = true}
      %mul3A_156 = arith.constant 80 : i32
      %mul3A_157 = arith.muli %mul3A_103, %mul3A_156 : i32
      %add3A_158 = arith.constant 48 : i32
      %add3A_159 = arith.addi %mul3A_157, %add3A_158 : i32
      %get3A_160 = arith.index_cast %add3A_159 : i32 to index
      %get3A_161 = tpu.vector_load %arg8[%get3A_160] {strides = array<i32>} : memref<10000xi32, #tpu.memory_space<vmem>>, vector<16xi32>,
      %get3A_162 = vector.shape_cast %get3A_161 : vector<16xi32> to vector<16xi32>
      %dma_start3A_163 = arith.constant 48 : i32
      %dma_start3A_164 = arith.constant 0 : i32
      %dma_start3A_165 = tpu.memref_slice %arg9[%dma_start3A_163, %dma_start3A_164] : memref<80x128xf32, #tpu.memory_space<vmem>> -> memref<16x128xf32, #tpu.memory_space<vmem>>
      %dma_start3A_166 = arith.constant 0 : i32
      %dma_start3A_167 = arith.constant 0 : i32
      %dma_start3A_168 = tpu.memref_slice %arg11[%dma_start3A_166, %dma_start3A_167] : memref<10112x128xf32, #tpu.memory_space<vmem_shared>> -> memref<10112x128xf32, #tpu.memory_space<vmem_shared>>
      tpu.enqueue_indirect_dma source(%dma_start3A_165 : memref<16x128xf32, #tpu.memory_space<vmem>>) target(%dma_start3A_168 : memref<10112x128xf32, #tpu.memory_space<vmem_shared>>) offsets(%get3A_162 : vector<16xi32>) semaphore(%arg14 : memref<!tpu.dma_semaphore, #tpu.memory_space<semaphore_mem>>) {add = true}
      %mul3A_169 = arith.constant 80 : i32
      %mul3A_170 = arith.muli %mul3A_103, %mul3A_169 : i32
      %add3A_171 = arith.constant 64 : i32
      %add3A_172 = arith.addi %mul3A_170, %add3A_171 : i32
      %get3A_173 = arith.index_cast %add3A_172 : i32 to index
      %get3A_174 = tpu.vector_load %arg8[%get3A_173] {strides = array<i32>} : memref<10000xi32, #tpu.memory_space<vmem>>, vector<16xi32>,
      %get3A_175 = vector.shape_cast %get3A_174 : vector<16xi32> to vector<16xi32>
      %dma_start3A_176 = arith.constant 64 : i32
      %dma_start3A_177 = arith.constant 0 : i32
      %dma_start3A_178 = tpu.memref_slice %arg9[%dma_start3A_176, %dma_start3A_177] : memref<80x128xf32, #tpu.memory_space<vmem>> -> memref<16x128xf32, #tpu.memory_space<vmem>>
      %dma_start3A_179 = arith.constant 0 : i32
      %dma_start3A_180 = arith.constant 0 : i32
      %dma_start3A_181 = tpu.memref_slice %arg11[%dma_start3A_179, %dma_start3A_180] : memref<10112x128xf32, #tpu.memory_space<vmem_shared>> -> memref<10112x128xf32, #tpu.memory_space<vmem_shared>>
      tpu.enqueue_indirect_dma source(%dma_start3A_178 : memref<16x128xf32, #tpu.memory_space<vmem>>) target(%dma_start3A_181 : memref<10112x128xf32, #tpu.memory_space<vmem_shared>>) offsets(%get3A_175 : vector<16xi32>) semaphore(%arg14 : memref<!tpu.dma_semaphore, #tpu.memory_space<semaphore_mem>>) {add = true}
      %dma_wait3A_182 = arith.constant 0 : i32
      %dma_wait3A_183 = arith.constant 0 : i32
      %dma_wait3A_184 = tpu.memref_slice %arg9[%dma_wait3A_182, %dma_wait3A_183] : memref<80x128xf32, #tpu.memory_space<vmem>> -> memref<16x128xf32, #tpu.memory_space<vmem>>
      %dma_wait3A_185 = arith.constant 0 : i32
      %dma_wait3A_186 = arith.constant 0 : i32
      %dma_wait3A_187 = tpu.memref_slice %arg11[%dma_wait3A_185, %dma_wait3A_186] : memref<10112x128xf32, #tpu.memory_space<vmem_shared>> -> memref<10112x128xf32, #tpu.memory_space<vmem_shared>>
      tpu.wait_indirect_dma semaphore(%arg14 : memref<!tpu.dma_semaphore, #tpu.memory_space<semaphore_mem>>) src(%dma_wait3A_184 : memref<16x128xf32, #tpu.memory_space<vmem>>) dst(%dma_wait3A_187 : memref<10112x128xf32, #tpu.memory_space<vmem_shared>>)
      %dma_wait3A_188 = arith.constant 16 : i32
      %dma_wait3A_189 = arith.constant 0 : i32
      %dma_wait3A_190 = tpu.memref_slice %arg9[%dma_wait3A_188, %dma_wait3A_189] : memref<80x128xf32, #tpu.memory_space<vmem>> -> memref<16x128xf32, #tpu.memory_space<vmem>>
      %dma_wait3A_191 = arith.constant 0 : i32
      %dma_wait3A_192 = arith.constant 0 : i32
      %dma_wait3A_193 = tpu.memref_slice %arg11[%dma_wait3A_191, %dma_wait3A_192] : memref<10112x128xf32, #tpu.memory_space<vmem_shared>> -> memref<10112x128xf32, #tpu.memory_space<vmem_shared>>
      tpu.wait_indirect_dma semaphore(%arg14 : memref<!tpu.dma_semaphore, #tpu.memory_space<semaphore_mem>>) src(%dma_wait3A_190 : memref<16x128xf32, #tpu.memory_space<vmem>>) dst(%dma_wait3A_193 : memref<10112x128xf32, #tpu.memory_space<vmem_shared>>)
      %dma_wait3A_194 = arith.constant 32 : i32
      %dma_wait3A_195 = arith.constant 0 : i32
      %dma_wait3A_196 = tpu.memref_slice %arg9[%dma_wait3A_194, %dma_wait3A_195] : memref<80x128xf32, #tpu.memory_space<vmem>> -> memref<16x128xf32, #tpu.memory_space<vmem>>
      %dma_wait3A_197 = arith.constant 0 : i32
      %dma_wait3A_198 = arith.constant 0 : i32
      %dma_wait3A_199 = tpu.memref_slice %arg11[%dma_wait3A_197, %dma_wait3A_198] : memref<10112x128xf32, #tpu.memory_space<vmem_shared>> -> memref<10112x128xf32, #tpu.memory_space<vmem_shared>>
      tpu.wait_indirect_dma semaphore(%arg14 : memref<!tpu.dma_semaphore, #tpu.memory_space<semaphore_mem>>) src(%dma_wait3A_196 : memref<16x128xf32, #tpu.memory_space<vmem>>) dst(%dma_wait3A_199 : memref<10112x128xf32, #tpu.memory_space<vmem_shared>>)
      %dma_wait3A_200 = arith.constant 48 : i32
      %dma_wait3A_201 = arith.constant 0 : i32
      %dma_wait3A_202 = tpu.memref_slice %arg9[%dma_wait3A_200, %dma_wait3A_201] : memref<80x128xf32, #tpu.memory_space<vmem>> -> memref<16x128xf32, #tpu.memory_space<vmem>>
      %dma_wait3A_203 = arith.constant 0 : i32
      %dma_wait3A_204 = arith.constant 0 : i32
      %dma_wait3A_205 = tpu.memref_slice %arg11[%dma_wait3A_203, %dma_wait3A_204] : memref<10112x128xf32, #tpu.memory_space<vmem_shared>> -> memref<10112x128xf32, #tpu.memory_space<vmem_shared>>
      tpu.wait_indirect_dma semaphore(%arg14 : memref<!tpu.dma_semaphore, #tpu.memory_space<semaphore_mem>>) src(%dma_wait3A_202 : memref<16x128xf32, #tpu.memory_space<vmem>>) dst(%dma_wait3A_205 : memref<10112x128xf32, #tpu.memory_space<vmem_shared>>)
      %dma_wait3A_206 = arith.constant 64 : i32
      %dma_wait3A_207 = arith.constant 0 : i32
      %dma_wait3A_208 = tpu.memref_slice %arg9[%dma_wait3A_206, %dma_wait3A_207] : memref<80x128xf32, #tpu.memory_space<vmem>> -> memref<16x128xf32, #tpu.memory_space<vmem>>
      %dma_wait3A_209 = arith.constant 0 : i32
      %dma_wait3A_210 = arith.constant 0 : i32
      %dma_wait3A_211 = tpu.memref_slice %arg11[%dma_wait3A_209, %dma_wait3A_210] : memref<10112x128xf32, #tpu.memory_space<vmem_shared>> -> memref<10112x128xf32, #tpu.memory_space<vmem_shared>>
      tpu.wait_indirect_dma semaphore(%arg14 : memref<!tpu.dma_semaphore, #tpu.memory_space<semaphore_mem>>) src(%dma_wait3A_208 : memref<16x128xf32, #tpu.memory_space<vmem>>) dst(%dma_wait3A_211 : memref<10112x128xf32, #tpu.memory_space<vmem_shared>>)
      %add3A_212 = arith.constant 2 : i32
      %add3A_213 = arith.addi %mul3A_103, %add3A_212 : i32
      %mul3A_214 = arith.constant 80 : i32
      %mul3A_215 = arith.muli %add3A_213, %mul3A_214 : i32
      %dma_start3A_216 = tpu.memref_slice %arg7[%mul3A_215] : memref<10000xi32, #tpu.memory_space<vmem>> -> memref<80xi32, #tpu.memory_space<vmem>>
      %dma_start3A_217 = arith.constant 0 : i32
      %dma_start3A_218 = arith.constant 0 : i32
      %dma_start3A_219 = tpu.memref_slice %arg2[%dma_start3A_217, %dma_start3A_218] : memref<20000x128xf32, #tpu.memory_space<hbm>> -> memref<20000x128xf32, #tpu.memory_space<hbm>>
      tpu.enqueue_indirect_dma source(%dma_start3A_219 : memref<20000x128xf32, #tpu.memory_space<hbm>>) target(%arg9 : memref<80x128xf32, #tpu.memory_space<vmem>>) offsets(%dma_start3A_216 : memref<80xi32, #tpu.memory_space<vmem>>) semaphore(%arg12 : memref<!tpu.dma_semaphore, #tpu.memory_space<semaphore_mem>>)
      %dma_wait3A_220 = arith.constant 0 : i32
      %dma_wait3A_221 = arith.constant 0 : i32
      %dma_wait3A_222 = tpu.memref_slice %arg5[%dma_wait3A_220, %dma_wait3A_221] : memref<10112x128xf32, #tpu.memory_space<hbm>> -> memref<80x128xf32, #tpu.memory_space<hbm>>
      %dma_wait3A_223 = arith.constant 0 : i32
      %dma_wait3A_224 = arith.constant 0 : i32
      %dma_wait3A_225 = tpu.memref_slice %arg5[%dma_wait3A_223, %dma_wait3A_224] : memref<10112x128xf32, #tpu.memory_space<hbm>> -> memref<80x128xf32, #tpu.memory_space<hbm>>
      tpu.wait_dma2 semaphore(%arg13 : memref<!tpu.dma_semaphore, #tpu.memory_space<semaphore_mem>>) src(%dma_wait3A_225 : memref<80x128xf32, #tpu.memory_space<hbm>>) dst(%arg10 : memref<80x128xf32, #tpu.memory_space<vmem>>)
      %add3A_226 = arith.constant 1 : i32
      %add3A_227 = arith.addi %mul3A_103, %add3A_226 : i32
      %mul3A_228 = arith.constant 80 : i32
      %mul3A_229 = arith.muli %add3A_227, %mul3A_228 : i32
      %add3A_230 = arith.constant 0 : i32
      %add3A_231 = arith.addi %mul3A_229, %add3A_230 : i32
      %get3A_232 = arith.index_cast %add3A_231 : i32 to index
      %get3A_233 = tpu.vector_load %arg8[%get3A_232] {strides = array<i32>} : memref<10000xi32, #tpu.memory_space<vmem>>, vector<16xi32>,
      %get3A_234 = vector.shape_cast %get3A_233 : vector<16xi32> to vector<16xi32>
      %dma_start3A_235 = arith.constant 0 : i32
      %dma_start3A_236 = arith.constant 0 : i32
      %dma_start3A_237 = tpu.memref_slice %arg10[%dma_start3A_235, %dma_start3A_236] : memref<80x128xf32, #tpu.memory_space<vmem>> -> memref<16x128xf32, #tpu.memory_space<vmem>>
      %dma_start3A_238 = arith.constant 0 : i32
      %dma_start3A_239 = arith.constant 0 : i32
      %dma_start3A_240 = tpu.memref_slice %arg11[%dma_start3A_238, %dma_start3A_239] : memref<10112x128xf32, #tpu.memory_space<vmem_shared>> -> memref<10112x128xf32, #tpu.memory_space<vmem_shared>>
      tpu.enqueue_indirect_dma source(%dma_start3A_237 : memref<16x128xf32, #tpu.memory_space<vmem>>) target(%dma_start3A_240 : memref<10112x128xf32, #tpu.memory_space<vmem_shared>>) offsets(%get3A_234 : vector<16xi32>) semaphore(%arg15 : memref<!tpu.dma_semaphore, #tpu.memory_space<semaphore_mem>>) {add = true}
      %mul3A_241 = arith.constant 80 : i32
      %mul3A_242 = arith.muli %add3A_227, %mul3A_241 : i32
      %add3A_243 = arith.constant 16 : i32
      %add3A_244 = arith.addi %mul3A_242, %add3A_243 : i32
      %get3A_245 = arith.index_cast %add3A_244 : i32 to index
      %get3A_246 = tpu.vector_load %arg8[%get3A_245] {strides = array<i32>} : memref<10000xi32, #tpu.memory_space<vmem>>, vector<16xi32>,
      %get3A_247 = vector.shape_cast %get3A_246 : vector<16xi32> to vector<16xi32>
      %dma_start3A_248 = arith.constant 16 : i32
      %dma_start3A_249 = arith.constant 0 : i32
      %dma_start3A_250 = tpu.memref_slice %arg10[%dma_start3A_248, %dma_start3A_249] : memref<80x128xf32, #tpu.memory_space<vmem>> -> memref<16x128xf32, #tpu.memory_space<vmem>>
      %dma_start3A_251 = arith.constant 0 : i32
      %dma_start3A_252 = arith.constant 0 : i32
      %dma_start3A_253 = tpu.memref_slice %arg11[%dma_start3A_251, %dma_start3A_252] : memref<10112x128xf32, #tpu.memory_space<vmem_shared>> -> memref<10112x128xf32, #tpu.memory_space<vmem_shared>>
      tpu.enqueue_indirect_dma source(%dma_start3A_250 : memref<16x128xf32, #tpu.memory_space<vmem>>) target(%dma_start3A_253 : memref<10112x128xf32, #tpu.memory_space<vmem_shared>>) offsets(%get3A_247 : vector<16xi32>) semaphore(%arg15 : memref<!tpu.dma_semaphore, #tpu.memory_space<semaphore_mem>>) {add = true}
      %mul3A_254 = arith.constant 80 : i32
      %mul3A_255 = arith.muli %add3A_227, %mul3A_254 : i32
      %add3A_256 = arith.constant 32 : i32
      %add3A_257 = arith.addi %mul3A_255, %add3A_256 : i32
      %get3A_258 = arith.index_cast %add3A_257 : i32 to index
      %get3A_259 = tpu.vector_load %arg8[%get3A_258] {strides = array<i32>} : memref<10000xi32, #tpu.memory_space<vmem>>, vector<16xi32>,
      %get3A_260 = vector.shape_cast %get3A_259 : vector<16xi32> to vector<16xi32>
      %dma_start3A_261 = arith.constant 32 : i32
      %dma_start3A_262 = arith.constant 0 : i32
      %dma_start3A_263 = tpu.memref_slice %arg10[%dma_start3A_261, %dma_start3A_262] : memref<80x128xf32, #tpu.memory_space<vmem>> -> memref<16x128xf32, #tpu.memory_space<vmem>>
      %dma_start3A_264 = arith.constant 0 : i32
      %dma_start3A_265 = arith.constant 0 : i32
      %dma_start3A_266 = tpu.memref_slice %arg11[%dma_start3A_264, %dma_start3A_265] : memref<10112x128xf32, #tpu.memory_space<vmem_shared>> -> memref<10112x128xf32, #tpu.memory_space<vmem_shared>>
      tpu.enqueue_indirect_dma source(%dma_start3A_263 : memref<16x128xf32, #tpu.memory_space<vmem>>) target(%dma_start3A_266 : memref<10112x128xf32, #tpu.memory_space<vmem_shared>>) offsets(%get3A_260 : vector<16xi32>) semaphore(%arg15 : memref<!tpu.dma_semaphore, #tpu.memory_space<semaphore_mem>>) {add = true}
      %mul3A_267 = arith.constant 80 : i32
      %mul3A_268 = arith.muli %add3A_227, %mul3A_267 : i32
      %add3A_269 = arith.constant 48 : i32
      %add3A_270 = arith.addi %mul3A_268, %add3A_269 : i32
      %get3A_271 = arith.index_cast %add3A_270 : i32 to index
      %get3A_272 = tpu.vector_load %arg8[%get3A_271] {strides = array<i32>} : memref<10000xi32, #tpu.memory_space<vmem>>, vector<16xi32>,
      %get3A_273 = vector.shape_cast %get3A_272 : vector<16xi32> to vector<16xi32>
      %dma_start3A_274 = arith.constant 48 : i32
      %dma_start3A_275 = arith.constant 0 : i32
      %dma_start3A_276 = tpu.memref_slice %arg10[%dma_start3A_274, %dma_start3A_275] : memref<80x128xf32, #tpu.memory_space<vmem>> -> memref<16x128xf32, #tpu.memory_space<vmem>>
      %dma_start3A_277 = arith.constant 0 : i32
      %dma_start3A_278 = arith.constant 0 : i32
      %dma_start3A_279 = tpu.memref_slice %arg11[%dma_start3A_277, %dma_start3A_278] : memref<10112x128xf32, #tpu.memory_space<vmem_shared>> -> memref<10112x128xf32, #tpu.memory_space<vmem_shared>>
      tpu.enqueue_indirect_dma source(%dma_start3A_276 : memref<16x128xf32, #tpu.memory_space<vmem>>) target(%dma_start3A_279 : memref<10112x128xf32, #tpu.memory_space<vmem_shared>>) offsets(%get3A_273 : vector<16xi32>) semaphore(%arg15 : memref<!tpu.dma_semaphore, #tpu.memory_space<semaphore_mem>>) {add = true}
      %mul3A_280 = arith.constant 80 : i32
      %mul3A_281 = arith.muli %add3A_227, %mul3A_280 : i32
      %add3A_282 = arith.constant 64 : i32
      %add3A_283 = arith.addi %mul3A_281, %add3A_282 : i32
      %get3A_284 = arith.index_cast %add3A_283 : i32 to index
      %get3A_285 = tpu.vector_load %arg8[%get3A_284] {strides = array<i32>} : memref<10000xi32, #tpu.memory_space<vmem>>, vector<16xi32>,
      %get3A_286 = vector.shape_cast %get3A_285 : vector<16xi32> to vector<16xi32>
      %dma_start3A_287 = arith.constant 64 : i32
      %dma_start3A_288 = arith.constant 0 : i32
      %dma_start3A_289 = tpu.memref_slice %arg10[%dma_start3A_287, %dma_start3A_288] : memref<80x128xf32, #tpu.memory_space<vmem>> -> memref<16x128xf32, #tpu.memory_space<vmem>>
      %dma_start3A_290 = arith.constant 0 : i32
      %dma_start3A_291 = arith.constant 0 : i32
      %dma_start3A_292 = tpu.memref_slice %arg11[%dma_start3A_290, %dma_start3A_291] : memref<10112x128xf32, #tpu.memory_space<vmem_shared>> -> memref<10112x128xf32, #tpu.memory_space<vmem_shared>>
      tpu.enqueue_indirect_dma source(%dma_start3A_289 : memref<16x128xf32, #tpu.memory_space<vmem>>) target(%dma_start3A_292 : memref<10112x128xf32, #tpu.memory_space<vmem_shared>>) offsets(%get3A_286 : vector<16xi32>) semaphore(%arg15 : memref<!tpu.dma_semaphore, #tpu.memory_space<semaphore_mem>>) {add = true}
      %dma_wait3A_293 = arith.constant 0 : i32
      %dma_wait3A_294 = arith.constant 0 : i32
      %dma_wait3A_295 = tpu.memref_slice %arg10[%dma_wait3A_293, %dma_wait3A_294] : memref<80x128xf32, #tpu.memory_space<vmem>> -> memref<16x128xf32, #tpu.memory_space<vmem>>
      %dma_wait3A_296 = arith.constant 0 : i32
      %dma_wait3A_297 = arith.constant 0 : i32
      %dma_wait3A_298 = tpu.memref_slice %arg11[%dma_wait3A_296, %dma_wait3A_297] : memref<10112x128xf32, #tpu.memory_space<vmem_shared>> -> memref<10112x128xf32, #tpu.memory_space<vmem_shared>>
      tpu.wait_indirect_dma semaphore(%arg15 : memref<!tpu.dma_semaphore, #tpu.memory_space<semaphore_mem>>) src(%dma_wait3A_295 : memref<16x128xf32, #tpu.memory_space<vmem>>) dst(%dma_wait3A_298 : memref<10112x128xf32, #tpu.memory_space<vmem_shared>>)
      %dma_wait3A_299 = arith.constant 16 : i32
      %dma_wait3A_300 = arith.constant 0 : i32
      %dma_wait3A_301 = tpu.memref_slice %arg10[%dma_wait3A_299, %dma_wait3A_300] : memref<80x128xf32, #tpu.memory_space<vmem>> -> memref<16x128xf32, #tpu.memory_space<vmem>>
      %dma_wait3A_302 = arith.constant 0 : i32
      %dma_wait3A_303 = arith.constant 0 : i32
      %dma_wait3A_304 = tpu.memref_slice %arg11[%dma_wait3A_302, %dma_wait3A_303] : memref<10112x128xf32, #tpu.memory_space<vmem_shared>> -> memref<10112x128xf32, #tpu.memory_space<vmem_shared>>
      tpu.wait_indirect_dma semaphore(%arg15 : memref<!tpu.dma_semaphore, #tpu.memory_space<semaphore_mem>>) src(%dma_wait3A_301 : memref<16x128xf32, #tpu.memory_space<vmem>>) dst(%dma_wait3A_304 : memref<10112x128xf32, #tpu.memory_space<vmem_shared>>)
      %dma_wait3A_305 = arith.constant 32 : i32
      %dma_wait3A_306 = arith.constant 0 : i32
      %dma_wait3A_307 = tpu.memref_slice %arg10[%dma_wait3A_305, %dma_wait3A_306] : memref<80x128xf32, #tpu.memory_space<vmem>> -> memref<16x128xf32, #tpu.memory_space<vmem>>
      %dma_wait3A_308 = arith.constant 0 : i32
      %dma_wait3A_309 = arith.constant 0 : i32
      %dma_wait3A_310 = tpu.memref_slice %arg11[%dma_wait3A_308, %dma_wait3A_309] : memref<10112x128xf32, #tpu.memory_space<vmem_shared>> -> memref<10112x128xf32, #tpu.memory_space<vmem_shared>>
      tpu.wait_indirect_dma semaphore(%arg15 : memref<!tpu.dma_semaphore, #tpu.memory_space<semaphore_mem>>) src(%dma_wait3A_307 : memref<16x128xf32, #tpu.memory_space<vmem>>) dst(%dma_wait3A_310 : memref<10112x128xf32, #tpu.memory_space<vmem_shared>>)
      %dma_wait3A_311 = arith.constant 48 : i32
      %dma_wait3A_312 = arith.constant 0 : i32
      %dma_wait3A_313 = tpu.memref_slice %arg10[%dma_wait3A_311, %dma_wait3A_312] : memref<80x128xf32, #tpu.memory_space<vmem>> -> memref<16x128xf32, #tpu.memory_space<vmem>>
      %dma_wait3A_314 = arith.constant 0 : i32
      %dma_wait3A_315 = arith.constant 0 : i32
      %dma_wait3A_316 = tpu.memref_slice %arg11[%dma_wait3A_314, %dma_wait3A_315] : memref<10112x128xf32, #tpu.memory_space<vmem_shared>> -> memref<10112x128xf32, #tpu.memory_space<vmem_shared>>
      tpu.wait_indirect_dma semaphore(%arg15 : memref<!tpu.dma_semaphore, #tpu.memory_space<semaphore_mem>>) src(%dma_wait3A_313 : memref<16x128xf32, #tpu.memory_space<vmem>>) dst(%dma_wait3A_316 : memref<10112x128xf32, #tpu.memory_space<vmem_shared>>)
      %dma_wait3A_317 = arith.constant 64 : i32
      %dma_wait3A_318 = arith.constant 0 : i32
      %dma_wait3A_319 = tpu.memref_slice %arg10[%dma_wait3A_317, %dma_wait3A_318] : memref<80x128xf32, #tpu.memory_space<vmem>> -> memref<16x128xf32, #tpu.memory_space<vmem>>
      %dma_wait3A_320 = arith.constant 0 : i32
      %dma_wait3A_321 = arith.constant 0 : i32
      %dma_wait3A_322 = tpu.memref_slice %arg11[%dma_wait3A_320, %dma_wait3A_321] : memref<10112x128xf32, #tpu.memory_space<vmem_shared>> -> memref<10112x128xf32, #tpu.memory_space<vmem_shared>>
      tpu.wait_indirect_dma semaphore(%arg15 : memref<!tpu.dma_semaphore, #tpu.memory_space<semaphore_mem>>) src(%dma_wait3A_319 : memref<16x128xf32, #tpu.memory_space<vmem>>) dst(%dma_wait3A_322 : memref<10112x128xf32, #tpu.memory_space<vmem_shared>>)
      %scan3A_323 = arith.constant 0 : i32
      scf.yield %scan3A_323 : i32
    }
    %scan3A_19 = arith.constant 62 : i32
    %dma_wait3A = arith.constant 0 : i32
    %dma_wait3A_20 = arith.constant 0 : i32
    %dma_wait3A_21 = tpu.memref_slice %arg5[%dma_wait3A, %dma_wait3A_20] : memref<10112x128xf32, #tpu.memory_space<hbm>> -> memref<80x128xf32, #tpu.memory_space<hbm>>
    %dma_wait3A_22 = arith.constant 0 : i32
    %dma_wait3A_23 = arith.constant 0 : i32
    %dma_wait3A_24 = tpu.memref_slice %arg5[%dma_wait3A_22, %dma_wait3A_23] : memref<10112x128xf32, #tpu.memory_space<hbm>> -> memref<80x128xf32, #tpu.memory_space<hbm>>
    tpu.wait_dma2 semaphore(%arg12 : memref<!tpu.dma_semaphore, #tpu.memory_space<semaphore_mem>>) src(%dma_wait3A_24 : memref<80x128xf32, #tpu.memory_space<hbm>>) dst(%arg9 : memref<80x128xf32, #tpu.memory_space<vmem>>)
    %get3A = arith.constant 9920 : index
    %get3A_25 = tpu.vector_load %arg8[%get3A] {strides = array<i32>} : memref<10000xi32, #tpu.memory_space<vmem>>, vector<16xi32>,
    %get3A_26 = vector.shape_cast %get3A_25 : vector<16xi32> to vector<16xi32>
    %dma_start3A_27 = arith.constant 0 : i32
    %dma_start3A_28 = arith.constant 0 : i32
    %dma_start3A_29 = tpu.memref_slice %arg9[%dma_start3A_27, %dma_start3A_28] : memref<80x128xf32, #tpu.memory_space<vmem>> -> memref<16x128xf32, #tpu.memory_space<vmem>>
    %dma_start3A_30 = arith.constant 0 : i32
    %dma_start3A_31 = arith.constant 0 : i32
    %dma_start3A_32 = tpu.memref_slice %arg11[%dma_start3A_30, %dma_start3A_31] : memref<10112x128xf32, #tpu.memory_space<vmem_shared>> -> memref<10112x128xf32, #tpu.memory_space<vmem_shared>>
    tpu.enqueue_indirect_dma source(%dma_start3A_29 : memref<16x128xf32, #tpu.memory_space<vmem>>) target(%dma_start3A_32 : memref<10112x128xf32, #tpu.memory_space<vmem_shared>>) offsets(%get3A_26 : vector<16xi32>) semaphore(%arg14 : memref<!tpu.dma_semaphore, #tpu.memory_space<semaphore_mem>>) {add = true}
    %get3A_33 = arith.constant 9936 : index
    %get3A_34 = tpu.vector_load %arg8[%get3A_33] {strides = array<i32>} : memref<10000xi32, #tpu.memory_space<vmem>>, vector<16xi32>,
    %get3A_35 = vector.shape_cast %get3A_34 : vector<16xi32> to vector<16xi32>
    %dma_start3A_36 = arith.constant 16 : i32
    %dma_start3A_37 = arith.constant 0 : i32
    %dma_start3A_38 = tpu.memref_slice %arg9[%dma_start3A_36, %dma_start3A_37] : memref<80x128xf32, #tpu.memory_space<vmem>> -> memref<16x128xf32, #tpu.memory_space<vmem>>
    %dma_start3A_39 = arith.constant 0 : i32
    %dma_start3A_40 = arith.constant 0 : i32
    %dma_start3A_41 = tpu.memref_slice %arg11[%dma_start3A_39, %dma_start3A_40] : memref<10112x128xf32, #tpu.memory_space<vmem_shared>> -> memref<10112x128xf32, #tpu.memory_space<vmem_shared>>
    tpu.enqueue_indirect_dma source(%dma_start3A_38 : memref<16x128xf32, #tpu.memory_space<vmem>>) target(%dma_start3A_41 : memref<10112x128xf32, #tpu.memory_space<vmem_shared>>) offsets(%get3A_35 : vector<16xi32>) semaphore(%arg14 : memref<!tpu.dma_semaphore, #tpu.memory_space<semaphore_mem>>) {add = true}
    %get3A_42 = arith.constant 9952 : index
    %get3A_43 = tpu.vector_load %arg8[%get3A_42] {strides = array<i32>} : memref<10000xi32, #tpu.memory_space<vmem>>, vector<16xi32>,
    %get3A_44 = vector.shape_cast %get3A_43 : vector<16xi32> to vector<16xi32>
    %dma_start3A_45 = arith.constant 32 : i32
    %dma_start3A_46 = arith.constant 0 : i32
    %dma_start3A_47 = tpu.memref_slice %arg9[%dma_start3A_45, %dma_start3A_46] : memref<80x128xf32, #tpu.memory_space<vmem>> -> memref<16x128xf32, #tpu.memory_space<vmem>>
    %dma_start3A_48 = arith.constant 0 : i32
    %dma_start3A_49 = arith.constant 0 : i32
    %dma_start3A_50 = tpu.memref_slice %arg11[%dma_start3A_48, %dma_start3A_49] : memref<10112x128xf32, #tpu.memory_space<vmem_shared>> -> memref<10112x128xf32, #tpu.memory_space<vmem_shared>>
    tpu.enqueue_indirect_dma source(%dma_start3A_47 : memref<16x128xf32, #tpu.memory_space<vmem>>) target(%dma_start3A_50 : memref<10112x128xf32, #tpu.memory_space<vmem_shared>>) offsets(%get3A_44 : vector<16xi32>) semaphore(%arg14 : memref<!tpu.dma_semaphore, #tpu.memory_space<semaphore_mem>>) {add = true}
    %get3A_51 = arith.constant 9968 : index
    %get3A_52 = tpu.vector_load %arg8[%get3A_51] {strides = array<i32>} : memref<10000xi32, #tpu.memory_space<vmem>>, vector<16xi32>,
    %get3A_53 = vector.shape_cast %get3A_52 : vector<16xi32> to vector<16xi32>
    %dma_start3A_54 = arith.constant 48 : i32
    %dma_start3A_55 = arith.constant 0 : i32
    %dma_start3A_56 = tpu.memref_slice %arg9[%dma_start3A_54, %dma_start3A_55] : memref<80x128xf32, #tpu.memory_space<vmem>> -> memref<16x128xf32, #tpu.memory_space<vmem>>
    %dma_start3A_57 = arith.constant 0 : i32
    %dma_start3A_58 = arith.constant 0 : i32
    %dma_start3A_59 = tpu.memref_slice %arg11[%dma_start3A_57, %dma_start3A_58] : memref<10112x128xf32, #tpu.memory_space<vmem_shared>> -> memref<10112x128xf32, #tpu.memory_space<vmem_shared>>
    tpu.enqueue_indirect_dma source(%dma_start3A_56 : memref<16x128xf32, #tpu.memory_space<vmem>>) target(%dma_start3A_59 : memref<10112x128xf32, #tpu.memory_space<vmem_shared>>) offsets(%get3A_53 : vector<16xi32>) semaphore(%arg14 : memref<!tpu.dma_semaphore, #tpu.memory_space<semaphore_mem>>) {add = true}
    %get3A_60 = arith.constant 9984 : index
    %get3A_61 = tpu.vector_load %arg8[%get3A_60] {strides = array<i32>} : memref<10000xi32, #tpu.memory_space<vmem>>, vector<16xi32>,
    %get3A_62 = vector.shape_cast %get3A_61 : vector<16xi32> to vector<16xi32>
    %dma_start3A_63 = arith.constant 64 : i32
    %dma_start3A_64 = arith.constant 0 : i32
    %dma_start3A_65 = tpu.memref_slice %arg9[%dma_start3A_63, %dma_start3A_64] : memref<80x128xf32, #tpu.memory_space<vmem>> -> memref<16x128xf32, #tpu.memory_space<vmem>>
    %dma_start3A_66 = arith.constant 0 : i32
    %dma_start3A_67 = arith.constant 0 : i32
    %dma_start3A_68 = tpu.memref_slice %arg11[%dma_start3A_66, %dma_start3A_67] : memref<10112x128xf32, #tpu.memory_space<vmem_shared>> -> memref<10112x128xf32, #tpu.memory_space<vmem_shared>>
    tpu.enqueue_indirect_dma source(%dma_start3A_65 : memref<16x128xf32, #tpu.memory_space<vmem>>) target(%dma_start3A_68 : memref<10112x128xf32, #tpu.memory_space<vmem_shared>>) offsets(%get3A_62 : vector<16xi32>) semaphore(%arg14 : memref<!tpu.dma_semaphore, #tpu.memory_space<semaphore_mem>>) {add = true}
    %dma_wait3A_69 = arith.constant 0 : i32
    %dma_wait3A_70 = arith.constant 0 : i32
    %dma_wait3A_71 = tpu.memref_slice %arg9[%dma_wait3A_69, %dma_wait3A_70] : memref<80x128xf32, #tpu.memory_space<vmem>> -> memref<16x128xf32, #tpu.memory_space<vmem>>
    %dma_wait3A_72 = arith.constant 0 : i32
    %dma_wait3A_73 = arith.constant 0 : i32
    %dma_wait3A_74 = tpu.memref_slice %arg11[%dma_wait3A_72, %dma_wait3A_73] : memref<10112x128xf32, #tpu.memory_space<vmem_shared>> -> memref<10112x128xf32, #tpu.memory_space<vmem_shared>>
    tpu.wait_indirect_dma semaphore(%arg14 : memref<!tpu.dma_semaphore, #tpu.memory_space<semaphore_mem>>) src(%dma_wait3A_71 : memref<16x128xf32, #tpu.memory_space<vmem>>) dst(%dma_wait3A_74 : memref<10112x128xf32, #tpu.memory_space<vmem_shared>>)
    %dma_wait3A_75 = arith.constant 16 : i32
    %dma_wait3A_76 = arith.constant 0 : i32
    %dma_wait3A_77 = tpu.memref_slice %arg9[%dma_wait3A_75, %dma_wait3A_76] : memref<80x128xf32, #tpu.memory_space<vmem>> -> memref<16x128xf32, #tpu.memory_space<vmem>>
    %dma_wait3A_78 = arith.constant 0 : i32
    %dma_wait3A_79 = arith.constant 0 : i32
    %dma_wait3A_80 = tpu.memref_slice %arg11[%dma_wait3A_78, %dma_wait3A_79] : memref<10112x128xf32, #tpu.memory_space<vmem_shared>> -> memref<10112x128xf32, #tpu.memory_space<vmem_shared>>
    tpu.wait_indirect_dma semaphore(%arg14 : memref<!tpu.dma_semaphore, #tpu.memory_space<semaphore_mem>>) src(%dma_wait3A_77 : memref<16x128xf32, #tpu.memory_space<vmem>>) dst(%dma_wait3A_80 : memref<10112x128xf32, #tpu.memory_space<vmem_shared>>)
    %dma_wait3A_81 = arith.constant 32 : i32
    %dma_wait3A_82 = arith.constant 0 : i32
    %dma_wait3A_83 = tpu.memref_slice %arg9[%dma_wait3A_81, %dma_wait3A_82] : memref<80x128xf32, #tpu.memory_space<vmem>> -> memref<16x128xf32, #tpu.memory_space<vmem>>
    %dma_wait3A_84 = arith.constant 0 : i32
    %dma_wait3A_85 = arith.constant 0 : i32
    %dma_wait3A_86 = tpu.memref_slice %arg11[%dma_wait3A_84, %dma_wait3A_85] : memref<10112x128xf32, #tpu.memory_space<vmem_shared>> -> memref<10112x128xf32, #tpu.memory_space<vmem_shared>>
    tpu.wait_indirect_dma semaphore(%arg14 : memref<!tpu.dma_semaphore, #tpu.memory_space<semaphore_mem>>) src(%dma_wait3A_83 : memref<16x128xf32, #tpu.memory_space<vmem>>) dst(%dma_wait3A_86 : memref<10112x128xf32, #tpu.memory_space<vmem_shared>>)
    %dma_wait3A_87 = arith.constant 48 : i32
    %dma_wait3A_88 = arith.constant 0 : i32
    %dma_wait3A_89 = tpu.memref_slice %arg9[%dma_wait3A_87, %dma_wait3A_88] : memref<80x128xf32, #tpu.memory_space<vmem>> -> memref<16x128xf32, #tpu.memory_space<vmem>>
    %dma_wait3A_90 = arith.constant 0 : i32
    %dma_wait3A_91 = arith.constant 0 : i32
    %dma_wait3A_92 = tpu.memref_slice %arg11[%dma_wait3A_90, %dma_wait3A_91] : memref<10112x128xf32, #tpu.memory_space<vmem_shared>> -> memref<10112x128xf32, #tpu.memory_space<vmem_shared>>
    tpu.wait_indirect_dma semaphore(%arg14 : memref<!tpu.dma_semaphore, #tpu.memory_space<semaphore_mem>>) src(%dma_wait3A_89 : memref<16x128xf32, #tpu.memory_space<vmem>>) dst(%dma_wait3A_92 : memref<10112x128xf32, #tpu.memory_space<vmem_shared>>)
    %dma_wait3A_93 = arith.constant 64 : i32
    %dma_wait3A_94 = arith.constant 0 : i32
    %dma_wait3A_95 = tpu.memref_slice %arg9[%dma_wait3A_93, %dma_wait3A_94] : memref<80x128xf32, #tpu.memory_space<vmem>> -> memref<16x128xf32, #tpu.memory_space<vmem>>
    %dma_wait3A_96 = arith.constant 0 : i32
    %dma_wait3A_97 = arith.constant 0 : i32
    %dma_wait3A_98 = tpu.memref_slice %arg11[%dma_wait3A_96, %dma_wait3A_97] : memref<10112x128xf32, #tpu.memory_space<vmem_shared>> -> memref<10112x128xf32, #tpu.memory_space<vmem_shared>>
    tpu.wait_indirect_dma semaphore(%arg14 : memref<!tpu.dma_semaphore, #tpu.memory_space<semaphore_mem>>) src(%dma_wait3A_95 : memref<16x128xf32, #tpu.memory_space<vmem>>) dst(%dma_wait3A_98 : memref<10112x128xf32, #tpu.memory_space<vmem_shared>>)
    %barrier3A_99 = arith.constant 0 : index
    tpu.barrier barrier_id(%barrier3A_99)
    "tpu.region"() ({
      %run_scoped3A = tpu.sem_alloc : memref<!tpu.dma_semaphore, #tpu.memory_space<semaphore_mem>>
      %dma_start3A_100 = arith.constant 0 : i32
      %dma_start3A_101 = arith.constant 0 : i32
      %dma_start3A_102 = tpu.memref_slice %arg6[%arg0, %dma_start3A_100, %dma_start3A_101] : memref<2x10112x128xf32, #tpu.memory_space<hbm>> -> memref<1x10112x128xf32, #tpu.memory_space<hbm>>
      %dma_start3A_103 = tpu.memref_squeeze %dma_start3A_102 : memref<1x10112x128xf32, #tpu.memory_space<hbm>> -> memref<10112x128xf32, #tpu.memory_space<hbm>>
      %dma_start3A_104 = arith.constant 0 : i32
      %dma_start3A_105 = tpu.memref_slice %dma_start3A_103[%mul3A_0, %dma_start3A_104] : memref<10112x128xf32, #tpu.memory_space<hbm>> -> memref<632x128xf32, #tpu.memory_space<hbm>>
      %dma_start3A_106 = arith.constant 0 : i32
      %dma_start3A_107 = tpu.memref_slice %arg11[%mul3A_0, %dma_start3A_106] : memref<10112x128xf32, #tpu.memory_space<vmem_shared>> -> memref<632x128xf32, #tpu.memory_space<vmem_shared>>
      tpu.enqueue_dma source(%dma_start3A_107 : memref<632x128xf32, #tpu.memory_space<vmem_shared>>) target(%dma_start3A_105 : memref<632x128xf32, #tpu.memory_space<hbm>>) target_semaphore(%run_scoped3A : memref<!tpu.dma_semaphore, #tpu.memory_space<semaphore_mem>>)
      %dma_wait3A_108 = arith.constant 0 : i32
      %dma_wait3A_109 = arith.constant 0 : i32
      %dma_wait3A_110 = tpu.memref_slice %arg6[%arg0, %dma_wait3A_108, %dma_wait3A_109] : memref<2x10112x128xf32, #tpu.memory_space<hbm>> -> memref<1x10112x128xf32, #tpu.memory_space<hbm>>
      %dma_wait3A_111 = tpu.memref_squeeze %dma_wait3A_110 : memref<1x10112x128xf32, #tpu.memory_space<hbm>> -> memref<10112x128xf32, #tpu.memory_space<hbm>>
      %dma_wait3A_112 = arith.constant 0 : i32
      %dma_wait3A_113 = tpu.memref_slice %dma_wait3A_111[%mul3A_0, %dma_wait3A_112] : memref<10112x128xf32, #tpu.memory_space<hbm>> -> memref<632x128xf32, #tpu.memory_space<hbm>>
      %dma_wait3A_114 = arith.constant 0 : i32
      %dma_wait3A_115 = tpu.memref_slice %arg11[%mul3A_0, %dma_wait3A_114] : memref<10112x128xf32, #tpu.memory_space<vmem_shared>> -> memref<632x128xf32, #tpu.memory_space<vmem_shared>>
      tpu.wait_dma2 semaphore(%run_scoped3A : memref<!tpu.dma_semaphore, #tpu.memory_space<semaphore_mem>>) src(%dma_wait3A_115 : memref<632x128xf32, #tpu.memory_space<vmem_shared>>) dst(%dma_wait3A_113 : memref<632x128xf32, #tpu.memory_space<hbm>>)
      tpu.yield
    }) : () -> ()
    return
  }
}

#map = affine_map<(d0, d1) -> (0, 0)>
#map1 = affine_map<(d0, d1) -> (0)>
#map2 = affine_map<(d0, d1) -> (0, 0, 0)>
module attributes {stable_mosaic.version = 14 : i64} {
  func.func @k(%arg0: i32, %arg1: i32, %arg2: memref<20000x128xf32, #tpu.memory_space<hbm>>, %arg3: memref<65536xi32, #tpu.memory_space<hbm>>, %arg4: memref<65536xi32, #tpu.memory_space<hbm>>, %arg5: memref<2x65536x128xf32, #tpu.memory_space<hbm>>, %arg6: memref<2x65536x128xf32, #tpu.memory_space<hbm>>, %arg7: memref<4096xi32, #tpu.memory_space<vmem>>, %arg8: memref<4096xi32, #tpu.memory_space<vmem>>, %arg9: memref<128x128xf32, #tpu.memory_space<vmem>>, %arg10: memref<128x128xf32, #tpu.memory_space<vmem>>, %arg11: memref<128x128xf32, #tpu.memory_space<vmem>>, %arg12: memref<128x128xf32, #tpu.memory_space<vmem>>, %arg13: memref<!tpu.dma_semaphore, #tpu.memory_space<semaphore_mem>>, %arg14: memref<!tpu.dma_semaphore, #tpu.memory_space<semaphore_mem>>, %arg15: memref<!tpu.dma_semaphore, #tpu.memory_space<semaphore_mem>>, %arg16: memref<!tpu.dma_semaphore, #tpu.memory_space<semaphore_mem>>) attributes {dimension_semantics = [#tpu.dimension_semantics<core_parallel>, #tpu.dimension_semantics<subcore_parallel>], iteration_bounds = array<i64: 2, 16>, scalar_prefetch = 0 : i64, scratch_operands = 10 : i64, tpu.core_type = #tpu.core_type<sc_vector_subcore>, window_params = [{transform_indices = #map}, {transform_indices = #map1}, {transform_indices = #map1}, {transform_indices = #map2}, {transform_indices = #map2}]} {
    %mul3A = arith.constant 4096 : i32
    %mul3A_0 = arith.muli %arg1, %mul3A : i32
    "tpu.region"() ({
      %run_scoped3A = tpu.sem_alloc : memref<!tpu.dma_semaphore, #tpu.memory_space<semaphore_mem>>
      %dma_start3A_131 = tpu.memref_slice %arg3[%mul3A_0] : memref<65536xi32, #tpu.memory_space<hbm>> -> memref<4096xi32, #tpu.memory_space<hbm>>
      %dma_start3A_132 = tpu.memref_slice %arg3[%mul3A_0] : memref<65536xi32, #tpu.memory_space<hbm>> -> memref<4096xi32, #tpu.memory_space<hbm>>
      tpu.enqueue_dma source(%dma_start3A_132 : memref<4096xi32, #tpu.memory_space<hbm>>) target(%arg7 : memref<4096xi32, #tpu.memory_space<vmem>>) target_semaphore(%run_scoped3A : memref<!tpu.dma_semaphore, #tpu.memory_space<semaphore_mem>>)
      %dma_wait3A_133 = tpu.memref_slice %arg3[%mul3A_0] : memref<65536xi32, #tpu.memory_space<hbm>> -> memref<4096xi32, #tpu.memory_space<hbm>>
      %dma_wait3A_134 = tpu.memref_slice %arg3[%mul3A_0] : memref<65536xi32, #tpu.memory_space<hbm>> -> memref<4096xi32, #tpu.memory_space<hbm>>
      tpu.wait_dma2 semaphore(%run_scoped3A : memref<!tpu.dma_semaphore, #tpu.memory_space<semaphore_mem>>) src(%dma_wait3A_134 : memref<4096xi32, #tpu.memory_space<hbm>>) dst(%arg7 : memref<4096xi32, #tpu.memory_space<vmem>>)
      tpu.yield
    }) : () -> ()
    "tpu.region"() ({
      %run_scoped3A = tpu.sem_alloc : memref<!tpu.dma_semaphore, #tpu.memory_space<semaphore_mem>>
      %dma_start3A_131 = tpu.memref_slice %arg4[%mul3A_0] : memref<65536xi32, #tpu.memory_space<hbm>> -> memref<4096xi32, #tpu.memory_space<hbm>>
      %dma_start3A_132 = tpu.memref_slice %arg4[%mul3A_0] : memref<65536xi32, #tpu.memory_space<hbm>> -> memref<4096xi32, #tpu.memory_space<hbm>>
      tpu.enqueue_dma source(%dma_start3A_132 : memref<4096xi32, #tpu.memory_space<hbm>>) target(%arg8 : memref<4096xi32, #tpu.memory_space<vmem>>) target_semaphore(%run_scoped3A : memref<!tpu.dma_semaphore, #tpu.memory_space<semaphore_mem>>)
      %dma_wait3A_133 = tpu.memref_slice %arg4[%mul3A_0] : memref<65536xi32, #tpu.memory_space<hbm>> -> memref<4096xi32, #tpu.memory_space<hbm>>
      %dma_wait3A_134 = tpu.memref_slice %arg4[%mul3A_0] : memref<65536xi32, #tpu.memory_space<hbm>> -> memref<4096xi32, #tpu.memory_space<hbm>>
      tpu.wait_dma2 semaphore(%run_scoped3A : memref<!tpu.dma_semaphore, #tpu.memory_space<semaphore_mem>>) src(%dma_wait3A_134 : memref<4096xi32, #tpu.memory_space<hbm>>) dst(%arg8 : memref<4096xi32, #tpu.memory_space<vmem>>)
      tpu.yield
    }) : () -> ()
    %scan3A = arith.constant 0 : i32
    %scan3A_1 = arith.constant 0 : i32
    %scan3A_2 = arith.constant 256 : i32
    %scan3A_3 = arith.addi %scan3A_1, %scan3A_2 : i32
    %scan3A_4 = arith.constant 1 : i32
    %scan3A_5 = scf.for %scan3A_131 = %scan3A_1 to %scan3A_3 step %scan3A_4 iter_args(%scan3A_132 = %scan3A) -> (i32)  : i32 {
      %mul3A_133 = arith.constant 16 : i32
      %mul3A_134 = arith.muli %scan3A_131, %mul3A_133 : i32
      %get3A = arith.index_cast %mul3A_134 : i32 to index
      %get3A_135 = tpu.vector_load %arg7[%get3A] {strides = array<i32>} : memref<4096xi32, #tpu.memory_space<vmem>>, vector<16xi32>,
      %get3A_136 = vector.shape_cast %get3A_135 : vector<16xi32> to vector<16xi32>
      %mul3A_137 = arith.constant 2 : i32
      %mul3A_138 = vector.broadcast %mul3A_137 : i32 to vector<16xi32>
      %mul3A_139 = arith.muli %get3A_136, %mul3A_138 : vector<16xi32>
      %add3A_140 = vector.broadcast %arg0 : i32 to vector<16xi32>
      %add3A_141 = arith.addi %mul3A_139, %add3A_140 : vector<16xi32>
      %swap3A = arith.index_cast %mul3A_134 : i32 to index
      %swap3A_142 = tpu.vector_load %arg7[%swap3A] {strides = array<i32>} : memref<4096xi32, #tpu.memory_space<vmem>>, vector<16xi32>,
      %swap3A_143 = vector.shape_cast %swap3A_142 : vector<16xi32> to vector<16xi32>
      %swap3A_144 = vector.shape_cast %add3A_141 : vector<16xi32> to vector<16xi32>
      tpu.vector_store %arg7[%swap3A], %swap3A_144 {strides = array<i32>} : memref<4096xi32, #tpu.memory_space<vmem>>, vector<16xi32>,
      %get3A_145 = arith.index_cast %mul3A_134 : i32 to index
      %get3A_146 = tpu.vector_load %arg8[%get3A_145] {strides = array<i32>} : memref<4096xi32, #tpu.memory_space<vmem>>, vector<16xi32>,
      %get3A_147 = vector.shape_cast %get3A_146 : vector<16xi32> to vector<16xi32>
      %mul3A_148 = arith.constant 2 : i32
      %mul3A_149 = vector.broadcast %mul3A_148 : i32 to vector<16xi32>
      %mul3A_150 = arith.muli %get3A_147, %mul3A_149 : vector<16xi32>
      %add3A_151 = vector.broadcast %arg0 : i32 to vector<16xi32>
      %add3A_152 = arith.addi %mul3A_150, %add3A_151 : vector<16xi32>
      %swap3A_153 = arith.index_cast %mul3A_134 : i32 to index
      %swap3A_154 = tpu.vector_load %arg8[%swap3A_153] {strides = array<i32>} : memref<4096xi32, #tpu.memory_space<vmem>>, vector<16xi32>,
      %swap3A_155 = vector.shape_cast %swap3A_154 : vector<16xi32> to vector<16xi32>
      %swap3A_156 = vector.shape_cast %add3A_152 : vector<16xi32> to vector<16xi32>
      tpu.vector_store %arg8[%swap3A_153], %swap3A_156 {strides = array<i32>} : memref<4096xi32, #tpu.memory_space<vmem>>, vector<16xi32>,
      %scan3A_157 = arith.constant 0 : i32
      scf.yield %scan3A_157 : i32
    }
    %scan3A_6 = arith.constant 256 : i32
    %dma_start3A = arith.constant 0 : i32
    %dma_start3A_7 = tpu.memref_slice %arg7[%dma_start3A] : memref<4096xi32, #tpu.memory_space<vmem>> -> memref<128xi32, #tpu.memory_space<vmem>>
    %dma_start3A_8 = arith.constant 0 : i32
    %dma_start3A_9 = arith.constant 0 : i32
    %dma_start3A_10 = tpu.memref_slice %arg2[%dma_start3A_8, %dma_start3A_9] : memref<20000x128xf32, #tpu.memory_space<hbm>> -> memref<20000x128xf32, #tpu.memory_space<hbm>>
    tpu.enqueue_indirect_dma source(%dma_start3A_10 : memref<20000x128xf32, #tpu.memory_space<hbm>>) target(%arg9 : memref<128x128xf32, #tpu.memory_space<vmem>>) offsets(%dma_start3A_7 : memref<128xi32, #tpu.memory_space<vmem>>) semaphore(%arg13 : memref<!tpu.dma_semaphore, #tpu.memory_space<semaphore_mem>>)
    %dma_start3A_11 = arith.constant 0 : i32
    %dma_start3A_12 = tpu.memref_slice %arg8[%dma_start3A_11] : memref<4096xi32, #tpu.memory_space<vmem>> -> memref<128xi32, #tpu.memory_space<vmem>>
    %dma_start3A_13 = arith.constant 0 : i32
    %dma_start3A_14 = arith.constant 0 : i32
    %dma_start3A_15 = tpu.memref_slice %arg2[%dma_start3A_13, %dma_start3A_14] : memref<20000x128xf32, #tpu.memory_space<hbm>> -> memref<20000x128xf32, #tpu.memory_space<hbm>>
    tpu.enqueue_indirect_dma source(%dma_start3A_15 : memref<20000x128xf32, #tpu.memory_space<hbm>>) target(%arg10 : memref<128x128xf32, #tpu.memory_space<vmem>>) offsets(%dma_start3A_12 : memref<128xi32, #tpu.memory_space<vmem>>) semaphore(%arg13 : memref<!tpu.dma_semaphore, #tpu.memory_space<semaphore_mem>>)
    %scan3A_16 = arith.constant 0 : i32
    %scan3A_17 = arith.constant 0 : i32
    %scan3A_18 = arith.constant 15 : i32
    %scan3A_19 = arith.addi %scan3A_17, %scan3A_18 : i32
    %scan3A_20 = arith.constant 1 : i32
    %scan3A_21 = scf.for %scan3A_131 = %scan3A_17 to %scan3A_19 step %scan3A_20 iter_args(%scan3A_132 = %scan3A_16) -> (i32)  : i32 {
      %mul3A_133 = arith.constant 2 : i32
      %mul3A_134 = arith.muli %mul3A_133, %scan3A_131 : i32
      %add3A_135 = arith.constant 1 : i32
      %add3A_136 = arith.addi %mul3A_134, %add3A_135 : i32
      %mul3A_137 = arith.constant 128 : i32
      %mul3A_138 = arith.muli %add3A_136, %mul3A_137 : i32
      %dma_start3A_139 = tpu.memref_slice %arg7[%mul3A_138] : memref<4096xi32, #tpu.memory_space<vmem>> -> memref<128xi32, #tpu.memory_space<vmem>>
      %dma_start3A_140 = arith.constant 0 : i32
      %dma_start3A_141 = arith.constant 0 : i32
      %dma_start3A_142 = tpu.memref_slice %arg2[%dma_start3A_140, %dma_start3A_141] : memref<20000x128xf32, #tpu.memory_space<hbm>> -> memref<20000x128xf32, #tpu.memory_space<hbm>>
      tpu.enqueue_indirect_dma source(%dma_start3A_142 : memref<20000x128xf32, #tpu.memory_space<hbm>>) target(%arg11 : memref<128x128xf32, #tpu.memory_space<vmem>>) offsets(%dma_start3A_139 : memref<128xi32, #tpu.memory_space<vmem>>) semaphore(%arg14 : memref<!tpu.dma_semaphore, #tpu.memory_space<semaphore_mem>>)
      %dma_start3A_143 = tpu.memref_slice %arg8[%mul3A_138] : memref<4096xi32, #tpu.memory_space<vmem>> -> memref<128xi32, #tpu.memory_space<vmem>>
      %dma_start3A_144 = arith.constant 0 : i32
      %dma_start3A_145 = arith.constant 0 : i32
      %dma_start3A_146 = tpu.memref_slice %arg2[%dma_start3A_144, %dma_start3A_145] : memref<20000x128xf32, #tpu.memory_space<hbm>> -> memref<20000x128xf32, #tpu.memory_space<hbm>>
      tpu.enqueue_indirect_dma source(%dma_start3A_146 : memref<20000x128xf32, #tpu.memory_space<hbm>>) target(%arg12 : memref<128x128xf32, #tpu.memory_space<vmem>>) offsets(%dma_start3A_143 : memref<128xi32, #tpu.memory_space<vmem>>) semaphore(%arg14 : memref<!tpu.dma_semaphore, #tpu.memory_space<semaphore_mem>>)
      %dma_wait3A_147 = arith.constant 0 : i32
      %dma_wait3A_148 = arith.constant 0 : i32
      %dma_wait3A_149 = tpu.memref_slice %arg2[%dma_wait3A_147, %dma_wait3A_148] : memref<20000x128xf32, #tpu.memory_space<hbm>> -> memref<128x128xf32, #tpu.memory_space<hbm>>
      %dma_wait3A_150 = arith.constant 0 : i32
      %dma_wait3A_151 = arith.constant 0 : i32
      %dma_wait3A_152 = tpu.memref_slice %arg2[%dma_wait3A_150, %dma_wait3A_151] : memref<20000x128xf32, #tpu.memory_space<hbm>> -> memref<128x128xf32, #tpu.memory_space<hbm>>
      tpu.wait_dma2 semaphore(%arg13 : memref<!tpu.dma_semaphore, #tpu.memory_space<semaphore_mem>>) src(%dma_wait3A_152 : memref<128x128xf32, #tpu.memory_space<hbm>>) dst(%arg9 : memref<128x128xf32, #tpu.memory_space<vmem>>)
      %dma_wait3A_153 = arith.constant 0 : i32
      %dma_wait3A_154 = arith.constant 0 : i32
      %dma_wait3A_155 = tpu.memref_slice %arg2[%dma_wait3A_153, %dma_wait3A_154] : memref<20000x128xf32, #tpu.memory_space<hbm>> -> memref<128x128xf32, #tpu.memory_space<hbm>>
      %dma_wait3A_156 = arith.constant 0 : i32
      %dma_wait3A_157 = arith.constant 0 : i32
      %dma_wait3A_158 = tpu.memref_slice %arg2[%dma_wait3A_156, %dma_wait3A_157] : memref<20000x128xf32, #tpu.memory_space<hbm>> -> memref<128x128xf32, #tpu.memory_space<hbm>>
      tpu.wait_dma2 semaphore(%arg13 : memref<!tpu.dma_semaphore, #tpu.memory_space<semaphore_mem>>) src(%dma_wait3A_158 : memref<128x128xf32, #tpu.memory_space<hbm>>) dst(%arg10 : memref<128x128xf32, #tpu.memory_space<vmem>>)
      %mul3A_159 = arith.constant 128 : i32
      %mul3A_160 = arith.muli %mul3A_134, %mul3A_159 : i32
      %add3A_161 = arith.addi %mul3A_0, %mul3A_160 : i32
      %dma_start3A_162 = arith.constant 0 : i32
      %dma_start3A_163 = arith.constant 0 : i32
      %dma_start3A_164 = tpu.memref_slice %arg5[%arg0, %dma_start3A_162, %dma_start3A_163] : memref<2x65536x128xf32, #tpu.memory_space<hbm>> -> memref<1x65536x128xf32, #tpu.memory_space<hbm>>
      %dma_start3A_165 = tpu.memref_squeeze %dma_start3A_164 : memref<1x65536x128xf32, #tpu.memory_space<hbm>> -> memref<65536x128xf32, #tpu.memory_space<hbm>>
      %dma_start3A_166 = arith.constant 0 : i32
      %dma_start3A_167 = tpu.memref_slice %dma_start3A_165[%add3A_161, %dma_start3A_166] : memref<65536x128xf32, #tpu.memory_space<hbm>> -> memref<128x128xf32, #tpu.memory_space<hbm>>
      %dma_start3A_168 = arith.constant 0 : i32
      %dma_start3A_169 = arith.constant 0 : i32
      %dma_start3A_170 = tpu.memref_slice %arg5[%arg0, %dma_start3A_168, %dma_start3A_169] : memref<2x65536x128xf32, #tpu.memory_space<hbm>> -> memref<1x65536x128xf32, #tpu.memory_space<hbm>>
      %dma_start3A_171 = tpu.memref_squeeze %dma_start3A_170 : memref<1x65536x128xf32, #tpu.memory_space<hbm>> -> memref<65536x128xf32, #tpu.memory_space<hbm>>
      %dma_start3A_172 = arith.constant 0 : i32
      %dma_start3A_173 = tpu.memref_slice %dma_start3A_171[%add3A_161, %dma_start3A_172] : memref<65536x128xf32, #tpu.memory_space<hbm>> -> memref<128x128xf32, #tpu.memory_space<hbm>>
      tpu.enqueue_dma source(%arg9 : memref<128x128xf32, #tpu.memory_space<vmem>>) target(%dma_start3A_173 : memref<128x128xf32, #tpu.memory_space<hbm>>) target_semaphore(%arg15 : memref<!tpu.dma_semaphore, #tpu.memory_space<semaphore_mem>>)
      %dma_start3A_174 = arith.constant 0 : i32
      %dma_start3A_175 = arith.constant 0 : i32
      %dma_start3A_176 = tpu.memref_slice %arg6[%arg0, %dma_start3A_174, %dma_start3A_175] : memref<2x65536x128xf32, #tpu.memory_space<hbm>> -> memref<1x65536x128xf32, #tpu.memory_space<hbm>>
      %dma_start3A_177 = tpu.memref_squeeze %dma_start3A_176 : memref<1x65536x128xf32, #tpu.memory_space<hbm>> -> memref<65536x128xf32, #tpu.memory_space<hbm>>
      %dma_start3A_178 = arith.constant 0 : i32
      %dma_start3A_179 = tpu.memref_slice %dma_start3A_177[%add3A_161, %dma_start3A_178] : memref<65536x128xf32, #tpu.memory_space<hbm>> -> memref<128x128xf32, #tpu.memory_space<hbm>>
      %dma_start3A_180 = arith.constant 0 : i32
      %dma_start3A_181 = arith.constant 0 : i32
      %dma_start3A_182 = tpu.memref_slice %arg6[%arg0, %dma_start3A_180, %dma_start3A_181] : memref<2x65536x128xf32, #tpu.memory_space<hbm>> -> memref<1x65536x128xf32, #tpu.memory_space<hbm>>
      %dma_start3A_183 = tpu.memref_squeeze %dma_start3A_182 : memref<1x65536x128xf32, #tpu.memory_space<hbm>> -> memref<65536x128xf32, #tpu.memory_space<hbm>>
      %dma_start3A_184 = arith.constant 0 : i32
      %dma_start3A_185 = tpu.memref_slice %dma_start3A_183[%add3A_161, %dma_start3A_184] : memref<65536x128xf32, #tpu.memory_space<hbm>> -> memref<128x128xf32, #tpu.memory_space<hbm>>
      tpu.enqueue_dma source(%arg10 : memref<128x128xf32, #tpu.memory_space<vmem>>) target(%dma_start3A_185 : memref<128x128xf32, #tpu.memory_space<hbm>>) target_semaphore(%arg15 : memref<!tpu.dma_semaphore, #tpu.memory_space<semaphore_mem>>)
      %dma_wait3A_186 = arith.constant 0 : i32
      %dma_wait3A_187 = arith.constant 0 : i32
      %dma_wait3A_188 = tpu.memref_slice %arg2[%dma_wait3A_186, %dma_wait3A_187] : memref<20000x128xf32, #tpu.memory_space<hbm>> -> memref<128x128xf32, #tpu.memory_space<hbm>>
      %dma_wait3A_189 = arith.constant 0 : i32
      %dma_wait3A_190 = arith.constant 0 : i32
      %dma_wait3A_191 = tpu.memref_slice %arg2[%dma_wait3A_189, %dma_wait3A_190] : memref<20000x128xf32, #tpu.memory_space<hbm>> -> memref<128x128xf32, #tpu.memory_space<hbm>>
      tpu.wait_dma2 semaphore(%arg14 : memref<!tpu.dma_semaphore, #tpu.memory_space<semaphore_mem>>) src(%dma_wait3A_191 : memref<128x128xf32, #tpu.memory_space<hbm>>) dst(%arg11 : memref<128x128xf32, #tpu.memory_space<vmem>>)
      %dma_wait3A_192 = arith.constant 0 : i32
      %dma_wait3A_193 = arith.constant 0 : i32
      %dma_wait3A_194 = tpu.memref_slice %arg2[%dma_wait3A_192, %dma_wait3A_193] : memref<20000x128xf32, #tpu.memory_space<hbm>> -> memref<128x128xf32, #tpu.memory_space<hbm>>
      %dma_wait3A_195 = arith.constant 0 : i32
      %dma_wait3A_196 = arith.constant 0 : i32
      %dma_wait3A_197 = tpu.memref_slice %arg2[%dma_wait3A_195, %dma_wait3A_196] : memref<20000x128xf32, #tpu.memory_space<hbm>> -> memref<128x128xf32, #tpu.memory_space<hbm>>
      tpu.wait_dma2 semaphore(%arg14 : memref<!tpu.dma_semaphore, #tpu.memory_space<semaphore_mem>>) src(%dma_wait3A_197 : memref<128x128xf32, #tpu.memory_space<hbm>>) dst(%arg12 : memref<128x128xf32, #tpu.memory_space<vmem>>)
      %add3A_198 = arith.constant 1 : i32
      %add3A_199 = arith.addi %mul3A_134, %add3A_198 : i32
      %mul3A_200 = arith.constant 128 : i32
      %mul3A_201 = arith.muli %add3A_199, %mul3A_200 : i32
      %add3A_202 = arith.addi %mul3A_0, %mul3A_201 : i32
      %dma_start3A_203 = arith.constant 0 : i32
      %dma_start3A_204 = arith.constant 0 : i32
      %dma_start3A_205 = tpu.memref_slice %arg5[%arg0, %dma_start3A_203, %dma_start3A_204] : memref<2x65536x128xf32, #tpu.memory_space<hbm>> -> memref<1x65536x128xf32, #tpu.memory_space<hbm>>
      %dma_start3A_206 = tpu.memref_squeeze %dma_start3A_205 : memref<1x65536x128xf32, #tpu.memory_space<hbm>> -> memref<65536x128xf32, #tpu.memory_space<hbm>>
      %dma_start3A_207 = arith.constant 0 : i32
      %dma_start3A_208 = tpu.memref_slice %dma_start3A_206[%add3A_202, %dma_start3A_207] : memref<65536x128xf32, #tpu.memory_space<hbm>> -> memref<128x128xf32, #tpu.memory_space<hbm>>
      %dma_start3A_209 = arith.constant 0 : i32
      %dma_start3A_210 = arith.constant 0 : i32
      %dma_start3A_211 = tpu.memref_slice %arg5[%arg0, %dma_start3A_209, %dma_start3A_210] : memref<2x65536x128xf32, #tpu.memory_space<hbm>> -> memref<1x65536x128xf32, #tpu.memory_space<hbm>>
      %dma_start3A_212 = tpu.memref_squeeze %dma_start3A_211 : memref<1x65536x128xf32, #tpu.memory_space<hbm>> -> memref<65536x128xf32, #tpu.memory_space<hbm>>
      %dma_start3A_213 = arith.constant 0 : i32
      %dma_start3A_214 = tpu.memref_slice %dma_start3A_212[%add3A_202, %dma_start3A_213] : memref<65536x128xf32, #tpu.memory_space<hbm>> -> memref<128x128xf32, #tpu.memory_space<hbm>>
      tpu.enqueue_dma source(%arg11 : memref<128x128xf32, #tpu.memory_space<vmem>>) target(%dma_start3A_214 : memref<128x128xf32, #tpu.memory_space<hbm>>) target_semaphore(%arg16 : memref<!tpu.dma_semaphore, #tpu.memory_space<semaphore_mem>>)
      %dma_start3A_215 = arith.constant 0 : i32
      %dma_start3A_216 = arith.constant 0 : i32
      %dma_start3A_217 = tpu.memref_slice %arg6[%arg0, %dma_start3A_215, %dma_start3A_216] : memref<2x65536x128xf32, #tpu.memory_space<hbm>> -> memref<1x65536x128xf32, #tpu.memory_space<hbm>>
      %dma_start3A_218 = tpu.memref_squeeze %dma_start3A_217 : memref<1x65536x128xf32, #tpu.memory_space<hbm>> -> memref<65536x128xf32, #tpu.memory_space<hbm>>
      %dma_start3A_219 = arith.constant 0 : i32
      %dma_start3A_220 = tpu.memref_slice %dma_start3A_218[%add3A_202, %dma_start3A_219] : memref<65536x128xf32, #tpu.memory_space<hbm>> -> memref<128x128xf32, #tpu.memory_space<hbm>>
      %dma_start3A_221 = arith.constant 0 : i32
      %dma_start3A_222 = arith.constant 0 : i32
      %dma_start3A_223 = tpu.memref_slice %arg6[%arg0, %dma_start3A_221, %dma_start3A_222] : memref<2x65536x128xf32, #tpu.memory_space<hbm>> -> memref<1x65536x128xf32, #tpu.memory_space<hbm>>
      %dma_start3A_224 = tpu.memref_squeeze %dma_start3A_223 : memref<1x65536x128xf32, #tpu.memory_space<hbm>> -> memref<65536x128xf32, #tpu.memory_space<hbm>>
      %dma_start3A_225 = arith.constant 0 : i32
      %dma_start3A_226 = tpu.memref_slice %dma_start3A_224[%add3A_202, %dma_start3A_225] : memref<65536x128xf32, #tpu.memory_space<hbm>> -> memref<128x128xf32, #tpu.memory_space<hbm>>
      tpu.enqueue_dma source(%arg12 : memref<128x128xf32, #tpu.memory_space<vmem>>) target(%dma_start3A_226 : memref<128x128xf32, #tpu.memory_space<hbm>>) target_semaphore(%arg16 : memref<!tpu.dma_semaphore, #tpu.memory_space<semaphore_mem>>)
      %dma_wait3A_227 = arith.constant 0 : i32
      %dma_wait3A_228 = arith.constant 0 : i32
      %dma_wait3A_229 = tpu.memref_slice %arg2[%dma_wait3A_227, %dma_wait3A_228] : memref<20000x128xf32, #tpu.memory_space<hbm>> -> memref<128x128xf32, #tpu.memory_space<hbm>>
      %dma_wait3A_230 = arith.constant 0 : i32
      %dma_wait3A_231 = arith.constant 0 : i32
      %dma_wait3A_232 = tpu.memref_slice %arg2[%dma_wait3A_230, %dma_wait3A_231] : memref<20000x128xf32, #tpu.memory_space<hbm>> -> memref<128x128xf32, #tpu.memory_space<hbm>>
      tpu.wait_dma2 semaphore(%arg15 : memref<!tpu.dma_semaphore, #tpu.memory_space<semaphore_mem>>) src(%dma_wait3A_232 : memref<128x128xf32, #tpu.memory_space<hbm>>) dst(%arg9 : memref<128x128xf32, #tpu.memory_space<vmem>>)
      %dma_wait3A_233 = arith.constant 0 : i32
      %dma_wait3A_234 = arith.constant 0 : i32
      %dma_wait3A_235 = tpu.memref_slice %arg2[%dma_wait3A_233, %dma_wait3A_234] : memref<20000x128xf32, #tpu.memory_space<hbm>> -> memref<128x128xf32, #tpu.memory_space<hbm>>
      %dma_wait3A_236 = arith.constant 0 : i32
      %dma_wait3A_237 = arith.constant 0 : i32
      %dma_wait3A_238 = tpu.memref_slice %arg2[%dma_wait3A_236, %dma_wait3A_237] : memref<20000x128xf32, #tpu.memory_space<hbm>> -> memref<128x128xf32, #tpu.memory_space<hbm>>
      tpu.wait_dma2 semaphore(%arg15 : memref<!tpu.dma_semaphore, #tpu.memory_space<semaphore_mem>>) src(%dma_wait3A_238 : memref<128x128xf32, #tpu.memory_space<hbm>>) dst(%arg10 : memref<128x128xf32, #tpu.memory_space<vmem>>)
      %add3A_239 = arith.constant 2 : i32
      %add3A_240 = arith.addi %mul3A_134, %add3A_239 : i32
      %mul3A_241 = arith.constant 128 : i32
      %mul3A_242 = arith.muli %add3A_240, %mul3A_241 : i32
      %dma_start3A_243 = tpu.memref_slice %arg7[%mul3A_242] : memref<4096xi32, #tpu.memory_space<vmem>> -> memref<128xi32, #tpu.memory_space<vmem>>
      %dma_start3A_244 = arith.constant 0 : i32
      %dma_start3A_245 = arith.constant 0 : i32
      %dma_start3A_246 = tpu.memref_slice %arg2[%dma_start3A_244, %dma_start3A_245] : memref<20000x128xf32, #tpu.memory_space<hbm>> -> memref<20000x128xf32, #tpu.memory_space<hbm>>
      tpu.enqueue_indirect_dma source(%dma_start3A_246 : memref<20000x128xf32, #tpu.memory_space<hbm>>) target(%arg9 : memref<128x128xf32, #tpu.memory_space<vmem>>) offsets(%dma_start3A_243 : memref<128xi32, #tpu.memory_space<vmem>>) semaphore(%arg13 : memref<!tpu.dma_semaphore, #tpu.memory_space<semaphore_mem>>)
      %dma_start3A_247 = tpu.memref_slice %arg8[%mul3A_242] : memref<4096xi32, #tpu.memory_space<vmem>> -> memref<128xi32, #tpu.memory_space<vmem>>
      %dma_start3A_248 = arith.constant 0 : i32
      %dma_start3A_249 = arith.constant 0 : i32
      %dma_start3A_250 = tpu.memref_slice %arg2[%dma_start3A_248, %dma_start3A_249] : memref<20000x128xf32, #tpu.memory_space<hbm>> -> memref<20000x128xf32, #tpu.memory_space<hbm>>
      tpu.enqueue_indirect_dma source(%dma_start3A_250 : memref<20000x128xf32, #tpu.memory_space<hbm>>) target(%arg10 : memref<128x128xf32, #tpu.memory_space<vmem>>) offsets(%dma_start3A_247 : memref<128xi32, #tpu.memory_space<vmem>>) semaphore(%arg13 : memref<!tpu.dma_semaphore, #tpu.memory_space<semaphore_mem>>)
      %dma_wait3A_251 = arith.constant 0 : i32
      %dma_wait3A_252 = arith.constant 0 : i32
      %dma_wait3A_253 = tpu.memref_slice %arg2[%dma_wait3A_251, %dma_wait3A_252] : memref<20000x128xf32, #tpu.memory_space<hbm>> -> memref<128x128xf32, #tpu.memory_space<hbm>>
      %dma_wait3A_254 = arith.constant 0 : i32
      %dma_wait3A_255 = arith.constant 0 : i32
      %dma_wait3A_256 = tpu.memref_slice %arg2[%dma_wait3A_254, %dma_wait3A_255] : memref<20000x128xf32, #tpu.memory_space<hbm>> -> memref<128x128xf32, #tpu.memory_space<hbm>>
      tpu.wait_dma2 semaphore(%arg16 : memref<!tpu.dma_semaphore, #tpu.memory_space<semaphore_mem>>) src(%dma_wait3A_256 : memref<128x128xf32, #tpu.memory_space<hbm>>) dst(%arg11 : memref<128x128xf32, #tpu.memory_space<vmem>>)
      %dma_wait3A_257 = arith.constant 0 : i32
      %dma_wait3A_258 = arith.constant 0 : i32
      %dma_wait3A_259 = tpu.memref_slice %arg2[%dma_wait3A_257, %dma_wait3A_258] : memref<20000x128xf32, #tpu.memory_space<hbm>> -> memref<128x128xf32, #tpu.memory_space<hbm>>
      %dma_wait3A_260 = arith.constant 0 : i32
      %dma_wait3A_261 = arith.constant 0 : i32
      %dma_wait3A_262 = tpu.memref_slice %arg2[%dma_wait3A_260, %dma_wait3A_261] : memref<20000x128xf32, #tpu.memory_space<hbm>> -> memref<128x128xf32, #tpu.memory_space<hbm>>
      tpu.wait_dma2 semaphore(%arg16 : memref<!tpu.dma_semaphore, #tpu.memory_space<semaphore_mem>>) src(%dma_wait3A_262 : memref<128x128xf32, #tpu.memory_space<hbm>>) dst(%arg12 : memref<128x128xf32, #tpu.memory_space<vmem>>)
      %scan3A_263 = arith.constant 0 : i32
      scf.yield %scan3A_263 : i32
    }
    %scan3A_22 = arith.constant 15 : i32
    %dma_start3A_23 = arith.constant 3968 : i32
    %dma_start3A_24 = tpu.memref_slice %arg7[%dma_start3A_23] : memref<4096xi32, #tpu.memory_space<vmem>> -> memref<128xi32, #tpu.memory_space<vmem>>
    %dma_start3A_25 = arith.constant 0 : i32
    %dma_start3A_26 = arith.constant 0 : i32
    %dma_start3A_27 = tpu.memref_slice %arg2[%dma_start3A_25, %dma_start3A_26] : memref<20000x128xf32, #tpu.memory_space<hbm>> -> memref<20000x128xf32, #tpu.memory_space<hbm>>
    tpu.enqueue_indirect_dma source(%dma_start3A_27 : memref<20000x128xf32, #tpu.memory_space<hbm>>) target(%arg11 : memref<128x128xf32, #tpu.memory_space<vmem>>) offsets(%dma_start3A_24 : memref<128xi32, #tpu.memory_space<vmem>>) semaphore(%arg14 : memref<!tpu.dma_semaphore, #tpu.memory_space<semaphore_mem>>)
    %dma_start3A_28 = arith.constant 3968 : i32
    %dma_start3A_29 = tpu.memref_slice %arg8[%dma_start3A_28] : memref<4096xi32, #tpu.memory_space<vmem>> -> memref<128xi32, #tpu.memory_space<vmem>>
    %dma_start3A_30 = arith.constant 0 : i32
    %dma_start3A_31 = arith.constant 0 : i32
    %dma_start3A_32 = tpu.memref_slice %arg2[%dma_start3A_30, %dma_start3A_31] : memref<20000x128xf32, #tpu.memory_space<hbm>> -> memref<20000x128xf32, #tpu.memory_space<hbm>>
    tpu.enqueue_indirect_dma source(%dma_start3A_32 : memref<20000x128xf32, #tpu.memory_space<hbm>>) target(%arg12 : memref<128x128xf32, #tpu.memory_space<vmem>>) offsets(%dma_start3A_29 : memref<128xi32, #tpu.memory_space<vmem>>) semaphore(%arg14 : memref<!tpu.dma_semaphore, #tpu.memory_space<semaphore_mem>>)
    %dma_wait3A = arith.constant 0 : i32
    %dma_wait3A_33 = arith.constant 0 : i32
    %dma_wait3A_34 = tpu.memref_slice %arg2[%dma_wait3A, %dma_wait3A_33] : memref<20000x128xf32, #tpu.memory_space<hbm>> -> memref<128x128xf32, #tpu.memory_space<hbm>>
    %dma_wait3A_35 = arith.constant 0 : i32
    %dma_wait3A_36 = arith.constant 0 : i32
    %dma_wait3A_37 = tpu.memref_slice %arg2[%dma_wait3A_35, %dma_wait3A_36] : memref<20000x128xf32, #tpu.memory_space<hbm>> -> memref<128x128xf32, #tpu.memory_space<hbm>>
    tpu.wait_dma2 semaphore(%arg13 : memref<!tpu.dma_semaphore, #tpu.memory_space<semaphore_mem>>) src(%dma_wait3A_37 : memref<128x128xf32, #tpu.memory_space<hbm>>) dst(%arg9 : memref<128x128xf32, #tpu.memory_space<vmem>>)
    %dma_wait3A_38 = arith.constant 0 : i32
    %dma_wait3A_39 = arith.constant 0 : i32
    %dma_wait3A_40 = tpu.memref_slice %arg2[%dma_wait3A_38, %dma_wait3A_39] : memref<20000x128xf32, #tpu.memory_space<hbm>> -> memref<128x128xf32, #tpu.memory_space<hbm>>
    %dma_wait3A_41 = arith.constant 0 : i32
    %dma_wait3A_42 = arith.constant 0 : i32
    %dma_wait3A_43 = tpu.memref_slice %arg2[%dma_wait3A_41, %dma_wait3A_42] : memref<20000x128xf32, #tpu.memory_space<hbm>> -> memref<128x128xf32, #tpu.memory_space<hbm>>
    tpu.wait_dma2 semaphore(%arg13 : memref<!tpu.dma_semaphore, #tpu.memory_space<semaphore_mem>>) src(%dma_wait3A_43 : memref<128x128xf32, #tpu.memory_space<hbm>>) dst(%arg10 : memref<128x128xf32, #tpu.memory_space<vmem>>)
    %add3A = arith.constant 3840 : i32
    %add3A_44 = arith.addi %mul3A_0, %add3A : i32
    %dma_start3A_45 = arith.constant 0 : i32
    %dma_start3A_46 = arith.constant 0 : i32
    %dma_start3A_47 = tpu.memref_slice %arg5[%arg0, %dma_start3A_45, %dma_start3A_46] : memref<2x65536x128xf32, #tpu.memory_space<hbm>> -> memref<1x65536x128xf32, #tpu.memory_space<hbm>>
    %dma_start3A_48 = tpu.memref_squeeze %dma_start3A_47 : memref<1x65536x128xf32, #tpu.memory_space<hbm>> -> memref<65536x128xf32, #tpu.memory_space<hbm>>
    %dma_start3A_49 = arith.constant 0 : i32
    %dma_start3A_50 = tpu.memref_slice %dma_start3A_48[%add3A_44, %dma_start3A_49] : memref<65536x128xf32, #tpu.memory_space<hbm>> -> memref<128x128xf32, #tpu.memory_space<hbm>>
    %dma_start3A_51 = arith.constant 0 : i32
    %dma_start3A_52 = arith.constant 0 : i32
    %dma_start3A_53 = tpu.memref_slice %arg5[%arg0, %dma_start3A_51, %dma_start3A_52] : memref<2x65536x128xf32, #tpu.memory_space<hbm>> -> memref<1x65536x128xf32, #tpu.memory_space<hbm>>
    %dma_start3A_54 = tpu.memref_squeeze %dma_start3A_53 : memref<1x65536x128xf32, #tpu.memory_space<hbm>> -> memref<65536x128xf32, #tpu.memory_space<hbm>>
    %dma_start3A_55 = arith.constant 0 : i32
    %dma_start3A_56 = tpu.memref_slice %dma_start3A_54[%add3A_44, %dma_start3A_55] : memref<65536x128xf32, #tpu.memory_space<hbm>> -> memref<128x128xf32, #tpu.memory_space<hbm>>
    tpu.enqueue_dma source(%arg9 : memref<128x128xf32, #tpu.memory_space<vmem>>) target(%dma_start3A_56 : memref<128x128xf32, #tpu.memory_space<hbm>>) target_semaphore(%arg15 : memref<!tpu.dma_semaphore, #tpu.memory_space<semaphore_mem>>)
    %dma_start3A_57 = arith.constant 0 : i32
    %dma_start3A_58 = arith.constant 0 : i32
    %dma_start3A_59 = tpu.memref_slice %arg6[%arg0, %dma_start3A_57, %dma_start3A_58] : memref<2x65536x128xf32, #tpu.memory_space<hbm>> -> memref<1x65536x128xf32, #tpu.memory_space<hbm>>
    %dma_start3A_60 = tpu.memref_squeeze %dma_start3A_59 : memref<1x65536x128xf32, #tpu.memory_space<hbm>> -> memref<65536x128xf32, #tpu.memory_space<hbm>>
    %dma_start3A_61 = arith.constant 0 : i32
    %dma_start3A_62 = tpu.memref_slice %dma_start3A_60[%add3A_44, %dma_start3A_61] : memref<65536x128xf32, #tpu.memory_space<hbm>> -> memref<128x128xf32, #tpu.memory_space<hbm>>
    %dma_start3A_63 = arith.constant 0 : i32
    %dma_start3A_64 = arith.constant 0 : i32
    %dma_start3A_65 = tpu.memref_slice %arg6[%arg0, %dma_start3A_63, %dma_start3A_64] : memref<2x65536x128xf32, #tpu.memory_space<hbm>> -> memref<1x65536x128xf32, #tpu.memory_space<hbm>>
    %dma_start3A_66 = tpu.memref_squeeze %dma_start3A_65 : memref<1x65536x128xf32, #tpu.memory_space<hbm>> -> memref<65536x128xf32, #tpu.memory_space<hbm>>
    %dma_start3A_67 = arith.constant 0 : i32
    %dma_start3A_68 = tpu.memref_slice %dma_start3A_66[%add3A_44, %dma_start3A_67] : memref<65536x128xf32, #tpu.memory_space<hbm>> -> memref<128x128xf32, #tpu.memory_space<hbm>>
    tpu.enqueue_dma source(%arg10 : memref<128x128xf32, #tpu.memory_space<vmem>>) target(%dma_start3A_68 : memref<128x128xf32, #tpu.memory_space<hbm>>) target_semaphore(%arg15 : memref<!tpu.dma_semaphore, #tpu.memory_space<semaphore_mem>>)
    %dma_wait3A_69 = arith.constant 0 : i32
    %dma_wait3A_70 = arith.constant 0 : i32
    %dma_wait3A_71 = tpu.memref_slice %arg2[%dma_wait3A_69, %dma_wait3A_70] : memref<20000x128xf32, #tpu.memory_space<hbm>> -> memref<128x128xf32, #tpu.memory_space<hbm>>
    %dma_wait3A_72 = arith.constant 0 : i32
    %dma_wait3A_73 = arith.constant 0 : i32
    %dma_wait3A_74 = tpu.memref_slice %arg2[%dma_wait3A_72, %dma_wait3A_73] : memref<20000x128xf32, #tpu.memory_space<hbm>> -> memref<128x128xf32, #tpu.memory_space<hbm>>
    tpu.wait_dma2 semaphore(%arg14 : memref<!tpu.dma_semaphore, #tpu.memory_space<semaphore_mem>>) src(%dma_wait3A_74 : memref<128x128xf32, #tpu.memory_space<hbm>>) dst(%arg11 : memref<128x128xf32, #tpu.memory_space<vmem>>)
    %dma_wait3A_75 = arith.constant 0 : i32
    %dma_wait3A_76 = arith.constant 0 : i32
    %dma_wait3A_77 = tpu.memref_slice %arg2[%dma_wait3A_75, %dma_wait3A_76] : memref<20000x128xf32, #tpu.memory_space<hbm>> -> memref<128x128xf32, #tpu.memory_space<hbm>>
    %dma_wait3A_78 = arith.constant 0 : i32
    %dma_wait3A_79 = arith.constant 0 : i32
    %dma_wait3A_80 = tpu.memref_slice %arg2[%dma_wait3A_78, %dma_wait3A_79] : memref<20000x128xf32, #tpu.memory_space<hbm>> -> memref<128x128xf32, #tpu.memory_space<hbm>>
    tpu.wait_dma2 semaphore(%arg14 : memref<!tpu.dma_semaphore, #tpu.memory_space<semaphore_mem>>) src(%dma_wait3A_80 : memref<128x128xf32, #tpu.memory_space<hbm>>) dst(%arg12 : memref<128x128xf32, #tpu.memory_space<vmem>>)
    %add3A_81 = arith.constant 3968 : i32
    %add3A_82 = arith.addi %mul3A_0, %add3A_81 : i32
    %dma_start3A_83 = arith.constant 0 : i32
    %dma_start3A_84 = arith.constant 0 : i32
    %dma_start3A_85 = tpu.memref_slice %arg5[%arg0, %dma_start3A_83, %dma_start3A_84] : memref<2x65536x128xf32, #tpu.memory_space<hbm>> -> memref<1x65536x128xf32, #tpu.memory_space<hbm>>
    %dma_start3A_86 = tpu.memref_squeeze %dma_start3A_85 : memref<1x65536x128xf32, #tpu.memory_space<hbm>> -> memref<65536x128xf32, #tpu.memory_space<hbm>>
    %dma_start3A_87 = arith.constant 0 : i32
    %dma_start3A_88 = tpu.memref_slice %dma_start3A_86[%add3A_82, %dma_start3A_87] : memref<65536x128xf32, #tpu.memory_space<hbm>> -> memref<128x128xf32, #tpu.memory_space<hbm>>
    %dma_start3A_89 = arith.constant 0 : i32
    %dma_start3A_90 = arith.constant 0 : i32
    %dma_start3A_91 = tpu.memref_slice %arg5[%arg0, %dma_start3A_89, %dma_start3A_90] : memref<2x65536x128xf32, #tpu.memory_space<hbm>> -> memref<1x65536x128xf32, #tpu.memory_space<hbm>>
    %dma_start3A_92 = tpu.memref_squeeze %dma_start3A_91 : memref<1x65536x128xf32, #tpu.memory_space<hbm>> -> memref<65536x128xf32, #tpu.memory_space<hbm>>
    %dma_start3A_93 = arith.constant 0 : i32
    %dma_start3A_94 = tpu.memref_slice %dma_start3A_92[%add3A_82, %dma_start3A_93] : memref<65536x128xf32, #tpu.memory_space<hbm>> -> memref<128x128xf32, #tpu.memory_space<hbm>>
    tpu.enqueue_dma source(%arg11 : memref<128x128xf32, #tpu.memory_space<vmem>>) target(%dma_start3A_94 : memref<128x128xf32, #tpu.memory_space<hbm>>) target_semaphore(%arg16 : memref<!tpu.dma_semaphore, #tpu.memory_space<semaphore_mem>>)
    %dma_start3A_95 = arith.constant 0 : i32
    %dma_start3A_96 = arith.constant 0 : i32
    %dma_start3A_97 = tpu.memref_slice %arg6[%arg0, %dma_start3A_95, %dma_start3A_96] : memref<2x65536x128xf32, #tpu.memory_space<hbm>> -> memref<1x65536x128xf32, #tpu.memory_space<hbm>>
    %dma_start3A_98 = tpu.memref_squeeze %dma_start3A_97 : memref<1x65536x128xf32, #tpu.memory_space<hbm>> -> memref<65536x128xf32, #tpu.memory_space<hbm>>
    %dma_start3A_99 = arith.constant 0 : i32
    %dma_start3A_100 = tpu.memref_slice %dma_start3A_98[%add3A_82, %dma_start3A_99] : memref<65536x128xf32, #tpu.memory_space<hbm>> -> memref<128x128xf32, #tpu.memory_space<hbm>>
    %dma_start3A_101 = arith.constant 0 : i32
    %dma_start3A_102 = arith.constant 0 : i32
    %dma_start3A_103 = tpu.memref_slice %arg6[%arg0, %dma_start3A_101, %dma_start3A_102] : memref<2x65536x128xf32, #tpu.memory_space<hbm>> -> memref<1x65536x128xf32, #tpu.memory_space<hbm>>
    %dma_start3A_104 = tpu.memref_squeeze %dma_start3A_103 : memref<1x65536x128xf32, #tpu.memory_space<hbm>> -> memref<65536x128xf32, #tpu.memory_space<hbm>>
    %dma_start3A_105 = arith.constant 0 : i32
    %dma_start3A_106 = tpu.memref_slice %dma_start3A_104[%add3A_82, %dma_start3A_105] : memref<65536x128xf32, #tpu.memory_space<hbm>> -> memref<128x128xf32, #tpu.memory_space<hbm>>
    tpu.enqueue_dma source(%arg12 : memref<128x128xf32, #tpu.memory_space<vmem>>) target(%dma_start3A_106 : memref<128x128xf32, #tpu.memory_space<hbm>>) target_semaphore(%arg16 : memref<!tpu.dma_semaphore, #tpu.memory_space<semaphore_mem>>)
    %dma_wait3A_107 = arith.constant 0 : i32
    %dma_wait3A_108 = arith.constant 0 : i32
    %dma_wait3A_109 = tpu.memref_slice %arg2[%dma_wait3A_107, %dma_wait3A_108] : memref<20000x128xf32, #tpu.memory_space<hbm>> -> memref<128x128xf32, #tpu.memory_space<hbm>>
    %dma_wait3A_110 = arith.constant 0 : i32
    %dma_wait3A_111 = arith.constant 0 : i32
    %dma_wait3A_112 = tpu.memref_slice %arg2[%dma_wait3A_110, %dma_wait3A_111] : memref<20000x128xf32, #tpu.memory_space<hbm>> -> memref<128x128xf32, #tpu.memory_space<hbm>>
    tpu.wait_dma2 semaphore(%arg15 : memref<!tpu.dma_semaphore, #tpu.memory_space<semaphore_mem>>) src(%dma_wait3A_112 : memref<128x128xf32, #tpu.memory_space<hbm>>) dst(%arg9 : memref<128x128xf32, #tpu.memory_space<vmem>>)
    %dma_wait3A_113 = arith.constant 0 : i32
    %dma_wait3A_114 = arith.constant 0 : i32
    %dma_wait3A_115 = tpu.memref_slice %arg2[%dma_wait3A_113, %dma_wait3A_114] : memref<20000x128xf32, #tpu.memory_space<hbm>> -> memref<128x128xf32, #tpu.memory_space<hbm>>
    %dma_wait3A_116 = arith.constant 0 : i32
    %dma_wait3A_117 = arith.constant 0 : i32
    %dma_wait3A_118 = tpu.memref_slice %arg2[%dma_wait3A_116, %dma_wait3A_117] : memref<20000x128xf32, #tpu.memory_space<hbm>> -> memref<128x128xf32, #tpu.memory_space<hbm>>
    tpu.wait_dma2 semaphore(%arg15 : memref<!tpu.dma_semaphore, #tpu.memory_space<semaphore_mem>>) src(%dma_wait3A_118 : memref<128x128xf32, #tpu.memory_space<hbm>>) dst(%arg10 : memref<128x128xf32, #tpu.memory_space<vmem>>)
    %dma_wait3A_119 = arith.constant 0 : i32
    %dma_wait3A_120 = arith.constant 0 : i32
    %dma_wait3A_121 = tpu.memref_slice %arg2[%dma_wait3A_119, %dma_wait3A_120] : memref<20000x128xf32, #tpu.memory_space<hbm>> -> memref<128x128xf32, #tpu.memory_space<hbm>>
    %dma_wait3A_122 = arith.constant 0 : i32
    %dma_wait3A_123 = arith.constant 0 : i32
    %dma_wait3A_124 = tpu.memref_slice %arg2[%dma_wait3A_122, %dma_wait3A_123] : memref<20000x128xf32, #tpu.memory_space<hbm>> -> memref<128x128xf32, #tpu.memory_space<hbm>>
    tpu.wait_dma2 semaphore(%arg16 : memref<!tpu.dma_semaphore, #tpu.memory_space<semaphore_mem>>) src(%dma_wait3A_124 : memref<128x128xf32, #tpu.memory_space<hbm>>) dst(%arg11 : memref<128x128xf32, #tpu.memory_space<vmem>>)
    %dma_wait3A_125 = arith.constant 0 : i32
    %dma_wait3A_126 = arith.constant 0 : i32
    %dma_wait3A_127 = tpu.memref_slice %arg2[%dma_wait3A_125, %dma_wait3A_126] : memref<20000x128xf32, #tpu.memory_space<hbm>> -> memref<128x128xf32, #tpu.memory_space<hbm>>
    %dma_wait3A_128 = arith.constant 0 : i32
    %dma_wait3A_129 = arith.constant 0 : i32
    %dma_wait3A_130 = tpu.memref_slice %arg2[%dma_wait3A_128, %dma_wait3A_129] : memref<20000x128xf32, #tpu.memory_space<hbm>> -> memref<128x128xf32, #tpu.memory_space<hbm>>
    tpu.wait_dma2 semaphore(%arg16 : memref<!tpu.dma_semaphore, #tpu.memory_space<semaphore_mem>>) src(%dma_wait3A_130 : memref<128x128xf32, #tpu.memory_space<hbm>>) dst(%arg12 : memref<128x128xf32, #tpu.memory_space<vmem>>)
    return
  }
}

#map = affine_map<(d0, d1) -> (0)>
#map1 = affine_map<(d0, d1) -> (0, 0)>
#map2 = affine_map<(d0, d1) -> (0, 0, 0)>
module attributes {stable_mosaic.version = 14 : i64} {
  func.func @k(%arg0: i32, %arg1: i32, %arg2: memref<160000xi32, #tpu.memory_space<hbm>>, %arg3: memref<10112x128xf32, #tpu.memory_space<hbm>>, %arg4: memref<16x128xf32, #tpu.memory_space<hbm>>, %arg5: memref<2x10112x128xf32, #tpu.memory_space<hbm>>, %arg6: memref<10000xi32, #tpu.memory_space<vmem>>, %arg7: memref<16x128xf32, #tpu.memory_space<vmem>>, %arg8: memref<10112x128xf32, #tpu.memory_space<vmem_shared>>, %arg9: memref<!tpu.dma_semaphore, #tpu.memory_space<semaphore_mem>>) attributes {dimension_semantics = [#tpu.dimension_semantics<core_parallel>, #tpu.dimension_semantics<subcore_parallel>], iteration_bounds = array<i64: 2, 16>, scalar_prefetch = 0 : i64, scratch_operands = 4 : i64, tpu.core_type = #tpu.core_type<sc_vector_subcore>, window_params = [{transform_indices = #map}, {transform_indices = #map1}, {transform_indices = #map1}, {transform_indices = #map2}]} {
    %mul3A = arith.constant 632 : i32
    %mul3A_0 = arith.muli %arg1, %mul3A : i32
    "tpu.region"() ({
      %run_scoped3A = tpu.sem_alloc : memref<!tpu.dma_semaphore, #tpu.memory_space<semaphore_mem>>
      %dma_start3A = arith.constant 0 : i32
      %dma_start3A_18 = tpu.memref_slice %arg8[%mul3A_0, %dma_start3A] : memref<10112x128xf32, #tpu.memory_space<vmem_shared>> -> memref<632x128xf32, #tpu.memory_space<vmem_shared>>
      %dma_start3A_19 = arith.constant 0 : i32
      %dma_start3A_20 = tpu.memref_slice %arg3[%mul3A_0, %dma_start3A_19] : memref<10112x128xf32, #tpu.memory_space<hbm>> -> memref<632x128xf32, #tpu.memory_space<hbm>>
      tpu.enqueue_dma source(%dma_start3A_20 : memref<632x128xf32, #tpu.memory_space<hbm>>) target(%dma_start3A_18 : memref<632x128xf32, #tpu.memory_space<vmem_shared>>) target_semaphore(%run_scoped3A : memref<!tpu.dma_semaphore, #tpu.memory_space<semaphore_mem>>)
      %dma_wait3A = arith.constant 0 : i32
      %dma_wait3A_21 = tpu.memref_slice %arg8[%mul3A_0, %dma_wait3A] : memref<10112x128xf32, #tpu.memory_space<vmem_shared>> -> memref<632x128xf32, #tpu.memory_space<vmem_shared>>
      %dma_wait3A_22 = arith.constant 0 : i32
      %dma_wait3A_23 = tpu.memref_slice %arg3[%mul3A_0, %dma_wait3A_22] : memref<10112x128xf32, #tpu.memory_space<hbm>> -> memref<632x128xf32, #tpu.memory_space<hbm>>
      tpu.wait_dma2 semaphore(%run_scoped3A : memref<!tpu.dma_semaphore, #tpu.memory_space<semaphore_mem>>) src(%dma_wait3A_23 : memref<632x128xf32, #tpu.memory_space<hbm>>) dst(%dma_wait3A_21 : memref<632x128xf32, #tpu.memory_space<vmem_shared>>)
      tpu.yield
    }) : () -> ()
    "tpu.region"() ({
      %run_scoped3A = tpu.sem_alloc : memref<!tpu.dma_semaphore, #tpu.memory_space<semaphore_mem>>
      tpu.enqueue_dma source(%arg4 : memref<16x128xf32, #tpu.memory_space<hbm>>) target(%arg7 : memref<16x128xf32, #tpu.memory_space<vmem>>) target_semaphore(%run_scoped3A : memref<!tpu.dma_semaphore, #tpu.memory_space<semaphore_mem>>)
      tpu.wait_dma2 semaphore(%run_scoped3A : memref<!tpu.dma_semaphore, #tpu.memory_space<semaphore_mem>>) src(%arg4 : memref<16x128xf32, #tpu.memory_space<hbm>>) dst(%arg7 : memref<16x128xf32, #tpu.memory_space<vmem>>)
      tpu.yield
    }) : () -> ()
    %mul3A_1 = arith.constant 10000 : i32
    %mul3A_2 = arith.muli %arg1, %mul3A_1 : i32
    "tpu.region"() ({
      %run_scoped3A = tpu.sem_alloc : memref<!tpu.dma_semaphore, #tpu.memory_space<semaphore_mem>>
      %dma_start3A = tpu.memref_slice %arg2[%mul3A_2] : memref<160000xi32, #tpu.memory_space<hbm>> -> memref<10000xi32, #tpu.memory_space<hbm>>
      %dma_start3A_18 = tpu.memref_slice %arg2[%mul3A_2] : memref<160000xi32, #tpu.memory_space<hbm>> -> memref<10000xi32, #tpu.memory_space<hbm>>
      tpu.enqueue_dma source(%dma_start3A_18 : memref<10000xi32, #tpu.memory_space<hbm>>) target(%arg6 : memref<10000xi32, #tpu.memory_space<vmem>>) target_semaphore(%run_scoped3A : memref<!tpu.dma_semaphore, #tpu.memory_space<semaphore_mem>>)
      %dma_wait3A = tpu.memref_slice %arg2[%mul3A_2] : memref<160000xi32, #tpu.memory_space<hbm>> -> memref<10000xi32, #tpu.memory_space<hbm>>
      %dma_wait3A_19 = tpu.memref_slice %arg2[%mul3A_2] : memref<160000xi32, #tpu.memory_space<hbm>> -> memref<10000xi32, #tpu.memory_space<hbm>>
      tpu.wait_dma2 semaphore(%run_scoped3A : memref<!tpu.dma_semaphore, #tpu.memory_space<semaphore_mem>>) src(%dma_wait3A_19 : memref<10000xi32, #tpu.memory_space<hbm>>) dst(%arg6 : memref<10000xi32, #tpu.memory_space<vmem>>)
      tpu.yield
    }) : () -> ()
    %barrier3A = arith.constant 0 : index
    tpu.barrier barrier_id(%barrier3A)
    %mul3A_3 = arith.constant 63 : i32
    %mul3A_4 = arith.muli %arg0, %mul3A_3 : i32
    %sub3A = arith.constant 63 : i32
    %sub3A_5 = arith.subi %sub3A, %arg0 : i32
    %while3A = arith.constant 0 : i32
    %while3A_6 = arith.constant 0 : i32
    %while3A_7 = arith.subi %sub3A_5, %while3A : i32
    %while3A_8 = arith.addi %while3A, %while3A_7 : i32
    %while3A_9 = arith.constant 1 : i32
    %while3A_10 = arith.divsi %while3A_7, %while3A_9 : i32
    %while3A_11 = arith.muli %while3A_10, %while3A_9 : i32
    %while3A_12 = arith.addi %while3A, %while3A_11 : i32
    %while3A_13 = arith.constant 1 : i32
    %while3A_14 = scf.for %while3A_18 = %while3A to %while3A_12 step %while3A_13 iter_args(%while3A_19 = %while3A_6) -> (i32)  : i32 {
      %add3A = arith.addi %mul3A_4, %while3A_18 : i32
      %mul3A_20 = arith.constant 80 : i32
      %mul3A_21 = arith.muli %add3A, %mul3A_20 : i32
      %add3A_22 = arith.constant 0 : i32
      %add3A_23 = arith.addi %mul3A_21, %add3A_22 : i32
      %get3A = arith.index_cast %add3A_23 : i32 to index
      %get3A_24 = tpu.vector_load %arg6[%get3A] {strides = array<i32>} : memref<10000xi32, #tpu.memory_space<vmem>>, vector<16xi32>,
      %get3A_25 = vector.shape_cast %get3A_24 : vector<16xi32> to vector<16xi32>
      %dma_start3A = arith.constant 0 : i32
      %dma_start3A_26 = arith.constant 0 : i32
      %dma_start3A_27 = tpu.memref_slice %arg8[%dma_start3A, %dma_start3A_26] : memref<10112x128xf32, #tpu.memory_space<vmem_shared>> -> memref<10112x128xf32, #tpu.memory_space<vmem_shared>>
      tpu.enqueue_indirect_dma source(%arg7 : memref<16x128xf32, #tpu.memory_space<vmem>>) target(%dma_start3A_27 : memref<10112x128xf32, #tpu.memory_space<vmem_shared>>) offsets(%get3A_25 : vector<16xi32>) semaphore(%arg9 : memref<!tpu.dma_semaphore, #tpu.memory_space<semaphore_mem>>) {add = true}
      %add3A_28 = arith.constant 16 : i32
      %add3A_29 = arith.addi %mul3A_21, %add3A_28 : i32
      %get3A_30 = arith.index_cast %add3A_29 : i32 to index
      %get3A_31 = tpu.vector_load %arg6[%get3A_30] {strides = array<i32>} : memref<10000xi32, #tpu.memory_space<vmem>>, vector<16xi32>,
      %get3A_32 = vector.shape_cast %get3A_31 : vector<16xi32> to vector<16xi32>
      %dma_start3A_33 = arith.constant 0 : i32
      %dma_start3A_34 = arith.constant 0 : i32
      %dma_start3A_35 = tpu.memref_slice %arg8[%dma_start3A_33, %dma_start3A_34] : memref<10112x128xf32, #tpu.memory_space<vmem_shared>> -> memref<10112x128xf32, #tpu.memory_space<vmem_shared>>
      tpu.enqueue_indirect_dma source(%arg7 : memref<16x128xf32, #tpu.memory_space<vmem>>) target(%dma_start3A_35 : memref<10112x128xf32, #tpu.memory_space<vmem_shared>>) offsets(%get3A_32 : vector<16xi32>) semaphore(%arg9 : memref<!tpu.dma_semaphore, #tpu.memory_space<semaphore_mem>>) {add = true}
      %add3A_36 = arith.constant 32 : i32
      %add3A_37 = arith.addi %mul3A_21, %add3A_36 : i32
      %get3A_38 = arith.index_cast %add3A_37 : i32 to index
      %get3A_39 = tpu.vector_load %arg6[%get3A_38] {strides = array<i32>} : memref<10000xi32, #tpu.memory_space<vmem>>, vector<16xi32>,
      %get3A_40 = vector.shape_cast %get3A_39 : vector<16xi32> to vector<16xi32>
      %dma_start3A_41 = arith.constant 0 : i32
      %dma_start3A_42 = arith.constant 0 : i32
      %dma_start3A_43 = tpu.memref_slice %arg8[%dma_start3A_41, %dma_start3A_42] : memref<10112x128xf32, #tpu.memory_space<vmem_shared>> -> memref<10112x128xf32, #tpu.memory_space<vmem_shared>>
      tpu.enqueue_indirect_dma source(%arg7 : memref<16x128xf32, #tpu.memory_space<vmem>>) target(%dma_start3A_43 : memref<10112x128xf32, #tpu.memory_space<vmem_shared>>) offsets(%get3A_40 : vector<16xi32>) semaphore(%arg9 : memref<!tpu.dma_semaphore, #tpu.memory_space<semaphore_mem>>) {add = true}
      %add3A_44 = arith.constant 48 : i32
      %add3A_45 = arith.addi %mul3A_21, %add3A_44 : i32
      %get3A_46 = arith.index_cast %add3A_45 : i32 to index
      %get3A_47 = tpu.vector_load %arg6[%get3A_46] {strides = array<i32>} : memref<10000xi32, #tpu.memory_space<vmem>>, vector<16xi32>,
      %get3A_48 = vector.shape_cast %get3A_47 : vector<16xi32> to vector<16xi32>
      %dma_start3A_49 = arith.constant 0 : i32
      %dma_start3A_50 = arith.constant 0 : i32
      %dma_start3A_51 = tpu.memref_slice %arg8[%dma_start3A_49, %dma_start3A_50] : memref<10112x128xf32, #tpu.memory_space<vmem_shared>> -> memref<10112x128xf32, #tpu.memory_space<vmem_shared>>
      tpu.enqueue_indirect_dma source(%arg7 : memref<16x128xf32, #tpu.memory_space<vmem>>) target(%dma_start3A_51 : memref<10112x128xf32, #tpu.memory_space<vmem_shared>>) offsets(%get3A_48 : vector<16xi32>) semaphore(%arg9 : memref<!tpu.dma_semaphore, #tpu.memory_space<semaphore_mem>>) {add = true}
      %add3A_52 = arith.constant 64 : i32
      %add3A_53 = arith.addi %mul3A_21, %add3A_52 : i32
      %get3A_54 = arith.index_cast %add3A_53 : i32 to index
      %get3A_55 = tpu.vector_load %arg6[%get3A_54] {strides = array<i32>} : memref<10000xi32, #tpu.memory_space<vmem>>, vector<16xi32>,
      %get3A_56 = vector.shape_cast %get3A_55 : vector<16xi32> to vector<16xi32>
      %dma_start3A_57 = arith.constant 0 : i32
      %dma_start3A_58 = arith.constant 0 : i32
      %dma_start3A_59 = tpu.memref_slice %arg8[%dma_start3A_57, %dma_start3A_58] : memref<10112x128xf32, #tpu.memory_space<vmem_shared>> -> memref<10112x128xf32, #tpu.memory_space<vmem_shared>>
      tpu.enqueue_indirect_dma source(%arg7 : memref<16x128xf32, #tpu.memory_space<vmem>>) target(%dma_start3A_59 : memref<10112x128xf32, #tpu.memory_space<vmem_shared>>) offsets(%get3A_56 : vector<16xi32>) semaphore(%arg9 : memref<!tpu.dma_semaphore, #tpu.memory_space<semaphore_mem>>) {add = true}
      %dma_wait3A = arith.constant 0 : i32
      %dma_wait3A_60 = arith.constant 0 : i32
      %dma_wait3A_61 = tpu.memref_slice %arg8[%dma_wait3A, %dma_wait3A_60] : memref<10112x128xf32, #tpu.memory_space<vmem_shared>> -> memref<10112x128xf32, #tpu.memory_space<vmem_shared>>
      tpu.wait_indirect_dma semaphore(%arg9 : memref<!tpu.dma_semaphore, #tpu.memory_space<semaphore_mem>>) src(%arg7 : memref<16x128xf32, #tpu.memory_space<vmem>>) dst(%dma_wait3A_61 : memref<10112x128xf32, #tpu.memory_space<vmem_shared>>)
      %dma_wait3A_62 = arith.constant 0 : i32
      %dma_wait3A_63 = arith.constant 0 : i32
      %dma_wait3A_64 = tpu.memref_slice %arg8[%dma_wait3A_62, %dma_wait3A_63] : memref<10112x128xf32, #tpu.memory_space<vmem_shared>> -> memref<10112x128xf32, #tpu.memory_space<vmem_shared>>
      tpu.wait_indirect_dma semaphore(%arg9 : memref<!tpu.dma_semaphore, #tpu.memory_space<semaphore_mem>>) src(%arg7 : memref<16x128xf32, #tpu.memory_space<vmem>>) dst(%dma_wait3A_64 : memref<10112x128xf32, #tpu.memory_space<vmem_shared>>)
      %dma_wait3A_65 = arith.constant 0 : i32
      %dma_wait3A_66 = arith.constant 0 : i32
      %dma_wait3A_67 = tpu.memref_slice %arg8[%dma_wait3A_65, %dma_wait3A_66] : memref<10112x128xf32, #tpu.memory_space<vmem_shared>> -> memref<10112x128xf32, #tpu.memory_space<vmem_shared>>
      tpu.wait_indirect_dma semaphore(%arg9 : memref<!tpu.dma_semaphore, #tpu.memory_space<semaphore_mem>>) src(%arg7 : memref<16x128xf32, #tpu.memory_space<vmem>>) dst(%dma_wait3A_67 : memref<10112x128xf32, #tpu.memory_space<vmem_shared>>)
      %dma_wait3A_68 = arith.constant 0 : i32
      %dma_wait3A_69 = arith.constant 0 : i32
      %dma_wait3A_70 = tpu.memref_slice %arg8[%dma_wait3A_68, %dma_wait3A_69] : memref<10112x128xf32, #tpu.memory_space<vmem_shared>> -> memref<10112x128xf32, #tpu.memory_space<vmem_shared>>
      tpu.wait_indirect_dma semaphore(%arg9 : memref<!tpu.dma_semaphore, #tpu.memory_space<semaphore_mem>>) src(%arg7 : memref<16x128xf32, #tpu.memory_space<vmem>>) dst(%dma_wait3A_70 : memref<10112x128xf32, #tpu.memory_space<vmem_shared>>)
      %dma_wait3A_71 = arith.constant 0 : i32
      %dma_wait3A_72 = arith.constant 0 : i32
      %dma_wait3A_73 = tpu.memref_slice %arg8[%dma_wait3A_71, %dma_wait3A_72] : memref<10112x128xf32, #tpu.memory_space<vmem_shared>> -> memref<10112x128xf32, #tpu.memory_space<vmem_shared>>
      tpu.wait_indirect_dma semaphore(%arg9 : memref<!tpu.dma_semaphore, #tpu.memory_space<semaphore_mem>>) src(%arg7 : memref<16x128xf32, #tpu.memory_space<vmem>>) dst(%dma_wait3A_73 : memref<10112x128xf32, #tpu.memory_space<vmem_shared>>)
      %while3A_74 = arith.constant 0 : i32
      scf.yield %while3A_74 : i32
    }
    %while3A_15 = arith.constant 1 : i32
    %while3A_16 = scf.for %while3A_18 = %while3A_12 to %while3A_8 step %while3A_15 iter_args(%while3A_19 = %while3A_14) -> (i32)  : i32 {
      %add3A = arith.addi %mul3A_4, %while3A_18 : i32
      %mul3A_20 = arith.constant 80 : i32
      %mul3A_21 = arith.muli %add3A, %mul3A_20 : i32
      %add3A_22 = arith.constant 0 : i32
      %add3A_23 = arith.addi %mul3A_21, %add3A_22 : i32
      %get3A = arith.index_cast %add3A_23 : i32 to index
      %get3A_24 = tpu.vector_load %arg6[%get3A] {strides = array<i32>} : memref<10000xi32, #tpu.memory_space<vmem>>, vector<16xi32>,
      %get3A_25 = vector.shape_cast %get3A_24 : vector<16xi32> to vector<16xi32>
      %dma_start3A = arith.constant 0 : i32
      %dma_start3A_26 = arith.constant 0 : i32
      %dma_start3A_27 = tpu.memref_slice %arg8[%dma_start3A, %dma_start3A_26] : memref<10112x128xf32, #tpu.memory_space<vmem_shared>> -> memref<10112x128xf32, #tpu.memory_space<vmem_shared>>
      tpu.enqueue_indirect_dma source(%arg7 : memref<16x128xf32, #tpu.memory_space<vmem>>) target(%dma_start3A_27 : memref<10112x128xf32, #tpu.memory_space<vmem_shared>>) offsets(%get3A_25 : vector<16xi32>) semaphore(%arg9 : memref<!tpu.dma_semaphore, #tpu.memory_space<semaphore_mem>>) {add = true}
      %add3A_28 = arith.constant 16 : i32
      %add3A_29 = arith.addi %mul3A_21, %add3A_28 : i32
      %get3A_30 = arith.index_cast %add3A_29 : i32 to index
      %get3A_31 = tpu.vector_load %arg6[%get3A_30] {strides = array<i32>} : memref<10000xi32, #tpu.memory_space<vmem>>, vector<16xi32>,
      %get3A_32 = vector.shape_cast %get3A_31 : vector<16xi32> to vector<16xi32>
      %dma_start3A_33 = arith.constant 0 : i32
      %dma_start3A_34 = arith.constant 0 : i32
      %dma_start3A_35 = tpu.memref_slice %arg8[%dma_start3A_33, %dma_start3A_34] : memref<10112x128xf32, #tpu.memory_space<vmem_shared>> -> memref<10112x128xf32, #tpu.memory_space<vmem_shared>>
      tpu.enqueue_indirect_dma source(%arg7 : memref<16x128xf32, #tpu.memory_space<vmem>>) target(%dma_start3A_35 : memref<10112x128xf32, #tpu.memory_space<vmem_shared>>) offsets(%get3A_32 : vector<16xi32>) semaphore(%arg9 : memref<!tpu.dma_semaphore, #tpu.memory_space<semaphore_mem>>) {add = true}
      %add3A_36 = arith.constant 32 : i32
      %add3A_37 = arith.addi %mul3A_21, %add3A_36 : i32
      %get3A_38 = arith.index_cast %add3A_37 : i32 to index
      %get3A_39 = tpu.vector_load %arg6[%get3A_38] {strides = array<i32>} : memref<10000xi32, #tpu.memory_space<vmem>>, vector<16xi32>,
      %get3A_40 = vector.shape_cast %get3A_39 : vector<16xi32> to vector<16xi32>
      %dma_start3A_41 = arith.constant 0 : i32
      %dma_start3A_42 = arith.constant 0 : i32
      %dma_start3A_43 = tpu.memref_slice %arg8[%dma_start3A_41, %dma_start3A_42] : memref<10112x128xf32, #tpu.memory_space<vmem_shared>> -> memref<10112x128xf32, #tpu.memory_space<vmem_shared>>
      tpu.enqueue_indirect_dma source(%arg7 : memref<16x128xf32, #tpu.memory_space<vmem>>) target(%dma_start3A_43 : memref<10112x128xf32, #tpu.memory_space<vmem_shared>>) offsets(%get3A_40 : vector<16xi32>) semaphore(%arg9 : memref<!tpu.dma_semaphore, #tpu.memory_space<semaphore_mem>>) {add = true}
      %add3A_44 = arith.constant 48 : i32
      %add3A_45 = arith.addi %mul3A_21, %add3A_44 : i32
      %get3A_46 = arith.index_cast %add3A_45 : i32 to index
      %get3A_47 = tpu.vector_load %arg6[%get3A_46] {strides = array<i32>} : memref<10000xi32, #tpu.memory_space<vmem>>, vector<16xi32>,
      %get3A_48 = vector.shape_cast %get3A_47 : vector<16xi32> to vector<16xi32>
      %dma_start3A_49 = arith.constant 0 : i32
      %dma_start3A_50 = arith.constant 0 : i32
      %dma_start3A_51 = tpu.memref_slice %arg8[%dma_start3A_49, %dma_start3A_50] : memref<10112x128xf32, #tpu.memory_space<vmem_shared>> -> memref<10112x128xf32, #tpu.memory_space<vmem_shared>>
      tpu.enqueue_indirect_dma source(%arg7 : memref<16x128xf32, #tpu.memory_space<vmem>>) target(%dma_start3A_51 : memref<10112x128xf32, #tpu.memory_space<vmem_shared>>) offsets(%get3A_48 : vector<16xi32>) semaphore(%arg9 : memref<!tpu.dma_semaphore, #tpu.memory_space<semaphore_mem>>) {add = true}
      %add3A_52 = arith.constant 64 : i32
      %add3A_53 = arith.addi %mul3A_21, %add3A_52 : i32
      %get3A_54 = arith.index_cast %add3A_53 : i32 to index
      %get3A_55 = tpu.vector_load %arg6[%get3A_54] {strides = array<i32>} : memref<10000xi32, #tpu.memory_space<vmem>>, vector<16xi32>,
      %get3A_56 = vector.shape_cast %get3A_55 : vector<16xi32> to vector<16xi32>
      %dma_start3A_57 = arith.constant 0 : i32
      %dma_start3A_58 = arith.constant 0 : i32
      %dma_start3A_59 = tpu.memref_slice %arg8[%dma_start3A_57, %dma_start3A_58] : memref<10112x128xf32, #tpu.memory_space<vmem_shared>> -> memref<10112x128xf32, #tpu.memory_space<vmem_shared>>
      tpu.enqueue_indirect_dma source(%arg7 : memref<16x128xf32, #tpu.memory_space<vmem>>) target(%dma_start3A_59 : memref<10112x128xf32, #tpu.memory_space<vmem_shared>>) offsets(%get3A_56 : vector<16xi32>) semaphore(%arg9 : memref<!tpu.dma_semaphore, #tpu.memory_space<semaphore_mem>>) {add = true}
      %dma_wait3A = arith.constant 0 : i32
      %dma_wait3A_60 = arith.constant 0 : i32
      %dma_wait3A_61 = tpu.memref_slice %arg8[%dma_wait3A, %dma_wait3A_60] : memref<10112x128xf32, #tpu.memory_space<vmem_shared>> -> memref<10112x128xf32, #tpu.memory_space<vmem_shared>>
      tpu.wait_indirect_dma semaphore(%arg9 : memref<!tpu.dma_semaphore, #tpu.memory_space<semaphore_mem>>) src(%arg7 : memref<16x128xf32, #tpu.memory_space<vmem>>) dst(%dma_wait3A_61 : memref<10112x128xf32, #tpu.memory_space<vmem_shared>>)
      %dma_wait3A_62 = arith.constant 0 : i32
      %dma_wait3A_63 = arith.constant 0 : i32
      %dma_wait3A_64 = tpu.memref_slice %arg8[%dma_wait3A_62, %dma_wait3A_63] : memref<10112x128xf32, #tpu.memory_space<vmem_shared>> -> memref<10112x128xf32, #tpu.memory_space<vmem_shared>>
      tpu.wait_indirect_dma semaphore(%arg9 : memref<!tpu.dma_semaphore, #tpu.memory_space<semaphore_mem>>) src(%arg7 : memref<16x128xf32, #tpu.memory_space<vmem>>) dst(%dma_wait3A_64 : memref<10112x128xf32, #tpu.memory_space<vmem_shared>>)
      %dma_wait3A_65 = arith.constant 0 : i32
      %dma_wait3A_66 = arith.constant 0 : i32
      %dma_wait3A_67 = tpu.memref_slice %arg8[%dma_wait3A_65, %dma_wait3A_66] : memref<10112x128xf32, #tpu.memory_space<vmem_shared>> -> memref<10112x128xf32, #tpu.memory_space<vmem_shared>>
      tpu.wait_indirect_dma semaphore(%arg9 : memref<!tpu.dma_semaphore, #tpu.memory_space<semaphore_mem>>) src(%arg7 : memref<16x128xf32, #tpu.memory_space<vmem>>) dst(%dma_wait3A_67 : memref<10112x128xf32, #tpu.memory_space<vmem_shared>>)
      %dma_wait3A_68 = arith.constant 0 : i32
      %dma_wait3A_69 = arith.constant 0 : i32
      %dma_wait3A_70 = tpu.memref_slice %arg8[%dma_wait3A_68, %dma_wait3A_69] : memref<10112x128xf32, #tpu.memory_space<vmem_shared>> -> memref<10112x128xf32, #tpu.memory_space<vmem_shared>>
      tpu.wait_indirect_dma semaphore(%arg9 : memref<!tpu.dma_semaphore, #tpu.memory_space<semaphore_mem>>) src(%arg7 : memref<16x128xf32, #tpu.memory_space<vmem>>) dst(%dma_wait3A_70 : memref<10112x128xf32, #tpu.memory_space<vmem_shared>>)
      %dma_wait3A_71 = arith.constant 0 : i32
      %dma_wait3A_72 = arith.constant 0 : i32
      %dma_wait3A_73 = tpu.memref_slice %arg8[%dma_wait3A_71, %dma_wait3A_72] : memref<10112x128xf32, #tpu.memory_space<vmem_shared>> -> memref<10112x128xf32, #tpu.memory_space<vmem_shared>>
      tpu.wait_indirect_dma semaphore(%arg9 : memref<!tpu.dma_semaphore, #tpu.memory_space<semaphore_mem>>) src(%arg7 : memref<16x128xf32, #tpu.memory_space<vmem>>) dst(%dma_wait3A_73 : memref<10112x128xf32, #tpu.memory_space<vmem_shared>>)
      %while3A_74 = arith.constant 0 : i32
      scf.yield %while3A_74 : i32
    }
    %barrier3A_17 = arith.constant 0 : index
    tpu.barrier barrier_id(%barrier3A_17)
    "tpu.region"() ({
      %run_scoped3A = tpu.sem_alloc : memref<!tpu.dma_semaphore, #tpu.memory_space<semaphore_mem>>
      %dma_start3A = arith.constant 0 : i32
      %dma_start3A_18 = arith.constant 0 : i32
      %dma_start3A_19 = tpu.memref_slice %arg5[%arg0, %dma_start3A, %dma_start3A_18] : memref<2x10112x128xf32, #tpu.memory_space<hbm>> -> memref<1x10112x128xf32, #tpu.memory_space<hbm>>
      %dma_start3A_20 = tpu.memref_squeeze %dma_start3A_19 : memref<1x10112x128xf32, #tpu.memory_space<hbm>> -> memref<10112x128xf32, #tpu.memory_space<hbm>>
      %dma_start3A_21 = arith.constant 0 : i32
      %dma_start3A_22 = tpu.memref_slice %dma_start3A_20[%mul3A_0, %dma_start3A_21] : memref<10112x128xf32, #tpu.memory_space<hbm>> -> memref<632x128xf32, #tpu.memory_space<hbm>>
      %dma_start3A_23 = arith.constant 0 : i32
      %dma_start3A_24 = tpu.memref_slice %arg8[%mul3A_0, %dma_start3A_23] : memref<10112x128xf32, #tpu.memory_space<vmem_shared>> -> memref<632x128xf32, #tpu.memory_space<vmem_shared>>
      tpu.enqueue_dma source(%dma_start3A_24 : memref<632x128xf32, #tpu.memory_space<vmem_shared>>) target(%dma_start3A_22 : memref<632x128xf32, #tpu.memory_space<hbm>>) target_semaphore(%run_scoped3A : memref<!tpu.dma_semaphore, #tpu.memory_space<semaphore_mem>>)
      %dma_wait3A = arith.constant 0 : i32
      %dma_wait3A_25 = arith.constant 0 : i32
      %dma_wait3A_26 = tpu.memref_slice %arg5[%arg0, %dma_wait3A, %dma_wait3A_25] : memref<2x10112x128xf32, #tpu.memory_space<hbm>> -> memref<1x10112x128xf32, #tpu.memory_space<hbm>>
      %dma_wait3A_27 = tpu.memref_squeeze %dma_wait3A_26 : memref<1x10112x128xf32, #tpu.memory_space<hbm>> -> memref<10112x128xf32, #tpu.memory_space<hbm>>
      %dma_wait3A_28 = arith.constant 0 : i32
      %dma_wait3A_29 = tpu.memref_slice %dma_wait3A_27[%mul3A_0, %dma_wait3A_28] : memref<10112x128xf32, #tpu.memory_space<hbm>> -> memref<632x128xf32, #tpu.memory_space<hbm>>
      %dma_wait3A_30 = arith.constant 0 : i32
      %dma_wait3A_31 = tpu.memref_slice %arg8[%mul3A_0, %dma_wait3A_30] : memref<10112x128xf32, #tpu.memory_space<vmem_shared>> -> memref<632x128xf32, #tpu.memory_space<vmem_shared>>
      tpu.wait_dma2 semaphore(%run_scoped3A : memref<!tpu.dma_semaphore, #tpu.memory_space<semaphore_mem>>) src(%dma_wait3A_31 : memref<632x128xf32, #tpu.memory_space<vmem_shared>>) dst(%dma_wait3A_29 : memref<632x128xf32, #tpu.memory_space<hbm>>)
      tpu.yield
    }) : () -> ()
    return
  }
}

module attributes {stable_mosaic.version = 14 : i64} {
  func.func @body(%arg0: i32, %arg1: memref<2x2000x128xf32, #tpu.memory_space<vmem>>, %arg2: memref<2x2000x128xf32, #tpu.memory_space<vmem>>, %arg3: memref<2000x2x128xf32, #tpu.memory_space<vmem>>, %arg4: memref<256x256xf32, #tpu.memory_space<vmem>>, %arg5: memref<1x256xf32, #tpu.memory_space<vmem>>, %arg6: memref<256x256xf32, #tpu.memory_space<vmem>>, %arg7: memref<2000x2x128xf32, #tpu.memory_space<vmem>>) attributes {dimension_semantics = [#tpu.dimension_semantics<arbitrary>], iteration_bounds = array<i64: 5>, scalar_prefetch = 0 : i64, scratch_operands = 0 : i64, tpu.core_type = #tpu.core_type<tc>, window_params = [{transform_indices = @transform_0, window_bounds = array<i64: 2, 2000, 128>}, {transform_indices = @transform_1, window_bounds = array<i64: 2, 2000, 128>}, {transform_indices = @transform_2, window_bounds = array<i64: 2000, 2, 128>}, {pipeline_mode = #tpu.pipeline_mode<synchronous>, transform_indices = @transform_3, window_bounds = array<i64: 256, 256>}, {pipeline_mode = #tpu.pipeline_mode<synchronous>, transform_indices = @transform_4, window_bounds = array<i64: 1, 256>}, {pipeline_mode = #tpu.pipeline_mode<synchronous>, transform_indices = @transform_5, window_bounds = array<i64: 256, 256>}, {transform_indices = @transform_6, window_bounds = array<i64: 2000, 2, 128>}]} {
    %get3A = arith.constant 0 : index
    %get3A_0 = arith.constant 0 : index
    %get3A_1 = arith.constant 0 : index
    %get3A_2 = vector.load %arg1[%get3A, %get3A_0, %get3A_1] : memref<2x2000x128xf32, #tpu.memory_space<vmem>>, vector<1x2000x128xf32>
    %get3A_3 = vector.shape_cast %get3A_2 : vector<1x2000x128xf32> to vector<2000x128xf32>
    %get3A_4 = arith.constant 1 : index
    %get3A_5 = arith.constant 0 : index
    %get3A_6 = arith.constant 0 : index
    %get3A_7 = vector.load %arg1[%get3A_4, %get3A_5, %get3A_6] : memref<2x2000x128xf32, #tpu.memory_space<vmem>>, vector<1x2000x128xf32>
    %get3A_8 = vector.shape_cast %get3A_7 : vector<1x2000x128xf32> to vector<2000x128xf32>
    %concatenate3A = tpu.concatenate %get3A_3, %get3A_8 in 1 : vector<2000x128xf32>, vector<2000x128xf32> -> vector<2000x256xf32>
    %get3A_9 = arith.constant 0 : index
    %get3A_10 = arith.constant 0 : index
    %get3A_11 = arith.constant 0 : index
    %get3A_12 = vector.load %arg3[%get3A_9, %get3A_10, %get3A_11] : memref<2000x2x128xf32, #tpu.memory_space<vmem>>, vector<2000x2x128xf32>
    %reshape3A = vector.shape_cast %get3A_12 : vector<2000x2x128xf32> to vector<2000x256xf32>
    %get3A_13 = arith.constant 0 : index
    %get3A_14 = arith.constant 0 : index
    %get3A_15 = arith.constant 0 : index
    %get3A_16 = vector.load %arg2[%get3A_13, %get3A_14, %get3A_15] : memref<2x2000x128xf32, #tpu.memory_space<vmem>>, vector<1x2000x128xf32>
    %get3A_17 = vector.shape_cast %get3A_16 : vector<1x2000x128xf32> to vector<2000x128xf32>
    %slice3A = vector.extract_strided_slice %get3A_17 {offsets = [0, 0], sizes = [2000, 1], strides = [1, 1]} : vector<2000x128xf32> to vector<2000x1xf32>
    %get3A_18 = arith.constant 1 : index
    %get3A_19 = arith.constant 0 : index
    %get3A_20 = arith.constant 0 : index
    %get3A_21 = vector.load %arg2[%get3A_18, %get3A_19, %get3A_20] : memref<2x2000x128xf32, #tpu.memory_space<vmem>>, vector<1x2000x128xf32>
    %get3A_22 = vector.shape_cast %get3A_21 : vector<1x2000x128xf32> to vector<2000x128xf32>
    %slice3A_23 = vector.extract_strided_slice %get3A_22 {offsets = [0, 0], sizes = [2000, 1], strides = [1, 1]} : vector<2000x128xf32> to vector<2000x1xf32>
    %add3A = arith.addf %slice3A, %slice3A_23 : vector<2000x1xf32>
    %max3A = arith.constant 1.000000e+00 : f32
    %max3A_24 = vector.broadcast %max3A : f32 to vector<2000x1xf32>
    %max3A_25 = arith.maximumf %add3A, %max3A_24 : vector<2000x1xf32>
    %div3A = vector.broadcast %max3A_25 : vector<2000x1xf32> to vector<2000x256xf32>
    %div3A_26 = arith.divf %concatenate3A, %div3A : vector<2000x256xf32>
    %get3A_27 = arith.constant 0 : index
    %get3A_28 = arith.constant 0 : index
    %get3A_29 = vector.load %arg4[%get3A_27, %get3A_28] : memref<256x256xf32, #tpu.memory_space<vmem>>, vector<256x256xf32>
    %dot_general3A = arith.constant dense<0.000000e+00> : vector<2000x256xf32>
    %dot_general3A_30 = tpu.matmul %div3A_26, %get3A_29, %dot_general3A {dimension_numbers = #tpu.dot_dimension_numbers<[1], [0], [0], [1], [0, 0, 1, 1], [], []>, transpose_lhs_hint = false} : vector<2000x256xf32>, vector<256x256xf32>, vector<2000x256xf32> -> vector<2000x256xf32>
    %get3A_31 = arith.constant 0 : index
    %get3A_32 = arith.constant 0 : index
    %get3A_33 = vector.load %arg5[%get3A_31, %get3A_32] : memref<1x256xf32, #tpu.memory_space<vmem>>, vector<1x256xf32>
    %add3A_34 = vector.broadcast %get3A_33 : vector<1x256xf32> to vector<2000x256xf32>
    %add3A_35 = arith.addf %dot_general3A_30, %add3A_34 : vector<2000x256xf32>
    %get3A_36 = arith.constant 0 : index
    %get3A_37 = arith.constant 0 : index
    %get3A_38 = vector.load %arg6[%get3A_36, %get3A_37] : memref<256x256xf32, #tpu.memory_space<vmem>>, vector<256x256xf32>
    %dot_general3A_39 = arith.constant dense<0.000000e+00> : vector<2000x256xf32>
    %dot_general3A_40 = tpu.matmul %reshape3A, %get3A_38, %dot_general3A_39 {dimension_numbers = #tpu.dot_dimension_numbers<[1], [0], [0], [1], [0, 0, 1, 1], [], []>, transpose_lhs_hint = false} : vector<2000x256xf32>, vector<256x256xf32>, vector<2000x256xf32> -> vector<2000x256xf32>
    %add3A_41 = arith.addf %add3A_35, %dot_general3A_40 : vector<2000x256xf32>
    %max3A_42 = arith.constant 0.000000e+00 : f32
    %max3A_43 = vector.broadcast %max3A_42 : f32 to vector<2000x256xf32>
    %max3A_44 = arith.maximumf %add3A_41, %max3A_43 : vector<2000x256xf32>
    %reshape3A_45 = vector.shape_cast %max3A_44 : vector<2000x256xf32> to vector<2000x2x128xf32>
    %swap3A = arith.constant 0 : index
    %swap3A_46 = arith.constant 0 : index
    %swap3A_47 = arith.constant 0 : index
    %swap3A_48 = vector.load %arg7[%swap3A, %swap3A_46, %swap3A_47] : memref<2000x2x128xf32, #tpu.memory_space<vmem>>, vector<2000x2x128xf32>
    tpu.vector_store %arg7[%swap3A, %swap3A_46, %swap3A_47], %reshape3A_45 {strides = array<i32>} : memref<2000x2x128xf32, #tpu.memory_space<vmem>>, vector<2000x2x128xf32>,
    return
  }
  func.func @transform_0(%arg0: i32) -> (i32, i32, i32) {
    %c0_i32 = arith.constant 0 : i32
    %c0_i32_0 = arith.constant 0 : i32
    %c0_i32_1 = arith.constant 0 : i32
    return %c0_i32, %arg0, %c0_i32_0 : i32, i32, i32
  }
  func.func @transform_1(%arg0: i32) -> (i32, i32, i32) {
    %c0_i32 = arith.constant 0 : i32
    %c0_i32_0 = arith.constant 0 : i32
    %c0_i32_1 = arith.constant 0 : i32
    return %c0_i32, %arg0, %c0_i32_0 : i32, i32, i32
  }
  func.func @transform_2(%arg0: i32) -> (i32, i32, i32) {
    %c0_i32 = arith.constant 0 : i32
    %c0_i32_0 = arith.constant 0 : i32
    %c0_i32_1 = arith.constant 0 : i32
    return %arg0, %c0_i32, %c0_i32_0 : i32, i32, i32
  }
  func.func @transform_3(%arg0: i32) -> (i32, i32) {
    %c0_i32 = arith.constant 0 : i32
    %c0_i32_0 = arith.constant 0 : i32
    %c0_i32_1 = arith.constant 0 : i32
    return %c0_i32, %c0_i32_0 : i32, i32
  }
  func.func @transform_4(%arg0: i32) -> (i32, i32) {
    %c0_i32 = arith.constant 0 : i32
    %c0_i32_0 = arith.constant 0 : i32
    %c0_i32_1 = arith.constant 0 : i32
    return %c0_i32, %c0_i32_0 : i32, i32
  }
  func.func @transform_5(%arg0: i32) -> (i32, i32) {
    %c0_i32 = arith.constant 0 : i32
    %c0_i32_0 = arith.constant 0 : i32
    %c0_i32_1 = arith.constant 0 : i32
    return %c0_i32, %c0_i32_0 : i32, i32
  }
  func.func @transform_6(%arg0: i32) -> (i32, i32, i32) {
    %c0_i32 = arith.constant 0 : i32
    %c0_i32_0 = arith.constant 0 : i32
    %c0_i32_1 = arith.constant 0 : i32
    return %arg0, %c0_i32, %c0_i32_0 : i32, i32, i32
  }
}

module attributes {stable_mosaic.version = 14 : i64} {
  func.func @body(%arg0: i32, %arg1: memref<2x2000x128xf32, #tpu.memory_space<vmem>>, %arg2: memref<2x2000x128xf32, #tpu.memory_space<vmem>>, %arg3: memref<2000x2x128xf32, #tpu.memory_space<vmem>>, %arg4: memref<256x256xf32, #tpu.memory_space<vmem>>, %arg5: memref<1x256xf32, #tpu.memory_space<vmem>>, %arg6: memref<256x256xf32, #tpu.memory_space<vmem>>, %arg7: memref<2000x2x128xf32, #tpu.memory_space<vmem>>) attributes {dimension_semantics = [#tpu.dimension_semantics<arbitrary>], iteration_bounds = array<i64: 5>, scalar_prefetch = 0 : i64, scratch_operands = 0 : i64, tpu.core_type = #tpu.core_type<tc>, window_params = [{transform_indices = @transform_0, window_bounds = array<i64: 2, 2000, 128>}, {transform_indices = @transform_1, window_bounds = array<i64: 2, 2000, 128>}, {transform_indices = @transform_2, window_bounds = array<i64: 2000, 2, 128>}, {pipeline_mode = #tpu.pipeline_mode<synchronous>, transform_indices = @transform_3, window_bounds = array<i64: 256, 256>}, {pipeline_mode = #tpu.pipeline_mode<synchronous>, transform_indices = @transform_4, window_bounds = array<i64: 1, 256>}, {pipeline_mode = #tpu.pipeline_mode<synchronous>, transform_indices = @transform_5, window_bounds = array<i64: 256, 256>}, {transform_indices = @transform_6, window_bounds = array<i64: 2000, 2, 128>}]} {
    %get3A = arith.constant 0 : index
    %get3A_0 = arith.constant 0 : index
    %get3A_1 = arith.constant 0 : index
    %get3A_2 = vector.load %arg1[%get3A, %get3A_0, %get3A_1] : memref<2x2000x128xf32, #tpu.memory_space<vmem>>, vector<1x2000x128xf32>
    %get3A_3 = vector.shape_cast %get3A_2 : vector<1x2000x128xf32> to vector<2000x128xf32>
    %get3A_4 = arith.constant 1 : index
    %get3A_5 = arith.constant 0 : index
    %get3A_6 = arith.constant 0 : index
    %get3A_7 = vector.load %arg1[%get3A_4, %get3A_5, %get3A_6] : memref<2x2000x128xf32, #tpu.memory_space<vmem>>, vector<1x2000x128xf32>
    %get3A_8 = vector.shape_cast %get3A_7 : vector<1x2000x128xf32> to vector<2000x128xf32>
    %concatenate3A = tpu.concatenate %get3A_3, %get3A_8 in 1 : vector<2000x128xf32>, vector<2000x128xf32> -> vector<2000x256xf32>
    %get3A_9 = arith.constant 0 : index
    %get3A_10 = arith.constant 0 : index
    %get3A_11 = arith.constant 0 : index
    %get3A_12 = vector.load %arg3[%get3A_9, %get3A_10, %get3A_11] : memref<2000x2x128xf32, #tpu.memory_space<vmem>>, vector<2000x2x128xf32>
    %reshape3A = vector.shape_cast %get3A_12 : vector<2000x2x128xf32> to vector<2000x256xf32>
    %get3A_13 = arith.constant 0 : index
    %get3A_14 = arith.constant 0 : index
    %get3A_15 = arith.constant 0 : index
    %get3A_16 = vector.load %arg2[%get3A_13, %get3A_14, %get3A_15] : memref<2x2000x128xf32, #tpu.memory_space<vmem>>, vector<1x2000x128xf32>
    %get3A_17 = vector.shape_cast %get3A_16 : vector<1x2000x128xf32> to vector<2000x128xf32>
    %slice3A = vector.extract_strided_slice %get3A_17 {offsets = [0, 0], sizes = [2000, 1], strides = [1, 1]} : vector<2000x128xf32> to vector<2000x1xf32>
    %get3A_18 = arith.constant 1 : index
    %get3A_19 = arith.constant 0 : index
    %get3A_20 = arith.constant 0 : index
    %get3A_21 = vector.load %arg2[%get3A_18, %get3A_19, %get3A_20] : memref<2x2000x128xf32, #tpu.memory_space<vmem>>, vector<1x2000x128xf32>
    %get3A_22 = vector.shape_cast %get3A_21 : vector<1x2000x128xf32> to vector<2000x128xf32>
    %slice3A_23 = vector.extract_strided_slice %get3A_22 {offsets = [0, 0], sizes = [2000, 1], strides = [1, 1]} : vector<2000x128xf32> to vector<2000x1xf32>
    %add3A = arith.addf %slice3A, %slice3A_23 : vector<2000x1xf32>
    %max3A = arith.constant 1.000000e+00 : f32
    %max3A_24 = vector.broadcast %max3A : f32 to vector<2000x1xf32>
    %max3A_25 = arith.maximumf %add3A, %max3A_24 : vector<2000x1xf32>
    %div3A = vector.broadcast %max3A_25 : vector<2000x1xf32> to vector<2000x256xf32>
    %div3A_26 = arith.divf %concatenate3A, %div3A : vector<2000x256xf32>
    %get3A_27 = arith.constant 0 : index
    %get3A_28 = arith.constant 0 : index
    %get3A_29 = vector.load %arg4[%get3A_27, %get3A_28] : memref<256x256xf32, #tpu.memory_space<vmem>>, vector<256x256xf32>
    %dot_general3A = arith.constant dense<0.000000e+00> : vector<2000x256xf32>
    %dot_general3A_30 = tpu.matmul %div3A_26, %get3A_29, %dot_general3A {dimension_numbers = #tpu.dot_dimension_numbers<[1], [0], [0], [1], [0, 0, 1, 1], [], []>, transpose_lhs_hint = false} : vector<2000x256xf32>, vector<256x256xf32>, vector<2000x256xf32> -> vector<2000x256xf32>
    %get3A_31 = arith.constant 0 : index
    %get3A_32 = arith.constant 0 : index
    %get3A_33 = vector.load %arg5[%get3A_31, %get3A_32] : memref<1x256xf32, #tpu.memory_space<vmem>>, vector<1x256xf32>
    %add3A_34 = vector.broadcast %get3A_33 : vector<1x256xf32> to vector<2000x256xf32>
    %add3A_35 = arith.addf %dot_general3A_30, %add3A_34 : vector<2000x256xf32>
    %get3A_36 = arith.constant 0 : index
    %get3A_37 = arith.constant 0 : index
    %get3A_38 = vector.load %arg6[%get3A_36, %get3A_37] : memref<256x256xf32, #tpu.memory_space<vmem>>, vector<256x256xf32>
    %dot_general3A_39 = arith.constant dense<0.000000e+00> : vector<2000x256xf32>
    %dot_general3A_40 = tpu.matmul %reshape3A, %get3A_38, %dot_general3A_39 {dimension_numbers = #tpu.dot_dimension_numbers<[1], [0], [0], [1], [0, 0, 1, 1], [], []>, transpose_lhs_hint = false} : vector<2000x256xf32>, vector<256x256xf32>, vector<2000x256xf32> -> vector<2000x256xf32>
    %add3A_41 = arith.addf %add3A_35, %dot_general3A_40 : vector<2000x256xf32>
    %reshape3A_42 = vector.shape_cast %add3A_41 : vector<2000x256xf32> to vector<2000x2x128xf32>
    %swap3A = arith.constant 0 : index
    %swap3A_43 = arith.constant 0 : index
    %swap3A_44 = arith.constant 0 : index
    %swap3A_45 = vector.load %arg7[%swap3A, %swap3A_43, %swap3A_44] : memref<2000x2x128xf32, #tpu.memory_space<vmem>>, vector<2000x2x128xf32>
    tpu.vector_store %arg7[%swap3A, %swap3A_43, %swap3A_44], %reshape3A_42 {strides = array<i32>} : memref<2000x2x128xf32, #tpu.memory_space<vmem>>, vector<2000x2x128xf32>,
    return
  }
  func.func @transform_0(%arg0: i32) -> (i32, i32, i32) {
    %c0_i32 = arith.constant 0 : i32
    %c0_i32_0 = arith.constant 0 : i32
    %c0_i32_1 = arith.constant 0 : i32
    return %c0_i32, %arg0, %c0_i32_0 : i32, i32, i32
  }
  func.func @transform_1(%arg0: i32) -> (i32, i32, i32) {
    %c0_i32 = arith.constant 0 : i32
    %c0_i32_0 = arith.constant 0 : i32
    %c0_i32_1 = arith.constant 0 : i32
    return %c0_i32, %arg0, %c0_i32_0 : i32, i32, i32
  }
  func.func @transform_2(%arg0: i32) -> (i32, i32, i32) {
    %c0_i32 = arith.constant 0 : i32
    %c0_i32_0 = arith.constant 0 : i32
    %c0_i32_1 = arith.constant 0 : i32
    return %arg0, %c0_i32, %c0_i32_0 : i32, i32, i32
  }
  func.func @transform_3(%arg0: i32) -> (i32, i32) {
    %c0_i32 = arith.constant 0 : i32
    %c0_i32_0 = arith.constant 0 : i32
    %c0_i32_1 = arith.constant 0 : i32
    return %c0_i32, %c0_i32_0 : i32, i32
  }
  func.func @transform_4(%arg0: i32) -> (i32, i32) {
    %c0_i32 = arith.constant 0 : i32
    %c0_i32_0 = arith.constant 0 : i32
    %c0_i32_1 = arith.constant 0 : i32
    return %c0_i32, %c0_i32_0 : i32, i32
  }
  func.func @transform_5(%arg0: i32) -> (i32, i32) {
    %c0_i32 = arith.constant 0 : i32
    %c0_i32_0 = arith.constant 0 : i32
    %c0_i32_1 = arith.constant 0 : i32
    return %c0_i32, %c0_i32_0 : i32, i32
  }
  func.func @transform_6(%arg0: i32) -> (i32, i32, i32) {
    %c0_i32 = arith.constant 0 : i32
    %c0_i32_0 = arith.constant 0 : i32
    %c0_i32_1 = arith.constant 0 : i32
    return %arg0, %c0_i32, %c0_i32_0 : i32, i32, i32
  }
}

module attributes {stable_mosaic.version = 14 : i64} {
  func.func @body(%arg0: i32, %arg1: memref<2x4096x128xf32, #tpu.memory_space<vmem>>, %arg2: memref<2x4096x128xf32, #tpu.memory_space<vmem>>, %arg3: memref<256x256xf32, #tpu.memory_space<vmem>>, %arg4: memref<1x256xf32, #tpu.memory_space<vmem>>, %arg5: memref<256x1xf32, #tpu.memory_space<vmem>>, %arg6: memref<1x1xf32, #tpu.memory_space<vmem>>, %arg7: memref<4096x1xf32, #tpu.memory_space<vmem>>) attributes {dimension_semantics = [#tpu.dimension_semantics<arbitrary>], iteration_bounds = array<i64: 16>, scalar_prefetch = 0 : i64, scratch_operands = 0 : i64, tpu.core_type = #tpu.core_type<tc>, window_params = [{transform_indices = @transform_0, window_bounds = array<i64: 2, 4096, 128>}, {transform_indices = @transform_1, window_bounds = array<i64: 2, 4096, 128>}, {pipeline_mode = #tpu.pipeline_mode<synchronous>, transform_indices = @transform_2, window_bounds = array<i64: 256, 256>}, {pipeline_mode = #tpu.pipeline_mode<synchronous>, transform_indices = @transform_3, window_bounds = array<i64: 1, 256>}, {pipeline_mode = #tpu.pipeline_mode<synchronous>, transform_indices = @transform_4, window_bounds = array<i64: 256, 1>}, {pipeline_mode = #tpu.pipeline_mode<synchronous>, transform_indices = @transform_5, window_bounds = array<i64: 1, 1>}, {transform_indices = @transform_6, window_bounds = array<i64: 4096, 1>}]} {
    %get3A = arith.constant 0 : index
    %get3A_0 = arith.constant 0 : index
    %get3A_1 = arith.constant 0 : index
    %get3A_2 = vector.load %arg1[%get3A, %get3A_0, %get3A_1] : memref<2x4096x128xf32, #tpu.memory_space<vmem>>, vector<1x4096x128xf32>
    %get3A_3 = vector.shape_cast %get3A_2 : vector<1x4096x128xf32> to vector<4096x128xf32>
    %get3A_4 = arith.constant 1 : index
    %get3A_5 = arith.constant 0 : index
    %get3A_6 = arith.constant 0 : index
    %get3A_7 = vector.load %arg1[%get3A_4, %get3A_5, %get3A_6] : memref<2x4096x128xf32, #tpu.memory_space<vmem>>, vector<1x4096x128xf32>
    %get3A_8 = vector.shape_cast %get3A_7 : vector<1x4096x128xf32> to vector<4096x128xf32>
    %concatenate3A = tpu.concatenate %get3A_3, %get3A_8 in 1 : vector<4096x128xf32>, vector<4096x128xf32> -> vector<4096x256xf32>
    %get3A_9 = arith.constant 0 : index
    %get3A_10 = arith.constant 0 : index
    %get3A_11 = arith.constant 0 : index
    %get3A_12 = vector.load %arg2[%get3A_9, %get3A_10, %get3A_11] : memref<2x4096x128xf32, #tpu.memory_space<vmem>>, vector<1x4096x128xf32>
    %get3A_13 = vector.shape_cast %get3A_12 : vector<1x4096x128xf32> to vector<4096x128xf32>
    %get3A_14 = arith.constant 1 : index
    %get3A_15 = arith.constant 0 : index
    %get3A_16 = arith.constant 0 : index
    %get3A_17 = vector.load %arg2[%get3A_14, %get3A_15, %get3A_16] : memref<2x4096x128xf32, #tpu.memory_space<vmem>>, vector<1x4096x128xf32>
    %get3A_18 = vector.shape_cast %get3A_17 : vector<1x4096x128xf32> to vector<4096x128xf32>
    %concatenate3A_19 = tpu.concatenate %get3A_13, %get3A_18 in 1 : vector<4096x128xf32>, vector<4096x128xf32> -> vector<4096x256xf32>
    %mul3A = arith.mulf %concatenate3A, %concatenate3A_19 : vector<4096x256xf32>
    %get3A_20 = arith.constant 0 : index
    %get3A_21 = arith.constant 0 : index
    %get3A_22 = vector.load %arg3[%get3A_20, %get3A_21] : memref<256x256xf32, #tpu.memory_space<vmem>>, vector<256x256xf32>
    %dot_general3A = arith.constant dense<0.000000e+00> : vector<4096x256xf32>
    %dot_general3A_23 = tpu.matmul %mul3A, %get3A_22, %dot_general3A {dimension_numbers = #tpu.dot_dimension_numbers<[1], [0], [0], [1], [0, 0, 1, 1], [], []>, transpose_lhs_hint = false} : vector<4096x256xf32>, vector<256x256xf32>, vector<4096x256xf32> -> vector<4096x256xf32>
    %get3A_24 = arith.constant 0 : index
    %get3A_25 = arith.constant 0 : index
    %get3A_26 = vector.load %arg4[%get3A_24, %get3A_25] : memref<1x256xf32, #tpu.memory_space<vmem>>, vector<1x256xf32>
    %add3A = vector.broadcast %get3A_26 : vector<1x256xf32> to vector<4096x256xf32>
    %add3A_27 = arith.addf %dot_general3A_23, %add3A : vector<4096x256xf32>
    %max3A = arith.constant 0.000000e+00 : f32
    %max3A_28 = vector.broadcast %max3A : f32 to vector<4096x256xf32>
    %max3A_29 = arith.maximumf %add3A_27, %max3A_28 : vector<4096x256xf32>
    %get3A_30 = arith.constant 0 : index
    %get3A_31 = arith.constant 0 : index
    %get3A_32 = vector.load %arg5[%get3A_30, %get3A_31] : memref<256x1xf32, #tpu.memory_space<vmem>>, vector<256x1xf32>
    %dot_general3A_33 = arith.constant dense<0.000000e+00> : vector<4096x1xf32>
    %dot_general3A_34 = tpu.matmul %max3A_29, %get3A_32, %dot_general3A_33 {dimension_numbers = #tpu.dot_dimension_numbers<[1], [0], [0], [1], [0, 0, 1, 1], [], []>, transpose_lhs_hint = false} : vector<4096x256xf32>, vector<256x1xf32>, vector<4096x1xf32> -> vector<4096x1xf32>
    %get3A_35 = arith.constant 0 : index
    %get3A_36 = arith.constant 0 : index
    %get3A_37 = vector.load %arg6[%get3A_35, %get3A_36] : memref<1x1xf32, #tpu.memory_space<vmem>>, vector<1x1xf32>
    %add3A_38 = vector.broadcast %get3A_37 : vector<1x1xf32> to vector<4096x1xf32>
    %add3A_39 = arith.addf %dot_general3A_34, %add3A_38 : vector<4096x1xf32>
    %logistic3A = arith.negf %add3A_39 : vector<4096x1xf32>
    %logistic3A_40 = math.exp %logistic3A : vector<4096x1xf32>
    %logistic3A_41 = arith.constant 1.000000e+00 : f32
    %logistic3A_42 = vector.broadcast %logistic3A_41 : f32 to vector<4096x1xf32>
    %logistic3A_43 = arith.addf %logistic3A_42, %logistic3A_40 : vector<4096x1xf32>
    %logistic3A_44 = arith.divf %logistic3A_42, %logistic3A_43 : vector<4096x1xf32>
    %swap3A = arith.constant 0 : index
    %swap3A_45 = arith.constant 0 : index
    %swap3A_46 = vector.load %arg7[%swap3A, %swap3A_45] : memref<4096x1xf32, #tpu.memory_space<vmem>>, vector<4096x1xf32>
    tpu.vector_store %arg7[%swap3A, %swap3A_45], %logistic3A_44 {strides = array<i32>} : memref<4096x1xf32, #tpu.memory_space<vmem>>, vector<4096x1xf32>,
    return
  }
  func.func @transform_0(%arg0: i32) -> (i32, i32, i32) {
    %c0_i32 = arith.constant 0 : i32
    %c0_i32_0 = arith.constant 0 : i32
    %c0_i32_1 = arith.constant 0 : i32
    return %c0_i32, %arg0, %c0_i32_0 : i32, i32, i32
  }
  func.func @transform_1(%arg0: i32) -> (i32, i32, i32) {
    %c0_i32 = arith.constant 0 : i32
    %c0_i32_0 = arith.constant 0 : i32
    %c0_i32_1 = arith.constant 0 : i32
    return %c0_i32, %arg0, %c0_i32_0 : i32, i32, i32
  }
  func.func @transform_2(%arg0: i32) -> (i32, i32) {
    %c0_i32 = arith.constant 0 : i32
    %c0_i32_0 = arith.constant 0 : i32
    %c0_i32_1 = arith.constant 0 : i32
    return %c0_i32, %c0_i32_0 : i32, i32
  }
  func.func @transform_3(%arg0: i32) -> (i32, i32) {
    %c0_i32 = arith.constant 0 : i32
    %c0_i32_0 = arith.constant 0 : i32
    %c0_i32_1 = arith.constant 0 : i32
    return %c0_i32, %c0_i32_0 : i32, i32
  }
  func.func @transform_4(%arg0: i32) -> (i32, i32) {
    %c0_i32 = arith.constant 0 : i32
    %c0_i32_0 = arith.constant 0 : i32
    %c0_i32_1 = arith.constant 0 : i32
    return %c0_i32, %c0_i32_0 : i32, i32
  }
  func.func @transform_5(%arg0: i32) -> (i32, i32) {
    %c0_i32 = arith.constant 0 : i32
    %c0_i32_0 = arith.constant 0 : i32
    %c0_i32_1 = arith.constant 0 : i32
    return %c0_i32, %c0_i32_0 : i32, i32
  }
  func.func @transform_6(%arg0: i32) -> (i32, i32) {
    %c0_i32 = arith.constant 0 : i32
    %c0_i32_0 = arith.constant 0 : i32
    return %arg0, %c0_i32 : i32, i32
  }
}

</mosaic_0001>

<sc_bundles>
// kernel: kernel.12.cloned.1.call-start
scs
__scs_entry_jumppad:
0x0: {  	(pc) =	sbr.rel $0x88, $3  }
0x1: {  	(tag) =	ssettag $0x0;
	lr =	simm.s32 $0x1  }
0x2: {  	[smem:$0x3F94] =	sst lr;
	_ =	strace $0xD0000000  }
0x3: {  	_ = 	snop  }
0x4: {  	_ = 	snop  }
0x5: {  	_ = 	snop  }
0x6: {  	_ = 	snop  }
0x7: {  	_ = 	snop  }
__scs_overlays_trampoline_lowered:
0x8: {  	[smem:$0x3FA3] =	sst s0  }
0x9: {  	[smem:$0x3FA4] =	sst s1  }
0xa: {  	[smem:$0x3FA5] =	sst s2  }
0xb: {  	[smem:$0x3FA6] =	sst s3  }
0xc: {  	[smem:$0x3FA7] =	sst s4  }
0xd: {  	[smem:$0x3FA8] =	sst s5  }
0xe: {  	[smem:$0x3FA9] =	sst s6  }
0xf: {  	[smem:$0x3FAA] =	sst s7  }
0x10: {  	[smem:$0x3FAB] =	sst s8  }
0x11: {  	[smem:$0x3FAC] =	sst s9;
	s0 =	simm.s32 @!p0 $0x0  }
0x12: {  	s1 =	sld [smem:$0x3F92];
	s0 =	simm.s32 @p0 $0x1  }
0x13: {  	[smem:$0x3FAD] =	sst s0;
	s0 =	simm.s32 @!p1 $0x0  }
0x14: {  	s2 =	sld [smem:$0x3F91];
	s0 =	simm.s32 @p1 $0x1  }
0x15: {  	[smem:$0x3FAE] =	sst s0;
	s0 =	simm.s32 @!p2 $0x0  }
0x16: {  	s3 =	sld [smem:$0x3FDB];
	s0 =	simm.s32 @p2 $0x1  }
0x17: {  	s4 =	simm.s32 $0x1BF5;
	[smem:$0x3FB0] =	sst s0  }
0x18: {  	s0 =	sld [smem:$0x3F93];
	_ =	swait.ge [sflag:s4], $0x0  }
0x19: {  	s7 =	sld [smem:$0x3F94]  }
0x1a: {  	s8 =	sadd.s32 $0xFFFFE003, lr  }
0x1b: {  	s9 =	sadd.s32 $0xFFFFFEF7, lr;
	s5 =	simm.s32 $0xFFFFFFFF;
	p2 =	slt.u32 s8, $0xFFFFF086  }
0x1c: {  	p1 =	slt.u32 s9, $0xF7A;
	s5 =	simm.s32 @!p2 $0x0  }
0x1d: {  	s5 =	simm.s32 @p1 $0x1;
	p0 =	seq.s32 s7, s2  }
0x1e: {  	s7 =	smul.u32 @!p0 $0xF7A, s2;
	p2 =	seq.s32 @!p0 s5, $0x0  }
0x1f: {  	s9 =	smul.u32 $0xF7A, s1;
	s8 =	simm.s32 @!p0 $0x1BF5;
	p2 =	por !p2, p0  }
0x20: {  	[sflag:s8] =	ssyncset.s32 @!p0 $0xFFFFF086;
	s6 =	sadd.s32 @!p0 s3, s7;
	s7 =	simm.s32 @!p0 $0x108  }
0x21: {  	s3 =	sadd.s32 s3, s9;
	s6 =	sadd.s32 @!p0 $0x88, s6;
	s7 =	simm.s32 @p2 $0x1082  }
0x22: {  	[simem:s7], [sflag:s8] =	dma.local @!p0 [hbm:s6], $0xF7A  }
0x23: {  	s9 =	sor.u32 $0xD0000000, s2;
	s6 =	simm.s32 $0x108;
	_ =	swait.ge @!p0 [sflag:s8], $0x0  }
0x24: {  	s3 =	sadd.s32 $0x88, s3;
	s6 =	simm.s32 @!p1 $0x1082;
	[sflag:s4] =	ssyncset.s32 $0xFFFFF086  }
0x25: {  	[simem:s6], [sflag:s4] =	dma.local [hbm:s3], $0xF7A  }
0x26: {  	[smem:$0x3F94] =	sst s1;
	(tag) =	ssettag s2;
	_ =	strace s9  }
0x27: {  	s1 =	sld [smem:$0x3FA4]  }
0x28: {  	s2 =	sld [smem:$0x3FA5]  }
0x29: {  	s4 =	sld [smem:$0x3FA7]  }
0x2a: {  	p0 =	seq.s32 s5, $0x0;
	s5 =	sld [smem:$0x3FA8]  }
0x2b: {  	s6 =	sld [smem:$0x3FA9]  }
0x2c: {  	s7 =	sld [smem:$0x3FAA]  }
0x2d: {  	s3 =	simm.s32 $0x108;
	s8 =	sld [smem:$0x3FAB]  }
0x2e: {  	s3 =	simm.s32 @!p0 $0x1082;
	s9 =	sld [smem:$0x3FAC]  }
0x2f: {  	lr =	sadd.s32 s0, s3;
	s0 =	sld [smem:$0x3FA3]  }
0x30: {  	s3 =	sld [smem:$0x3FA6]  }
0x31: {  	[smem:$0x3FAF] =	sst s10  }
0x32: {  	s10 =	sld [smem:$0x3FAD];
	_ =	sdelay $0x3  }
0x33: {  	p0 =	seq.s32 s10, $0x1;
	s10 =	sld [smem:$0x3FAF];
	_ =	sdelay $0x3  }
0x34: {  	[smem:$0x3FAF] =	sst s10  }
0x35: {  	s10 =	sld [smem:$0x3FAE];
	_ =	sdelay $0x3  }
0x36: {  	p1 =	seq.s32 s10, $0x1;
	s10 =	sld [smem:$0x3FAF];
	_ =	sdelay $0x3  }
0x37: {  	[smem:$0x3FAF] =	sst s10  }
0x38: {  	s10 =	sld [smem:$0x3FB0]  }
0x39: {  	_ = 	snop;
	(pc) =	sbr.ind lr, $3  }
0x3a: {  	_ = 	snop  }
0x3b: {  	_ = 	snop  }
0x3c: {  	p2 =	seq.s32 s10, $0x1;
	s10 =	sld [smem:$0x3FAF]  }
0x3d: {  	_ =	shalt  }
0x3e: {  	_ =	shalt  }
0x3f: {  	_ =	shalt  }
0x40: {  	_ =	shalt  }
0x41: {  	_ =	shalt  }
0x42: {  	_ =	shalt  }
0x43: {  	_ =	shalt  }
0x44: {  	_ =	shalt  }
0x45: {  	_ =	shalt  }
0x46: {  	_ =	shalt  }
0x47: {  	_ =	shalt  }
0x48: {  	_ =	shalt  }
0x49: {  	_ =	shalt  }
0x4a: {  	_ =	shalt  }
0x4b: {  	_ =	shalt  }
0x4c: {  	_ =	shalt  }
0x4d: {  	_ =	shalt  }
0x4e: {  	_ =	shalt  }
0x4f: {  	_ =	shalt  }
0x50: {  	_ =	shalt  }
0x51: {  	_ =	shalt  }
0x52: {  	_ =	shalt  }
0x53: {  	_ =	shalt  }
0x54: {  	_ =	shalt  }
0x55: {  	_ =	shalt  }
0x56: {  	_ =	shalt  }
0x57: {  	_ =	shalt  }
0x58: {  	_ =	shalt  }
0x59: {  	_ =	shalt  }
0x5a: {  	_ =	shalt  }
0x5b: {  	_ =	shalt  }
0x5c: {  	_ =	shalt  }
0x5d: {  	_ =	shalt  }
0x5e: {  	_ =	shalt  }
0x5f: {  	_ =	shalt  }
0x60: {  	_ =	shalt  }
0x61: {  	_ =	shalt  }
0x62: {  	_ =	shalt  }
0x63: {  	_ =	shalt  }
0x64: {  	_ =	shalt  }
0x65: {  	_ =	shalt  }
0x66: {  	_ =	shalt  }
0x67: {  	_ =	shalt  }
0x68: {  	_ =	shalt  }
0x69: {  	_ =	shalt  }
0x6a: {  	_ =	shalt  }
0x6b: {  	_ =	shalt  }
0x6c: {  	_ =	shalt  }
0x6d: {  	_ =	shalt  }
0x6e: {  	_ =	shalt  }
0x6f: {  	_ =	shalt  }
0x70: {  	_ =	shalt  }
0x71: {  	_ =	shalt  }
0x72: {  	_ =	shalt  }
0x73: {  	_ =	shalt  }
0x74: {  	_ =	shalt  }
0x75: {  	_ =	shalt  }
0x76: {  	_ =	shalt  }
0x77: {  	_ =	shalt  }
0x78: {  	_ =	shalt  }
0x79: {  	_ =	shalt  }
0x7a: {  	_ =	shalt  }
0x7b: {  	_ =	shalt  }
0x7c: {  	_ =	shalt  }
0x7d: {  	_ =	shalt  }
0x7e: {  	_ =	shalt  }
0x7f: {  	_ =	shalt  }
0x80: {  	_ =	shalt  }
0x81: {  	_ =	shalt  }
0x82: {  	_ =	shalt  }
0x83: {  	_ =	shalt  }
0x84: {  	_ =	shalt  }
0x85: {  	_ =	shalt  }
0x86: {  	_ =	shalt  }
0x87: {  	_ =	shalt  }
.Lfunc_end0:
.L_simem_size_0:
called_computation.1_lowered:
.L_overlay_start_0:
0x88: {  	s2 =	sld [smem:$0x3FD9]  }
0x89: {  	s3 =	sld [smem:$0x3FFE];
	_ =	sdelay $0x1  }
0x8a: {  	s1 =	srdreg.scid  }
0x8b: {  	s0 =	sand.u32 $0x1, s1  }
0x8c: {  	s16 =	sshll.u32 s0, $0xA;
	s2 =	sadd.s32 s3, s2  }
0x8d: {  	s2 =	sadd.s32 s2, s16  }
0x8e: {  	[smem:$0x3FBB] =	sst s2  }
0x8f: {  	_ = 	snop  }
0x90: {  	(tm) =	ssettm $0x1  }
0x91: {  	s17 =	sld [smem:$0x3FFB];
	_ =	sdelay $0x3  }
0x92: {  	_ =	strace s17  }
0x93: {  	s2 =	sld [smem:$0x3FFC];
	_ =	sdelay $0x3  }
0x94: {  	_ =	strace s2  }
0x95: {  	s2 =	sld [smem:$0x3FFD];
	_ =	sdelay $0x3  }
0x96: {  	_ =	strace s2  }
0x97: {  	_ =	strace $0x8FFFFFFF  }
0x98: {  	s18 =	sld [smem:$0x3FDB];
	_ =	sdelay $0x1  }
0x99: {  	s19 =	simm.s32 $_scs_section_size  }
0x9a: {  	s4 =	simm.s32 $_size__tile_overlayer_lowered;
	s5 =	simm.s32 $_tile_overlayer_lowered  }
0x9b: {  	s22 =	simm.s32 $0x1BFF;
	s21 =	sshll.u32 s5, $0x1;
	s2 =	sadd.s32 s19, s18  }
0x9c: {  	s6 =	simm.s32 $0x0;
	s20 =	sshll.u32 s4, $0x1;
	s4 =	sadd.s32 s21, s2  }
0x9d: {  	[timem:s6], [sflag:s22] =	dma.local [hbm:s4], s20  }
0x9e: {  	_ =	swait.ge [sflag:s22], s20  }
0x9f: {  	s3 =	ssub.s32 $0x0, s20;
	[sflag:s22] =	ssyncset.done $0x0  }
0xa0: {  	[sflag:s22] =	ssyncadd.s32 s3;
	_ =	sdelay $0x1  }
0xa1: {  	s23 =	simm.s32 $0x1B8B  }
0xa2: {  	_ =	swait.ge [sflag:s23], $0x1  }
0xa3: {  	[sflag:s23] =	ssyncset.done $0x0  }
0xa4: {  	s25 =	simm.s32 $0x1B8E;
	s24 =	sld [smem:$0x3FFE];
	[sflag:s23] =	ssyncadd.s32 $0xFFFFFFFF  }
0xa5: {  	s26 =	simm.s32 $execute0_lowered;
	[smem:$0x3FD2] =	sst s25  }
0xa6: {  	s4 =	sshll.u32 s26, $0x1;
	_ =	strace $0x80000046;
	[dreg:$0x1] =	wrdreg $0xFFFFFFFF  }
0xa7: {  	s28 =	simm.s32 $_size_execute0_lowered;
	s2 =	sadd.s32 s2, s4;
	[dreg:$0x0] =	wrdreg $0x0  }
0xa8: {  	s4 =	sshll.u32 s28, $0x1;
	[dreg:$0x2] =	wrdreg s2  }
0xa9: {  	[dreg:$0x3] =	wrdreg s4  }
0xaa: {  	[dreg:$0x4] =	wrdreg $0xC0  }
0xab: {  	_ =	task [dreg:s6], $0x5FFFF  }
0xac: {  	[dreg:$0x1] =	wrdreg $0xFFFFFFFF  }
0xad: {  	[dreg:$0x0] =	wrdreg $0x60  }
0xae: {  	[dreg:$0x2] =	wrdreg s24  }
0xaf: {  	[dreg:$0x3] =	wrdreg $0x9F000  }
0xb0: {  	[dreg:$0x4] =	wrdreg $0xA  }
0xb1: {  	_ =	task.clear_ibuf [dreg:s6], $0x5FFFF;
	_ =	strace $0x90000046  }
0xb2: {  	s29 =	simm.s32 $0xA;
	_ =	strace $0x80000048  }
0xb3: {  	_ =	swait.ge [sflag:s29], $0x1  }
0xb4: {  	[sflag:s29] =	ssyncadd.s32 $0xFFFFFFFF  }
0xb5: {  	_ =	strace $0x90000048  }
0xb6: {  	_ =	sfence  }
0xb7: {  	s30 =	sld [smem:$0x0];
	_ =	sdelay $0x2  }
0xb8: {  	s31 =	sshll.u32 s1, $0xD;
	s1 =	sshrl.u32 s1, $0x2  }
0xb9: {  	s3 =	sand.u32 $0x4000, s31;
	s1 =	sadd.s32 s1, s30  }
0xba: {  	s0 =	sor.u32 s3, s0;
	s1 =	sshll.u32 s1, $0x11  }
0xbb: {  	s0 =	sor.u32 s1, s0  }
0xbc: {  	s0 =	sadd.s32 $0x8F2B, s0  }
0xbd: {  	[sflag:s0] =	ssyncadd.remote.s32 $0x1  }
0xbe: {  	_ =	sfence.sel $0xFFFF  }
0xbf: {  	[dreg:$0x0] =	wrdreg $0xFFFFFFFF;
	(pc) =	sbr.abs _section_cstart, $3  }
0xc0: {  	[dreg:$0x1] =	wrdreg $0xFFFFFFFF  }
0xc1: {  	_ =	task.clear_ibuf [dreg:s6], $0x2FFFF;
	_ =	strace $0x9FFFFFFF  }
0xc2: {  	(tm) =	ssettm $0x7FFFFFFF  }
0xc3: {  	_ =	shalt  }
tec
execute0_lowered:
.L_overlay_start_1:
0x0: {  	(tag) =	ssettag $0x1  }
0x1: {  	s0 =	rddreg [dreg:$0x0]  }
0x2: {  	s2 =	rddreg [dreg:$0x1]  }
0x3: {  	s10 =	stileid.u32;
	s3 =	simm.s32 $0x0;
	s4 =	srdreg.scid  }
0x4: {  	s11 =	simm.s32 $0x5;
	s13 =	simm.s32 $0x50;
	s14 =	simm.s32 $0x4F00  }
0x5: {  	s15 =	simm.s32 $0x7700;
	s16 =	simm.s32 $0x1;
	s17 =	simm.s32 $0x5700  }
0x6: {  	s18 =	simm.s32 $0x5F00;
	s19 =	simm.s32 $0x6700;
	s20 =	simm.s32 $0x6F00  }
0x7: {  	s21 =	simm.s32 $0x3;
	s22 =	simm.s32 $0x2;
	s29 =	simm.s32 $0x4  }
0x8: {  	s30 =	simm.s32 $0x0;
	s1 =	smul.u32 $0x4E2, s10;
	[smem:$0x7FF] =	sst s3  }
0x9: {  	s23 =	smul.u32 $0x2780, s10;
	s28 =	sand.u32 $0x1, s4;
	s4 =	sadd.s32 $0xD400, s0  }
0xa: {  	s7 =	smul.u32 $0x4F000, s10;
	s26 =	sshll.u32 s10, $0x6;
	_ =	strace $0x80000047  }
0xb: {  	s5 =	smul.u32 $0x27800, s28;
	s6 =	ssub.s32 $0x2, s28;
	v0 =	vmov s28;
	s28 =	simm.s32 $0x9700  }
0xc: {  	s1 =	sadd.s32 s1, s0;
	s8 =	sadd.s32 s23, s0;
	s24 =	sshrl.u32 s6, $0x1  }
0xd: {  	s25 =	sshrl.u32 s7, $0x2;
	s0 =	sadd.s32 s5, s0;
	s9 =	ssub.s32 s6, s24  }
0xe: {  	s31 =	sadd.s32 s25, s2;
	s5 =	sadd.s32 $0x5B600, s8;
	s6 =	sor.u32 $0x1C05, s26  }
0xf: {  	s7 =	sadd.s32 $0x8400, s1;
	s8 =	sadd.s32 $0x3400, s1;
	s24 =	simm.s32 $0x7F00  }
0x10: {  	s25 =	simm.s32 $0x8700;
	s26 =	simm.s32 $0x8F00;
	s0 =	sadd.s32 $0x82E00, s0  }
0x11: {  	vm0 =	vmmov $0xffff;
	s9 =	smax.u32 s9, $0x1;
	s10 =	sshrl.u32 s31, $0x3;
	s23 =	sadd.s32 s23, s0  }
.LBB2_1:
0x12: {  	[spmem:s10], [sflag:s6] =	dma.local [hbm:s5], $0x2780  }
0x13: {  	_ =	swait.ge [sflag:s11], $0x2780  }
0x14: {  	[sflag:s11] =	ssyncset.done $0x0  }
0x15: {  	[sflag:s11] =	ssyncadd.s32 $0xFFFFD880  }
0x16: {  	[tilespmem:s3], [sflag:$0x5] =	stream.linear.gather [hbm4b:s7+s3], $0x2710, $0x38;
	[tilespmem:$0x1DB00] =	vst v63  }
0x17: {  	_ =	swait.ge [sflag:s11], $0x2710  }
0x18: {  	[sflag:s11] =	ssyncset.done $0x0  }
0x19: {  	s0 =	simm.s32 $0x2780;
	[sflag:s11] =	ssyncadd.s32 $0xFFFFD8F0  }
0x1a: {  	[tilespmem:s0], [sflag:$0x5] =	stream.linear.gather [hbm4b:s8+s3], $0x2710, $0x38;
	[tilespmem:$0x1DB00] =	vst v63  }
0x1b: {  	_ =	swait.ge [sflag:s11], $0x2710  }
0x1c: {  	[sflag:s11] =	ssyncset.done $0x0  }
0x1d: {  	s1 =	simm.s32 $0x40;
	s0 =	simm.s32 $0x0;
	[sflag:s11] =	ssyncadd.s32 $0xFFFFD8F0  }
.LBB2_2:
0x1e: {  	p0 =	sne.s32 s1, $0x9C00;
	v1 =	vld [tilespmem:s0+$0x0];
	_ =	sdelay $0x2  }
.Ltmp0:
0x1f: {  	(pc) =	sbr.rel @p0 .LBB2_2-.Ltmp0, $4  }
0x20: {  	_ = 	snop  }
0x21: {  	v1 =	vshll.u32 v1, $0x1  }
0x22: {  	v1 =	vor.u32 v0, v1  }
0x23: {  	[tilespmem:s0+$0x0] =	vst v1;
	s0 =	sshra.s32 s1, $0x2;
	s1 =	sadd.s32 $0x40, s1  }
0x24: {  	v1 =	vld [tilespmem:s0+$0x0];
	_ =	sdelay $0x4  }
0x25: {  	v1 =	vshll.u32 v1, $0x1  }
0x26: {  	v1 =	vor.u32 v0, v1  }
0x27: {  	s31 =	simm.s32 $0x0;
	[tilespmem:s0+$0x0] =	vst v1  }
0x28: {  	s1 =	simm.s32 $0x27D0;
	s0 =	simm.s32 $0xA0;
	[bflag:$0x0] =	sbarrier.arrive $0xFFFF  }
0x29: {  	[tilespmem:s14], [sflag:$0x1] =	stream.indirect.gather [hbm4b:s4+s13], $0x80, s31, s13, $0xb8;
	[tilespmem:$0x1DB00] =	vst v63  }
.LBB2_4:
0x2a: {  	s12 =	sadd.s32 $0xFFFFFFB0, s0  }
0x2b: {  	[tilespmem:s15], [sflag:$0x2] =	stream.indirect.gather [hbm4b:s4+s13], $0x80, s12, s13, $0xb8;
	[tilespmem:$0x1DB00] =	vst v63  }
0x2c: {  	_ =	swait.ge [sflag:s16], $0x2800  }
0x2d: {  	[sflag:s16] =	ssyncset.done $0x0  }
0x2e: {  	[sflag:s16] =	ssyncadd.s32 $0xFFFFD800  }
0x2f: {  	v1 =	vld [tilespmem:s1+$0xFFFFFFB0];
	_ =	sdelay $0x7  }
0x30: {  	[spmem:s2] =	stream.indirect_vreg.scatter.add.f32 [tilespmem:s14], [sflag:$0x3], $0x80, v1, vm0, $0xb8;
	[tilespmem:$0x1DB00] =	vst v63  }
0x31: {  	v1 =	vld [tilespmem:s1+$0xFFFFFFC0];
	_ =	sdelay $0x7  }
0x32: {  	[spmem:s2] =	stream.indirect_vreg.scatter.add.f32 [tilespmem:s17], [sflag:$0x3], $0x80, v1, vm0, $0xb8;
	[tilespmem:$0x1DB00] =	vst v63  }
0x33: {  	v1 =	vld [tilespmem:s1+$0xFFFFFFD0];
	_ =	sdelay $0x7  }
0x34: {  	[spmem:s2] =	stream.indirect_vreg.scatter.add.f32 [tilespmem:s18], [sflag:$0x3], $0x80, v1, vm0, $0xb8;
	[tilespmem:$0x1DB00] =	vst v63  }
0x35: {  	v1 =	vld [tilespmem:s1+$0xFFFFFFE0];
	_ =	sdelay $0x7  }
0x36: {  	[spmem:s2] =	stream.indirect_vreg.scatter.add.f32 [tilespmem:s19], [sflag:$0x3], $0x80, v1, vm0, $0xb8;
	[tilespmem:$0x1DB00] =	vst v63  }
0x37: {  	v1 =	vld [tilespmem:s1+$0xFFFFFFF0];
	_ =	sdelay $0x7  }
0x38: {  	[spmem:s2] =	stream.indirect_vreg.scatter.add.f32 [tilespmem:s20], [sflag:$0x3], $0x80, v1, vm0, $0xb8;
	[tilespmem:$0x1DB00] =	vst v63  }
0x39: {  	_ =	swait.ge [sflag:s21], $0x800  }
0x3a: {  	[sflag:s21] =	ssyncset.done $0x0  }
0x3b: {  	[sflag:s21] =	ssyncadd.s32 $0xFFFFF800  }
0x3c: {  	_ =	swait.ge [sflag:s21], $0x800  }
0x3d: {  	[sflag:s21] =	ssyncset.done $0x0  }
0x3e: {  	[sflag:s21] =	ssyncadd.s32 $0xFFFFF800  }
0x3f: {  	_ =	swait.ge [sflag:s21], $0x800  }
0x40: {  	[sflag:s21] =	ssyncset.done $0x0  }
0x41: {  	[sflag:s21] =	ssyncadd.s32 $0xFFFFF800  }
0x42: {  	_ =	swait.ge [sflag:s21], $0x800  }
0x43: {  	[sflag:s21] =	ssyncset.done $0x0  }
0x44: {  	[sflag:s21] =	ssyncadd.s32 $0xFFFFF800  }
0x45: {  	_ =	swait.ge [sflag:s21], $0x800  }
0x46: {  	[sflag:s21] =	ssyncset.done $0x0  }
0x47: {  	[sflag:s21] =	ssyncadd.s32 $0xFFFFF800  }
0x48: {  	[tilespmem:s14], [sflag:$0x1] =	stream.indirect.gather [hbm4b:s4+s13], $0x80, s0, s13, $0xb8;
	[tilespmem:$0x1DB00] =	vst v63  }
0x49: {  	_ =	swait.ge [sflag:s22], $0x2800  }
0x4a: {  	[sflag:s22] =	ssyncset.done $0x0  }
0x4b: {  	[sflag:s22] =	ssyncadd.s32 $0xFFFFD800  }
0x4c: {  	v1 =	vld [tilespmem:s1+$0x0];
	_ =	sdelay $0x7  }
0x4d: {  	[spmem:s2] =	stream.indirect_vreg.scatter.add.f32 [tilespmem:s15], [sflag:$0x4], $0x80, v1, vm0, $0xb8;
	[tilespmem:$0x1DB00] =	vst v63  }
0x4e: {  	v1 =	vld [tilespmem:s1+$0x10];
	_ =	sdelay $0x7  }
0x4f: {  	[spmem:s2] =	stream.indirect_vreg.scatter.add.f32 [tilespmem:s24], [sflag:$0x4], $0x80, v1, vm0, $0xb8;
	[tilespmem:$0x1DB00] =	vst v63  }
0x50: {  	v1 =	vld [tilespmem:s1+$0x20];
	_ =	sdelay $0x6  }
0x51: {  	s12 =	sand.u32 $0x3FE0, s31  }
0x52: {  	[spmem:s2] =	stream.indirect_vreg.scatter.add.f32 [tilespmem:s25], [sflag:$0x4], $0x80, v1, vm0, $0xb8;
	[tilespmem:$0x1DB00] =	vst v63  }
0x53: {  	v1 =	vld [tilespmem:s12+$0x2800];
	_ =	sdelay $0x7  }
0x54: {  	[spmem:s2] =	stream.indirect_vreg.scatter.add.f32 [tilespmem:s26], [sflag:$0x4], $0x80, v1, vm0, $0xb8;
	[tilespmem:$0x1DB00] =	vst v63  }
0x55: {  	v1 =	vld [tilespmem:s1+$0x40];
	_ =	sdelay $0x7  }
0x56: {  	[spmem:s2] =	stream.indirect_vreg.scatter.add.f32 [tilespmem:s28], [sflag:$0x4], $0x80, v1, vm0, $0xb8;
	[tilespmem:$0x1DB00] =	vst v63  }
0x57: {  	_ =	swait.ge [sflag:s29], $0x800  }
0x58: {  	[sflag:s29] =	ssyncset.done $0x0  }
0x59: {  	[sflag:s29] =	ssyncadd.s32 $0xFFFFF800  }
0x5a: {  	_ =	swait.ge [sflag:s29], $0x800  }
0x5b: {  	[sflag:s29] =	ssyncset.done $0x0  }
0x5c: {  	[sflag:s29] =	ssyncadd.s32 $0xFFFFF800  }
0x5d: {  	_ =	swait.ge [sflag:s29], $0x800  }
0x5e: {  	[sflag:s29] =	ssyncset.done $0x0  }
0x5f: {  	[sflag:s29] =	ssyncadd.s32 $0xFFFFF800  }
0x60: {  	p0 =	sne.s32 s31, $0x2620;
	_ =	swait.ge [sflag:s29], $0x800  }
.Ltmp1:
0x61: {  	[sflag:s29] =	ssyncset.done $0x0;
	(pc) =	sbr.rel @p0 .LBB2_4-.Ltmp1, $4  }
0x62: {  	[sflag:s29] =	ssyncadd.s32 $0xFFFFF800  }
0x63: {  	_ =	swait.ge [sflag:s29], $0x800  }
0x64: {  	s31 =	sadd.s32 $0xA0, s31;
	[sflag:s29] =	ssyncset.done $0x0  }
0x65: {  	s0 =	sadd.s32 $0xA0, s0;
	s1 =	sadd.s32 $0xA0, s1;
	[sflag:s29] =	ssyncadd.s32 $0xFFFFF800  }
0x66: {  	_ =	swait.ge [sflag:s16], $0x2800  }
0x67: {  	[sflag:s16] =	ssyncset.done $0x0  }
0x68: {  	[sflag:s16] =	ssyncadd.s32 $0xFFFFD800  }
0x69: {  	v1 =	vld [tilespmem:$0x4E40];
	_ =	sdelay $0x7  }
0x6a: {  	[spmem:s2] =	stream.indirect_vreg.scatter.add.f32 [tilespmem:s14], [sflag:$0x3], $0x80, v1, vm0, $0xb8;
	[tilespmem:$0x1DB00] =	vst v63  }
0x6b: {  	v1 =	vld [tilespmem:$0x4E50];
	_ =	sdelay $0x7  }
0x6c: {  	[spmem:s2] =	stream.indirect_vreg.scatter.add.f32 [tilespmem:s17], [sflag:$0x3], $0x80, v1, vm0, $0xb8;
	[tilespmem:$0x1DB00] =	vst v63  }
0x6d: {  	v1 =	vld [tilespmem:$0x4E60];
	_ =	sdelay $0x7  }
0x6e: {  	[spmem:s2] =	stream.indirect_vreg.scatter.add.f32 [tilespmem:s18], [sflag:$0x3], $0x80, v1, vm0, $0xb8;
	[tilespmem:$0x1DB00] =	vst v63  }
0x6f: {  	v1 =	vld [tilespmem:$0x4E70];
	_ =	sdelay $0x7  }
0x70: {  	[spmem:s2] =	stream.indirect_vreg.scatter.add.f32 [tilespmem:s19], [sflag:$0x3], $0x80, v1, vm0, $0xb8;
	[tilespmem:$0x1DB00] =	vst v63  }
0x71: {  	v1 =	vld [tilespmem:$0x4E80];
	_ =	sdelay $0x7  }
0x72: {  	[spmem:s2] =	stream.indirect_vreg.scatter.add.f32 [tilespmem:s20], [sflag:$0x3], $0x80, v1, vm0, $0xb8;
	[tilespmem:$0x1DB00] =	vst v63  }
0x73: {  	_ =	swait.ge [sflag:s21], $0x800  }
0x74: {  	[sflag:s21] =	ssyncset.done $0x0  }
0x75: {  	[sflag:s21] =	ssyncadd.s32 $0xFFFFF800  }
0x76: {  	_ =	swait.ge [sflag:s21], $0x800  }
0x77: {  	[sflag:s21] =	ssyncset.done $0x0  }
0x78: {  	[sflag:s21] =	ssyncadd.s32 $0xFFFFF800  }
0x79: {  	_ =	swait.ge [sflag:s21], $0x800  }
0x7a: {  	[sflag:s21] =	ssyncset.done $0x0  }
0x7b: {  	[sflag:s21] =	ssyncadd.s32 $0xFFFFF800  }
0x7c: {  	_ =	swait.ge [sflag:s21], $0x800  }
0x7d: {  	[sflag:s21] =	ssyncset.done $0x0  }
0x7e: {  	[sflag:s21] =	ssyncadd.s32 $0xFFFFF800  }
0x7f: {  	_ =	swait.ge [sflag:s21], $0x800  }
0x80: {  	s30 =	sadd.s32 $0x1, s30;
	[sflag:s21] =	ssyncset.done $0x0  }
0x81: {  	p0 =	sne.s32 s30, s9;
	[sflag:s21] =	ssyncadd.s32 $0xFFFFF800  }
.Ltmp2:
0x82: {  	[bflag:$0x0] =	sbarrier.arrive $0xFFFF;
	(pc) =	sbr.rel @p0 .LBB2_1-.Ltmp2, $4  }
0x83: {  	[hbm:s23], [sflag:s6] =	dma.local [spmem:s10], $0x2780  }
0x84: {  	_ =	swait.ge [sflag:s11], $0x2780  }
0x85: {  	[sflag:s11] =	ssyncset.done $0x0  }
0x86: {  	[sflag:s11] =	ssyncadd.s32 $0xFFFFD880  }
0x87: {  	_ =	sfence.sel $0x180000  }
0x88: {  	[bflag:$0x0] =	sbarrier.arrive $0xFFFF  }
0x89: {  	_ =	strace $0x90000047  }
0x8a: {  	s0 =	stileid.u32;
	[bflag:$0x2] =	sbarrier.arrive $0xFFFF  }
0x8b: {  	p0 =	sne.s32 s0, $0x0;
	s0 =	rddreg [dreg:$0x2]  }
0x8c: {  	s0 =	sadd.s32 @!p0 $0x100000, s0  }
0x8d: {  	[sflag:s0] =	ssyncadd.tile.s32 @!p0 $0x1;
	_ =	shalt  }
.Lfunc_end2:
_tile_overlayer_lowered:
.L_overlay_start_2:
0x8e: {  	(tag) =	ssettag $0x2  }
0x8f: {  	s0 =	rddreg [dreg:$0x0];
	s2 =	stileid.u32  }
0x90: {  	s1 =	rddreg [dreg:$0x1];
	p0 =	sne.s32 s2, $0x0  }
0x91: {  	s3 =	rddreg [dreg:$0x2];
	[bflag:$0x3] =	sbarrier.arrive $0xFFFF;
	s2 =	simm.s32 @!p0 $0x1C05  }
0x92: {  	[timem:s3], [sflag:s2] =	dma.local @!p0 [hbm:s0], s1  }
0x93: {  	s0 =	simm.s32 @!p0 $0x5  }
0x94: {  	_ =	swait.ge @!p0 [sflag:s0], s1  }
0x95: {  	s1 =	ssub.s32 @!p0 $0x0, s1;
	[sflag:s0] =	ssyncset.done @!p0 $0x0  }
0x96: {  	[sflag:s0] =	ssyncadd.s32 @!p0 s1  }
0x97: {  	[bflag:$0x3] =	sbarrier.arrive $0xFFFF  }
0x98: {  	_ =	shalt  }

// kernel: kernel.15.cloned.1.call-start
scs
__scs_entry_jumppad:
0x0: {  	(pc) =	sbr.rel $0x88, $3  }
0x1: {  	(tag) =	ssettag $0x0;
	lr =	simm.s32 $0x1  }
0x2: {  	[smem:$0x3F94] =	sst lr;
	_ =	strace $0xD0000000  }
0x3: {  	_ = 	snop  }
0x4: {  	_ = 	snop  }
0x5: {  	_ = 	snop  }
0x6: {  	_ = 	snop  }
0x7: {  	_ = 	snop  }
__scs_overlays_trampoline_lowered:
0x8: {  	[smem:$0x3FA3] =	sst s0  }
0x9: {  	[smem:$0x3FA4] =	sst s1  }
0xa: {  	[smem:$0x3FA5] =	sst s2  }
0xb: {  	[smem:$0x3FA6] =	sst s3  }
0xc: {  	[smem:$0x3FA7] =	sst s4  }
0xd: {  	[smem:$0x3FA8] =	sst s5  }
0xe: {  	[smem:$0x3FA9] =	sst s6  }
0xf: {  	[smem:$0x3FAA] =	sst s7  }
0x10: {  	[smem:$0x3FAB] =	sst s8  }
0x11: {  	[smem:$0x3FAC] =	sst s9;
	s0 =	simm.s32 @!p0 $0x0  }
0x12: {  	s1 =	sld [smem:$0x3F92];
	s0 =	simm.s32 @p0 $0x1  }
0x13: {  	[smem:$0x3FAD] =	sst s0;
	s0 =	simm.s32 @!p1 $0x0  }
0x14: {  	s2 =	sld [smem:$0x3F91];
	s0 =	simm.s32 @p1 $0x1  }
0x15: {  	[smem:$0x3FAE] =	sst s0;
	s0 =	simm.s32 @!p2 $0x0  }
0x16: {  	s3 =	sld [smem:$0x3FDB];
	s0 =	simm.s32 @p2 $0x1  }
0x17: {  	s4 =	simm.s32 $0x1BF5;
	[smem:$0x3FB0] =	sst s0  }
0x18: {  	s0 =	sld [smem:$0x3F93];
	_ =	swait.ge [sflag:s4], $0x0  }
0x19: {  	s7 =	sld [smem:$0x3F94]  }
0x1a: {  	s8 =	sadd.s32 $0xFFFFE003, lr  }
0x1b: {  	s9 =	sadd.s32 $0xFFFFFEF7, lr;
	s5 =	simm.s32 $0xFFFFFFFF;
	p2 =	slt.u32 s8, $0xFFFFF086  }
0x1c: {  	p1 =	slt.u32 s9, $0xF7A;
	s5 =	simm.s32 @!p2 $0x0  }
0x1d: {  	s5 =	simm.s32 @p1 $0x1;
	p0 =	seq.s32 s7, s2  }
0x1e: {  	s7 =	smul.u32 @!p0 $0xF7A, s2;
	p2 =	seq.s32 @!p0 s5, $0x0  }
0x1f: {  	s9 =	smul.u32 $0xF7A, s1;
	s8 =	simm.s32 @!p0 $0x1BF5;
	p2 =	por !p2, p0  }
0x20: {  	[sflag:s8] =	ssyncset.s32 @!p0 $0xFFFFF086;
	s6 =	sadd.s32 @!p0 s3, s7;
	s7 =	simm.s32 @!p0 $0x108  }
0x21: {  	s3 =	sadd.s32 s3, s9;
	s6 =	sadd.s32 @!p0 $0x88, s6;
	s7 =	simm.s32 @p2 $0x1082  }
0x22: {  	[simem:s7], [sflag:s8] =	dma.local @!p0 [hbm:s6], $0xF7A  }
0x23: {  	s9 =	sor.u32 $0xD0000000, s2;
	s6 =	simm.s32 $0x108;
	_ =	swait.ge @!p0 [sflag:s8], $0x0  }
0x24: {  	s3 =	sadd.s32 $0x88, s3;
	s6 =	simm.s32 @!p1 $0x1082;
	[sflag:s4] =	ssyncset.s32 $0xFFFFF086  }
0x25: {  	[simem:s6], [sflag:s4] =	dma.local [hbm:s3], $0xF7A  }
0x26: {  	[smem:$0x3F94] =	sst s1;
	(tag) =	ssettag s2;
	_ =	strace s9  }
0x27: {  	s1 =	sld [smem:$0x3FA4]  }
0x28: {  	s2 =	sld [smem:$0x3FA5]  }
0x29: {  	s4 =	sld [smem:$0x3FA7]  }
0x2a: {  	p0 =	seq.s32 s5, $0x0;
	s5 =	sld [smem:$0x3FA8]  }
0x2b: {  	s6 =	sld [smem:$0x3FA9]  }
0x2c: {  	s7 =	sld [smem:$0x3FAA]  }
0x2d: {  	s3 =	simm.s32 $0x108;
	s8 =	sld [smem:$0x3FAB]  }
0x2e: {  	s3 =	simm.s32 @!p0 $0x1082;
	s9 =	sld [smem:$0x3FAC]  }
0x2f: {  	lr =	sadd.s32 s0, s3;
	s0 =	sld [smem:$0x3FA3]  }
0x30: {  	s3 =	sld [smem:$0x3FA6]  }
0x31: {  	[smem:$0x3FAF] =	sst s10  }
0x32: {  	s10 =	sld [smem:$0x3FAD];
	_ =	sdelay $0x3  }
0x33: {  	p0 =	seq.s32 s10, $0x1;
	s10 =	sld [smem:$0x3FAF];
	_ =	sdelay $0x3  }
0x34: {  	[smem:$0x3FAF] =	sst s10  }
0x35: {  	s10 =	sld [smem:$0x3FAE];
	_ =	sdelay $0x3  }
0x36: {  	p1 =	seq.s32 s10, $0x1;
	s10 =	sld [smem:$0x3FAF];
	_ =	sdelay $0x3  }
0x37: {  	[smem:$0x3FAF] =	sst s10  }
0x38: {  	s10 =	sld [smem:$0x3FB0]  }
0x39: {  	_ = 	snop;
	(pc) =	sbr.ind lr, $3  }
0x3a: {  	_ = 	snop  }
0x3b: {  	_ = 	snop  }
0x3c: {  	p2 =	seq.s32 s10, $0x1;
	s10 =	sld [smem:$0x3FAF]  }
0x3d: {  	_ =	shalt  }
0x3e: {  	_ =	shalt  }
0x3f: {  	_ =	shalt  }
0x40: {  	_ =	shalt  }
0x41: {  	_ =	shalt  }
0x42: {  	_ =	shalt  }
0x43: {  	_ =	shalt  }
0x44: {  	_ =	shalt  }
0x45: {  	_ =	shalt  }
0x46: {  	_ =	shalt  }
0x47: {  	_ =	shalt  }
0x48: {  	_ =	shalt  }
0x49: {  	_ =	shalt  }
0x4a: {  	_ =	shalt  }
0x4b: {  	_ =	shalt  }
0x4c: {  	_ =	shalt  }
0x4d: {  	_ =	shalt  }
0x4e: {  	_ =	shalt  }
0x4f: {  	_ =	shalt  }
0x50: {  	_ =	shalt  }
0x51: {  	_ =	shalt  }
0x52: {  	_ =	shalt  }
0x53: {  	_ =	shalt  }
0x54: {  	_ =	shalt  }
0x55: {  	_ =	shalt  }
0x56: {  	_ =	shalt  }
0x57: {  	_ =	shalt  }
0x58: {  	_ =	shalt  }
0x59: {  	_ =	shalt  }
0x5a: {  	_ =	shalt  }
0x5b: {  	_ =	shalt  }
0x5c: {  	_ =	shalt  }
0x5d: {  	_ =	shalt  }
0x5e: {  	_ =	shalt  }
0x5f: {  	_ =	shalt  }
0x60: {  	_ =	shalt  }
0x61: {  	_ =	shalt  }
0x62: {  	_ =	shalt  }
0x63: {  	_ =	shalt  }
0x64: {  	_ =	shalt  }
0x65: {  	_ =	shalt  }
0x66: {  	_ =	shalt  }
0x67: {  	_ =	shalt  }
0x68: {  	_ =	shalt  }
0x69: {  	_ =	shalt  }
0x6a: {  	_ =	shalt  }
0x6b: {  	_ =	shalt  }
0x6c: {  	_ =	shalt  }
0x6d: {  	_ =	shalt  }
0x6e: {  	_ =	shalt  }
0x6f: {  	_ =	shalt  }
0x70: {  	_ =	shalt  }
0x71: {  	_ =	shalt  }
0x72: {  	_ =	shalt  }
0x73: {  	_ =	shalt  }
0x74: {  	_ =	shalt  }
0x75: {  	_ =	shalt  }
0x76: {  	_ =	shalt  }
0x77: {  	_ =	shalt  }
0x78: {  	_ =	shalt  }
0x79: {  	_ =	shalt  }
0x7a: {  	_ =	shalt  }
0x7b: {  	_ =	shalt  }
0x7c: {  	_ =	shalt  }
0x7d: {  	_ =	shalt  }
0x7e: {  	_ =	shalt  }
0x7f: {  	_ =	shalt  }
0x80: {  	_ =	shalt  }
0x81: {  	_ =	shalt  }
0x82: {  	_ =	shalt  }
0x83: {  	_ =	shalt  }
0x84: {  	_ =	shalt  }
0x85: {  	_ =	shalt  }
0x86: {  	_ =	shalt  }
0x87: {  	_ =	shalt  }
.Lfunc_end0:
.L_simem_size_0:
called_computation.2_lowered:
.L_overlay_start_0:
0x88: {  	s2 =	sld [smem:$0x3FD9]  }
0x89: {  	s3 =	sld [smem:$0x3FFE];
	_ =	sdelay $0x1  }
0x8a: {  	s1 =	srdreg.scid  }
0x8b: {  	s0 =	sand.u32 $0x1, s1  }
0x8c: {  	s16 =	sshll.u32 s0, $0xA;
	s2 =	sadd.s32 s3, s2  }
0x8d: {  	s2 =	sadd.s32 s2, s16  }
0x8e: {  	[smem:$0x3FBB] =	sst s2  }
0x8f: {  	_ = 	snop  }
0x90: {  	(tm) =	ssettm $0x1  }
0x91: {  	s17 =	sld [smem:$0x3FFB];
	_ =	sdelay $0x3  }
0x92: {  	_ =	strace s17  }
0x93: {  	s2 =	sld [smem:$0x3FFC];
	_ =	sdelay $0x3  }
0x94: {  	_ =	strace s2  }
0x95: {  	s2 =	sld [smem:$0x3FFD];
	_ =	sdelay $0x3  }
0x96: {  	_ =	strace s2  }
0x97: {  	_ =	strace $0x8FFFFFFF  }
0x98: {  	s18 =	sld [smem:$0x3FDB];
	_ =	sdelay $0x1  }
0x99: {  	s19 =	simm.s32 $_scs_section_size  }
0x9a: {  	s4 =	simm.s32 $_size__tile_overlayer_lowered;
	s5 =	simm.s32 $_tile_overlayer_lowered  }
0x9b: {  	s22 =	simm.s32 $0x1BFF;
	s21 =	sshll.u32 s5, $0x1;
	s2 =	sadd.s32 s19, s18  }
0x9c: {  	s6 =	simm.s32 $0x0;
	s20 =	sshll.u32 s4, $0x1;
	s4 =	sadd.s32 s21, s2  }
0x9d: {  	[timem:s6], [sflag:s22] =	dma.local [hbm:s4], s20  }
0x9e: {  	_ =	swait.ge [sflag:s22], s20  }
0x9f: {  	s3 =	ssub.s32 $0x0, s20;
	[sflag:s22] =	ssyncset.done $0x0  }
0xa0: {  	[sflag:s22] =	ssyncadd.s32 s3;
	_ =	sdelay $0x1  }
0xa1: {  	s23 =	simm.s32 $0x1B8B  }
0xa2: {  	_ =	swait.ge [sflag:s23], $0x1  }
0xa3: {  	[sflag:s23] =	ssyncset.done $0x0  }
0xa4: {  	s25 =	simm.s32 $0x1B8E;
	s24 =	sld [smem:$0x3FFE];
	[sflag:s23] =	ssyncadd.s32 $0xFFFFFFFF  }
0xa5: {  	s26 =	simm.s32 $execute0_lowered;
	[smem:$0x3FD2] =	sst s25  }
0xa6: {  	s4 =	sshll.u32 s26, $0x1;
	_ =	strace $0x8000004C;
	[dreg:$0x1] =	wrdreg $0xFFFFFFFF  }
0xa7: {  	s28 =	simm.s32 $_size_execute0_lowered;
	s2 =	sadd.s32 s2, s4;
	[dreg:$0x0] =	wrdreg $0x0  }
0xa8: {  	s4 =	sshll.u32 s28, $0x1;
	[dreg:$0x2] =	wrdreg s2  }
0xa9: {  	[dreg:$0x3] =	wrdreg s4  }
0xaa: {  	[dreg:$0x4] =	wrdreg $0xC0  }
0xab: {  	_ =	task [dreg:s6], $0x5FFFF  }
0xac: {  	[dreg:$0x1] =	wrdreg $0xFFFFFFFF  }
0xad: {  	[dreg:$0x0] =	wrdreg $0x60  }
0xae: {  	[dreg:$0x2] =	wrdreg s24  }
0xaf: {  	[dreg:$0x3] =	wrdreg $0x9F000  }
0xb0: {  	[dreg:$0x4] =	wrdreg $0x9  }
0xb1: {  	_ =	task.clear_ibuf [dreg:s6], $0x5FFFF;
	_ =	strace $0x9000004C  }
0xb2: {  	s29 =	simm.s32 $0x9;
	_ =	strace $0x8000004E  }
0xb3: {  	_ =	swait.ge [sflag:s29], $0x1  }
0xb4: {  	[sflag:s29] =	ssyncadd.s32 $0xFFFFFFFF  }
0xb5: {  	_ =	strace $0x9000004E  }
0xb6: {  	_ =	sfence  }
0xb7: {  	s30 =	sld [smem:$0x0];
	_ =	sdelay $0x2  }
0xb8: {  	s31 =	sshll.u32 s1, $0xD;
	s1 =	sshrl.u32 s1, $0x2  }
0xb9: {  	s3 =	sand.u32 $0x4000, s31;
	s1 =	sadd.s32 s1, s30  }
0xba: {  	s0 =	sor.u32 s3, s0;
	s1 =	sshll.u32 s1, $0x11  }
0xbb: {  	s0 =	sor.u32 s1, s0  }
0xbc: {  	s0 =	sadd.s32 $0x8F2B, s0  }
0xbd: {  	[sflag:s0] =	ssyncadd.remote.s32 $0x1  }
0xbe: {  	_ =	sfence.sel $0xFFFF  }
0xbf: {  	[dreg:$0x0] =	wrdreg $0xFFFFFFFF;
	(pc) =	sbr.abs _section_cstart, $3  }
0xc0: {  	[dreg:$0x1] =	wrdreg $0xFFFFFFFF  }
0xc1: {  	_ =	task.clear_ibuf [dreg:s6], $0x2FFFF;
	_ =	strace $0x9FFFFFFF  }
0xc2: {  	(tm) =	ssettm $0x7FFFFFFF  }
0xc3: {  	_ =	shalt  }
tec
execute0_lowered:
.L_overlay_start_1:
0x0: {  	(tag) =	ssettag $0x1  }
0x1: {  	s0 =	rddreg [dreg:$0x0]  }
0x2: {  	s2 =	rddreg [dreg:$0x1]  }
0x3: {  	s10 =	stileid.u32;
	s3 =	simm.s32 $0x0;
	s4 =	srdreg.scid  }
0x4: {  	s11 =	simm.s32 $0x5;
	s13 =	simm.s32 $0x50;
	s14 =	simm.s32 $0x4F00  }
0x5: {  	s15 =	simm.s32 $0x7700;
	s16 =	simm.s32 $0x1;
	s17 =	simm.s32 $0x5700  }
0x6: {  	s18 =	simm.s32 $0x5F00;
	s19 =	simm.s32 $0x6700;
	s20 =	simm.s32 $0x6F00  }
0x7: {  	s21 =	simm.s32 $0x3;
	s22 =	simm.s32 $0x2;
	s29 =	simm.s32 $0x4  }
0x8: {  	s30 =	simm.s32 $0x0;
	s1 =	smul.u32 $0x4E2, s10;
	[smem:$0x7FF] =	sst s3  }
0x9: {  	s23 =	smul.u32 $0x2780, s10;
	s28 =	sand.u32 $0x1, s4;
	s4 =	sadd.s32 $0xD400, s0  }
0xa: {  	s7 =	smul.u32 $0x4F000, s10;
	s26 =	sshll.u32 s10, $0x6;
	_ =	strace $0x8000004D  }
0xb: {  	s5 =	smul.u32 $0x27800, s28;
	s6 =	ssub.s32 $0x2, s28;
	v0 =	vmov s28;
	s28 =	simm.s32 $0x9700  }
0xc: {  	s1 =	sadd.s32 s1, s0;
	s8 =	sadd.s32 s23, s0;
	s24 =	sshrl.u32 s6, $0x1  }
0xd: {  	s25 =	sshrl.u32 s7, $0x2;
	s0 =	sadd.s32 s5, s0;
	s9 =	ssub.s32 s6, s24  }
0xe: {  	s31 =	sadd.s32 s25, s2;
	s5 =	sadd.s32 $0x5B600, s8;
	s6 =	sor.u32 $0x1C05, s26  }
0xf: {  	s7 =	sadd.s32 $0x8400, s1;
	s8 =	sadd.s32 $0x3400, s1;
	s24 =	simm.s32 $0x7F00  }
0x10: {  	s25 =	simm.s32 $0x8700;
	s26 =	simm.s32 $0x8F00;
	s0 =	sadd.s32 $0x82E00, s0  }
0x11: {  	vm0 =	vmmov $0xffff;
	s9 =	smax.u32 s9, $0x1;
	s10 =	sshrl.u32 s31, $0x3;
	s23 =	sadd.s32 s23, s0  }
.LBB2_1:
0x12: {  	[spmem:s10], [sflag:s6] =	dma.local [hbm:s5], $0x2780  }
0x13: {  	_ =	swait.ge [sflag:s11], $0x2780  }
0x14: {  	[sflag:s11] =	ssyncset.done $0x0  }
0x15: {  	[sflag:s11] =	ssyncadd.s32 $0xFFFFD880  }
0x16: {  	[tilespmem:s3], [sflag:$0x5] =	stream.linear.gather [hbm4b:s7+s3], $0x2710, $0x38;
	[tilespmem:$0x1DB00] =	vst v63  }
0x17: {  	_ =	swait.ge [sflag:s11], $0x2710  }
0x18: {  	[sflag:s11] =	ssyncset.done $0x0  }
0x19: {  	s0 =	simm.s32 $0x2780;
	[sflag:s11] =	ssyncadd.s32 $0xFFFFD8F0  }
0x1a: {  	[tilespmem:s0], [sflag:$0x5] =	stream.linear.gather [hbm4b:s8+s3], $0x2710, $0x38;
	[tilespmem:$0x1DB00] =	vst v63  }
0x1b: {  	_ =	swait.ge [sflag:s11], $0x2710  }
0x1c: {  	[sflag:s11] =	ssyncset.done $0x0  }
0x1d: {  	s1 =	simm.s32 $0x40;
	s0 =	simm.s32 $0x0;
	[sflag:s11] =	ssyncadd.s32 $0xFFFFD8F0  }
.LBB2_2:
0x1e: {  	p0 =	sne.s32 s1, $0x9C00;
	v1 =	vld [tilespmem:s0+$0x0];
	_ =	sdelay $0x2  }
.Ltmp0:
0x1f: {  	(pc) =	sbr.rel @p0 .LBB2_2-.Ltmp0, $4  }
0x20: {  	_ = 	snop  }
0x21: {  	v1 =	vshll.u32 v1, $0x1  }
0x22: {  	v1 =	vor.u32 v0, v1  }
0x23: {  	[tilespmem:s0+$0x0] =	vst v1;
	s0 =	sshra.s32 s1, $0x2;
	s1 =	sadd.s32 $0x40, s1  }
0x24: {  	v1 =	vld [tilespmem:s0+$0x0];
	_ =	sdelay $0x4  }
0x25: {  	v1 =	vshll.u32 v1, $0x1  }
0x26: {  	v1 =	vor.u32 v0, v1  }
0x27: {  	s31 =	simm.s32 $0x0;
	[tilespmem:s0+$0x0] =	vst v1  }
0x28: {  	s1 =	simm.s32 $0x27D0;
	s0 =	simm.s32 $0xA0;
	[bflag:$0x0] =	sbarrier.arrive $0xFFFF  }
0x29: {  	[tilespmem:s14], [sflag:$0x1] =	stream.indirect.gather [hbm4b:s4+s13], $0x80, s31, s13, $0xb8;
	[tilespmem:$0x1DB00] =	vst v63  }
.LBB2_4:
0x2a: {  	s12 =	sadd.s32 $0xFFFFFFB0, s0  }
0x2b: {  	[tilespmem:s15], [sflag:$0x2] =	stream.indirect.gather [hbm4b:s4+s13], $0x80, s12, s13, $0xb8;
	[tilespmem:$0x1DB00] =	vst v63  }
0x2c: {  	_ =	swait.ge [sflag:s16], $0x2800  }
0x2d: {  	[sflag:s16] =	ssyncset.done $0x0  }
0x2e: {  	[sflag:s16] =	ssyncadd.s32 $0xFFFFD800  }
0x2f: {  	v1 =	vld [tilespmem:s1+$0xFFFFFFB0];
	_ =	sdelay $0x7  }
0x30: {  	[spmem:s2] =	stream.indirect_vreg.scatter.add.f32 [tilespmem:s14], [sflag:$0x3], $0x80, v1, vm0, $0xb8;
	[tilespmem:$0x1DB00] =	vst v63  }
0x31: {  	v1 =	vld [tilespmem:s1+$0xFFFFFFC0];
	_ =	sdelay $0x7  }
0x32: {  	[spmem:s2] =	stream.indirect_vreg.scatter.add.f32 [tilespmem:s17], [sflag:$0x3], $0x80, v1, vm0, $0xb8;
	[tilespmem:$0x1DB00] =	vst v63  }
0x33: {  	v1 =	vld [tilespmem:s1+$0xFFFFFFD0];
	_ =	sdelay $0x7  }
0x34: {  	[spmem:s2] =	stream.indirect_vreg.scatter.add.f32 [tilespmem:s18], [sflag:$0x3], $0x80, v1, vm0, $0xb8;
	[tilespmem:$0x1DB00] =	vst v63  }
0x35: {  	v1 =	vld [tilespmem:s1+$0xFFFFFFE0];
	_ =	sdelay $0x7  }
0x36: {  	[spmem:s2] =	stream.indirect_vreg.scatter.add.f32 [tilespmem:s19], [sflag:$0x3], $0x80, v1, vm0, $0xb8;
	[tilespmem:$0x1DB00] =	vst v63  }
0x37: {  	v1 =	vld [tilespmem:s1+$0xFFFFFFF0];
	_ =	sdelay $0x7  }
0x38: {  	[spmem:s2] =	stream.indirect_vreg.scatter.add.f32 [tilespmem:s20], [sflag:$0x3], $0x80, v1, vm0, $0xb8;
	[tilespmem:$0x1DB00] =	vst v63  }
0x39: {  	_ =	swait.ge [sflag:s21], $0x800  }
0x3a: {  	[sflag:s21] =	ssyncset.done $0x0  }
0x3b: {  	[sflag:s21] =	ssyncadd.s32 $0xFFFFF800  }
0x3c: {  	_ =	swait.ge [sflag:s21], $0x800  }
0x3d: {  	[sflag:s21] =	ssyncset.done $0x0  }
0x3e: {  	[sflag:s21] =	ssyncadd.s32 $0xFFFFF800  }
0x3f: {  	_ =	swait.ge [sflag:s21], $0x800  }
0x40: {  	[sflag:s21] =	ssyncset.done $0x0  }
0x41: {  	[sflag:s21] =	ssyncadd.s32 $0xFFFFF800  }
0x42: {  	_ =	swait.ge [sflag:s21], $0x800  }
0x43: {  	[sflag:s21] =	ssyncset.done $0x0  }
0x44: {  	[sflag:s21] =	ssyncadd.s32 $0xFFFFF800  }
0x45: {  	_ =	swait.ge [sflag:s21], $0x800  }
0x46: {  	[sflag:s21] =	ssyncset.done $0x0  }
0x47: {  	[sflag:s21] =	ssyncadd.s32 $0xFFFFF800  }
0x48: {  	[tilespmem:s14], [sflag:$0x1] =	stream.indirect.gather [hbm4b:s4+s13], $0x80, s0, s13, $0xb8;
	[tilespmem:$0x1DB00] =	vst v63  }
0x49: {  	_ =	swait.ge [sflag:s22], $0x2800  }
0x4a: {  	[sflag:s22] =	ssyncset.done $0x0  }
0x4b: {  	[sflag:s22] =	ssyncadd.s32 $0xFFFFD800  }
0x4c: {  	v1 =	vld [tilespmem:s1+$0x0];
	_ =	sdelay $0x7  }
0x4d: {  	[spmem:s2] =	stream.indirect_vreg.scatter.add.f32 [tilespmem:s15], [sflag:$0x4], $0x80, v1, vm0, $0xb8;
	[tilespmem:$0x1DB00] =	vst v63  }
0x4e: {  	v1 =	vld [tilespmem:s1+$0x10];
	_ =	sdelay $0x7  }
0x4f: {  	[spmem:s2] =	stream.indirect_vreg.scatter.add.f32 [tilespmem:s24], [sflag:$0x4], $0x80, v1, vm0, $0xb8;
	[tilespmem:$0x1DB00] =	vst v63  }
0x50: {  	v1 =	vld [tilespmem:s1+$0x20];
	_ =	sdelay $0x6  }
0x51: {  	s12 =	sand.u32 $0x3FE0, s31  }
0x52: {  	[spmem:s2] =	stream.indirect_vreg.scatter.add.f32 [tilespmem:s25], [sflag:$0x4], $0x80, v1, vm0, $0xb8;
	[tilespmem:$0x1DB00] =	vst v63  }
0x53: {  	v1 =	vld [tilespmem:s12+$0x2800];
	_ =	sdelay $0x7  }
0x54: {  	[spmem:s2] =	stream.indirect_vreg.scatter.add.f32 [tilespmem:s26], [sflag:$0x4], $0x80, v1, vm0, $0xb8;
	[tilespmem:$0x1DB00] =	vst v63  }
0x55: {  	v1 =	vld [tilespmem:s1+$0x40];
	_ =	sdelay $0x7  }
0x56: {  	[spmem:s2] =	stream.indirect_vreg.scatter.add.f32 [tilespmem:s28], [sflag:$0x4], $0x80, v1, vm0, $0xb8;
	[tilespmem:$0x1DB00] =	vst v63  }
0x57: {  	_ =	swait.ge [sflag:s29], $0x800  }
0x58: {  	[sflag:s29] =	ssyncset.done $0x0  }
0x59: {  	[sflag:s29] =	ssyncadd.s32 $0xFFFFF800  }
0x5a: {  	_ =	swait.ge [sflag:s29], $0x800  }
0x5b: {  	[sflag:s29] =	ssyncset.done $0x0  }
0x5c: {  	[sflag:s29] =	ssyncadd.s32 $0xFFFFF800  }
0x5d: {  	_ =	swait.ge [sflag:s29], $0x800  }
0x5e: {  	[sflag:s29] =	ssyncset.done $0x0  }
0x5f: {  	[sflag:s29] =	ssyncadd.s32 $0xFFFFF800  }
0x60: {  	p0 =	sne.s32 s31, $0x2620;
	_ =	swait.ge [sflag:s29], $0x800  }
.Ltmp1:
0x61: {  	[sflag:s29] =	ssyncset.done $0x0;
	(pc) =	sbr.rel @p0 .LBB2_4-.Ltmp1, $4  }
0x62: {  	[sflag:s29] =	ssyncadd.s32 $0xFFFFF800  }
0x63: {  	_ =	swait.ge [sflag:s29], $0x800  }
0x64: {  	s31 =	sadd.s32 $0xA0, s31;
	[sflag:s29] =	ssyncset.done $0x0  }
0x65: {  	s0 =	sadd.s32 $0xA0, s0;
	s1 =	sadd.s32 $0xA0, s1;
	[sflag:s29] =	ssyncadd.s32 $0xFFFFF800  }
0x66: {  	_ =	swait.ge [sflag:s16], $0x2800  }
0x67: {  	[sflag:s16] =	ssyncset.done $0x0  }
0x68: {  	[sflag:s16] =	ssyncadd.s32 $0xFFFFD800  }
0x69: {  	v1 =	vld [tilespmem:$0x4E40];
	_ =	sdelay $0x7  }
0x6a: {  	[spmem:s2] =	stream.indirect_vreg.scatter.add.f32 [tilespmem:s14], [sflag:$0x3], $0x80, v1, vm0, $0xb8;
	[tilespmem:$0x1DB00] =	vst v63  }
0x6b: {  	v1 =	vld [tilespmem:$0x4E50];
	_ =	sdelay $0x7  }
0x6c: {  	[spmem:s2] =	stream.indirect_vreg.scatter.add.f32 [tilespmem:s17], [sflag:$0x3], $0x80, v1, vm0, $0xb8;
	[tilespmem:$0x1DB00] =	vst v63  }
0x6d: {  	v1 =	vld [tilespmem:$0x4E60];
	_ =	sdelay $0x7  }
0x6e: {  	[spmem:s2] =	stream.indirect_vreg.scatter.add.f32 [tilespmem:s18], [sflag:$0x3], $0x80, v1, vm0, $0xb8;
	[tilespmem:$0x1DB00] =	vst v63  }
0x6f: {  	v1 =	vld [tilespmem:$0x4E70];
	_ =	sdelay $0x7  }
0x70: {  	[spmem:s2] =	stream.indirect_vreg.scatter.add.f32 [tilespmem:s19], [sflag:$0x3], $0x80, v1, vm0, $0xb8;
	[tilespmem:$0x1DB00] =	vst v63  }
0x71: {  	v1 =	vld [tilespmem:$0x4E80];
	_ =	sdelay $0x7  }
0x72: {  	[spmem:s2] =	stream.indirect_vreg.scatter.add.f32 [tilespmem:s20], [sflag:$0x3], $0x80, v1, vm0, $0xb8;
	[tilespmem:$0x1DB00] =	vst v63  }
0x73: {  	_ =	swait.ge [sflag:s21], $0x800  }
0x74: {  	[sflag:s21] =	ssyncset.done $0x0  }
0x75: {  	[sflag:s21] =	ssyncadd.s32 $0xFFFFF800  }
0x76: {  	_ =	swait.ge [sflag:s21], $0x800  }
0x77: {  	[sflag:s21] =	ssyncset.done $0x0  }
0x78: {  	[sflag:s21] =	ssyncadd.s32 $0xFFFFF800  }
0x79: {  	_ =	swait.ge [sflag:s21], $0x800  }
0x7a: {  	[sflag:s21] =	ssyncset.done $0x0  }
0x7b: {  	[sflag:s21] =	ssyncadd.s32 $0xFFFFF800  }
0x7c: {  	_ =	swait.ge [sflag:s21], $0x800  }
0x7d: {  	[sflag:s21] =	ssyncset.done $0x0  }
0x7e: {  	[sflag:s21] =	ssyncadd.s32 $0xFFFFF800  }
0x7f: {  	_ =	swait.ge [sflag:s21], $0x800  }
0x80: {  	s30 =	sadd.s32 $0x1, s30;
	[sflag:s21] =	ssyncset.done $0x0  }
0x81: {  	p0 =	sne.s32 s30, s9;
	[sflag:s21] =	ssyncadd.s32 $0xFFFFF800  }
.Ltmp2:
0x82: {  	[bflag:$0x0] =	sbarrier.arrive $0xFFFF;
	(pc) =	sbr.rel @p0 .LBB2_1-.Ltmp2, $4  }
0x83: {  	[hbm:s23], [sflag:s6] =	dma.local [spmem:s10], $0x2780  }
0x84: {  	_ =	swait.ge [sflag:s11], $0x2780  }
0x85: {  	[sflag:s11] =	ssyncset.done $0x0  }
0x86: {  	[sflag:s11] =	ssyncadd.s32 $0xFFFFD880  }
0x87: {  	_ =	sfence.sel $0x180000  }
0x88: {  	[bflag:$0x0] =	sbarrier.arrive $0xFFFF  }
0x89: {  	_ =	strace $0x9000004D  }
0x8a: {  	s0 =	stileid.u32;
	[bflag:$0x2] =	sbarrier.arrive $0xFFFF  }
0x8b: {  	p0 =	sne.s32 s0, $0x0;
	s0 =	rddreg [dreg:$0x2]  }
0x8c: {  	s0 =	sadd.s32 @!p0 $0x100000, s0  }
0x8d: {  	[sflag:s0] =	ssyncadd.tile.s32 @!p0 $0x1;
	_ =	shalt  }
.Lfunc_end2:
_tile_overlayer_lowered:
.L_overlay_start_2:
0x8e: {  	(tag) =	ssettag $0x2  }
0x8f: {  	s0 =	rddreg [dreg:$0x0];
	s2 =	stileid.u32  }
0x90: {  	s1 =	rddreg [dreg:$0x1];
	p0 =	sne.s32 s2, $0x0  }
0x91: {  	s3 =	rddreg [dreg:$0x2];
	[bflag:$0x3] =	sbarrier.arrive $0xFFFF;
	s2 =	simm.s32 @!p0 $0x1C05  }
0x92: {  	[timem:s3], [sflag:s2] =	dma.local @!p0 [hbm:s0], s1  }
0x93: {  	s0 =	simm.s32 @!p0 $0x5  }
0x94: {  	_ =	swait.ge @!p0 [sflag:s0], s1  }
0x95: {  	s1 =	ssub.s32 @!p0 $0x0, s1;
	[sflag:s0] =	ssyncset.done @!p0 $0x0  }
0x96: {  	[sflag:s0] =	ssyncadd.s32 @!p0 s1  }
0x97: {  	[bflag:$0x3] =	sbarrier.arrive $0xFFFF  }
0x98: {  	_ =	shalt  }

// kernel: kernel.18.cloned.1.call-start
scs
__scs_entry_jumppad:
0x0: {  	(pc) =	sbr.rel $0x88, $3  }
0x1: {  	(tag) =	ssettag $0x0;
	lr =	simm.s32 $0x1  }
0x2: {  	[smem:$0x3F94] =	sst lr;
	_ =	strace $0xD0000000  }
0x3: {  	_ = 	snop  }
0x4: {  	_ = 	snop  }
0x5: {  	_ = 	snop  }
0x6: {  	_ = 	snop  }
0x7: {  	_ = 	snop  }
__scs_overlays_trampoline_lowered:
0x8: {  	[smem:$0x3FA3] =	sst s0  }
0x9: {  	[smem:$0x3FA4] =	sst s1  }
0xa: {  	[smem:$0x3FA5] =	sst s2  }
0xb: {  	[smem:$0x3FA6] =	sst s3  }
0xc: {  	[smem:$0x3FA7] =	sst s4  }
0xd: {  	[smem:$0x3FA8] =	sst s5  }
0xe: {  	[smem:$0x3FA9] =	sst s6  }
0xf: {  	[smem:$0x3FAA] =	sst s7  }
0x10: {  	[smem:$0x3FAB] =	sst s8  }
0x11: {  	[smem:$0x3FAC] =	sst s9;
	s0 =	simm.s32 @!p0 $0x0  }
0x12: {  	s1 =	sld [smem:$0x3F92];
	s0 =	simm.s32 @p0 $0x1  }
0x13: {  	[smem:$0x3FAD] =	sst s0;
	s0 =	simm.s32 @!p1 $0x0  }
0x14: {  	s2 =	sld [smem:$0x3F91];
	s0 =	simm.s32 @p1 $0x1  }
0x15: {  	[smem:$0x3FAE] =	sst s0;
	s0 =	simm.s32 @!p2 $0x0  }
0x16: {  	s3 =	sld [smem:$0x3FDB];
	s0 =	simm.s32 @p2 $0x1  }
0x17: {  	s4 =	simm.s32 $0x1BF5;
	[smem:$0x3FB0] =	sst s0  }
0x18: {  	s0 =	sld [smem:$0x3F93];
	_ =	swait.ge [sflag:s4], $0x0  }
0x19: {  	s7 =	sld [smem:$0x3F94]  }
0x1a: {  	s8 =	sadd.s32 $0xFFFFE003, lr  }
0x1b: {  	s9 =	sadd.s32 $0xFFFFFEF7, lr;
	s5 =	simm.s32 $0xFFFFFFFF;
	p2 =	slt.u32 s8, $0xFFFFF086  }
0x1c: {  	p1 =	slt.u32 s9, $0xF7A;
	s5 =	simm.s32 @!p2 $0x0  }
0x1d: {  	s5 =	simm.s32 @p1 $0x1;
	p0 =	seq.s32 s7, s2  }
0x1e: {  	s7 =	smul.u32 @!p0 $0xF7A, s2;
	p2 =	seq.s32 @!p0 s5, $0x0  }
0x1f: {  	s9 =	smul.u32 $0xF7A, s1;
	s8 =	simm.s32 @!p0 $0x1BF5;
	p2 =	por !p2, p0  }
0x20: {  	[sflag:s8] =	ssyncset.s32 @!p0 $0xFFFFF086;
	s6 =	sadd.s32 @!p0 s3, s7;
	s7 =	simm.s32 @!p0 $0x108  }
0x21: {  	s3 =	sadd.s32 s3, s9;
	s6 =	sadd.s32 @!p0 $0x88, s6;
	s7 =	simm.s32 @p2 $0x1082  }
0x22: {  	[simem:s7], [sflag:s8] =	dma.local @!p0 [hbm:s6], $0xF7A  }
0x23: {  	s9 =	sor.u32 $0xD0000000, s2;
	s6 =	simm.s32 $0x108;
	_ =	swait.ge @!p0 [sflag:s8], $0x0  }
0x24: {  	s3 =	sadd.s32 $0x88, s3;
	s6 =	simm.s32 @!p1 $0x1082;
	[sflag:s4] =	ssyncset.s32 $0xFFFFF086  }
0x25: {  	[simem:s6], [sflag:s4] =	dma.local [hbm:s3], $0xF7A  }
0x26: {  	[smem:$0x3F94] =	sst s1;
	(tag) =	ssettag s2;
	_ =	strace s9  }
0x27: {  	s1 =	sld [smem:$0x3FA4]  }
0x28: {  	s2 =	sld [smem:$0x3FA5]  }
0x29: {  	s4 =	sld [smem:$0x3FA7]  }
0x2a: {  	p0 =	seq.s32 s5, $0x0;
	s5 =	sld [smem:$0x3FA8]  }
0x2b: {  	s6 =	sld [smem:$0x3FA9]  }
0x2c: {  	s7 =	sld [smem:$0x3FAA]  }
0x2d: {  	s3 =	simm.s32 $0x108;
	s8 =	sld [smem:$0x3FAB]  }
0x2e: {  	s3 =	simm.s32 @!p0 $0x1082;
	s9 =	sld [smem:$0x3FAC]  }
0x2f: {  	lr =	sadd.s32 s0, s3;
	s0 =	sld [smem:$0x3FA3]  }
0x30: {  	s3 =	sld [smem:$0x3FA6]  }
0x31: {  	[smem:$0x3FAF] =	sst s10  }
0x32: {  	s10 =	sld [smem:$0x3FAD];
	_ =	sdelay $0x3  }
0x33: {  	p0 =	seq.s32 s10, $0x1;
	s10 =	sld [smem:$0x3FAF];
	_ =	sdelay $0x3  }
0x34: {  	[smem:$0x3FAF] =	sst s10  }
0x35: {  	s10 =	sld [smem:$0x3FAE];
	_ =	sdelay $0x3  }
0x36: {  	p1 =	seq.s32 s10, $0x1;
	s10 =	sld [smem:$0x3FAF];
	_ =	sdelay $0x3  }
0x37: {  	[smem:$0x3FAF] =	sst s10  }
0x38: {  	s10 =	sld [smem:$0x3FB0]  }
0x39: {  	_ = 	snop;
	(pc) =	sbr.ind lr, $3  }
0x3a: {  	_ = 	snop  }
0x3b: {  	_ = 	snop  }
0x3c: {  	p2 =	seq.s32 s10, $0x1;
	s10 =	sld [smem:$0x3FAF]  }
0x3d: {  	_ =	shalt  }
0x3e: {  	_ =	shalt  }
0x3f: {  	_ =	shalt  }
0x40: {  	_ =	shalt  }
0x41: {  	_ =	shalt  }
0x42: {  	_ =	shalt  }
0x43: {  	_ =	shalt  }
0x44: {  	_ =	shalt  }
0x45: {  	_ =	shalt  }
0x46: {  	_ =	shalt  }
0x47: {  	_ =	shalt  }
0x48: {  	_ =	shalt  }
0x49: {  	_ =	shalt  }
0x4a: {  	_ =	shalt  }
0x4b: {  	_ =	shalt  }
0x4c: {  	_ =	shalt  }
0x4d: {  	_ =	shalt  }
0x4e: {  	_ =	shalt  }
0x4f: {  	_ =	shalt  }
0x50: {  	_ =	shalt  }
0x51: {  	_ =	shalt  }
0x52: {  	_ =	shalt  }
0x53: {  	_ =	shalt  }
0x54: {  	_ =	shalt  }
0x55: {  	_ =	shalt  }
0x56: {  	_ =	shalt  }
0x57: {  	_ =	shalt  }
0x58: {  	_ =	shalt  }
0x59: {  	_ =	shalt  }
0x5a: {  	_ =	shalt  }
0x5b: {  	_ =	shalt  }
0x5c: {  	_ =	shalt  }
0x5d: {  	_ =	shalt  }
0x5e: {  	_ =	shalt  }
0x5f: {  	_ =	shalt  }
0x60: {  	_ =	shalt  }
0x61: {  	_ =	shalt  }
0x62: {  	_ =	shalt  }
0x63: {  	_ =	shalt  }
0x64: {  	_ =	shalt  }
0x65: {  	_ =	shalt  }
0x66: {  	_ =	shalt  }
0x67: {  	_ =	shalt  }
0x68: {  	_ =	shalt  }
0x69: {  	_ =	shalt  }
0x6a: {  	_ =	shalt  }
0x6b: {  	_ =	shalt  }
0x6c: {  	_ =	shalt  }
0x6d: {  	_ =	shalt  }
0x6e: {  	_ =	shalt  }
0x6f: {  	_ =	shalt  }
0x70: {  	_ =	shalt  }
0x71: {  	_ =	shalt  }
0x72: {  	_ =	shalt  }
0x73: {  	_ =	shalt  }
0x74: {  	_ =	shalt  }
0x75: {  	_ =	shalt  }
0x76: {  	_ =	shalt  }
0x77: {  	_ =	shalt  }
0x78: {  	_ =	shalt  }
0x79: {  	_ =	shalt  }
0x7a: {  	_ =	shalt  }
0x7b: {  	_ =	shalt  }
0x7c: {  	_ =	shalt  }
0x7d: {  	_ =	shalt  }
0x7e: {  	_ =	shalt  }
0x7f: {  	_ =	shalt  }
0x80: {  	_ =	shalt  }
0x81: {  	_ =	shalt  }
0x82: {  	_ =	shalt  }
0x83: {  	_ =	shalt  }
0x84: {  	_ =	shalt  }
0x85: {  	_ =	shalt  }
0x86: {  	_ =	shalt  }
0x87: {  	_ =	shalt  }
.Lfunc_end0:
.L_simem_size_0:
called_computation.3_lowered:
.L_overlay_start_0:
0x88: {  	s2 =	sld [smem:$0x3FD9]  }
0x89: {  	s3 =	sld [smem:$0x3FFE];
	_ =	sdelay $0x1  }
0x8a: {  	s1 =	srdreg.scid  }
0x8b: {  	s0 =	sand.u32 $0x1, s1  }
0x8c: {  	s17 =	sshll.u32 s0, $0xA;
	s2 =	sadd.s32 s3, s2  }
0x8d: {  	s2 =	sadd.s32 s2, s17  }
0x8e: {  	[smem:$0x3FBB] =	sst s2  }
0x8f: {  	_ = 	snop  }
0x90: {  	s2 =	sld [smem:$0x3FD0];
	(tm) =	ssettm $0x1  }
0x91: {  	s18 =	sld [smem:$0x3FFB];
	_ =	sdelay $0x3  }
0x92: {  	_ =	strace s18  }
0x93: {  	s3 =	sld [smem:$0x3FFC];
	_ =	sdelay $0x3  }
0x94: {  	_ =	strace s3  }
0x95: {  	s3 =	sld [smem:$0x3FFD];
	_ =	sdelay $0x3  }
0x96: {  	_ =	strace s3  }
0x97: {  	_ =	strace $0x8FFFFFFF  }
0x98: {  	s19 =	sld [smem:$0x3FDB];
	_ =	sdelay $0x1  }
0x99: {  	s4 =	simm.s32 $_scs_section_size  }
0x9a: {  	s5 =	simm.s32 $_size__tile_overlayer_lowered;
	s6 =	simm.s32 $_tile_overlayer_lowered  }
0x9b: {  	s22 =	simm.s32 $0x1BFF;
	s21 =	sshll.u32 s6, $0x1;
	s3 =	sadd.s32 s4, s19  }
0x9c: {  	s7 =	simm.s32 $0x0;
	s20 =	sshll.u32 s5, $0x1;
	s5 =	sadd.s32 s21, s3  }
0x9d: {  	[timem:s7], [sflag:s22] =	dma.local [hbm:s5], s20  }
0x9e: {  	_ =	swait.ge [sflag:s22], s20  }
0x9f: {  	s4 =	ssub.s32 $0x0, s20;
	[sflag:s22] =	ssyncset.done $0x0  }
0xa0: {  	[sflag:s22] =	ssyncadd.s32 s4;
	_ =	sdelay $0x1  }
0xa1: {  	s23 =	simm.s32 $0x1B8B  }
0xa2: {  	_ =	swait.ge [sflag:s23], $0x1  }
0xa3: {  	[sflag:s23] =	ssyncset.done $0x0  }
0xa4: {  	s25 =	simm.s32 $0x1B8E;
	s24 =	sld [smem:$0x3FFE];
	[sflag:s23] =	ssyncadd.s32 $0xFFFFFFFF  }
0xa5: {  	s26 =	simm.s32 $execute0_lowered;
	[smem:$0x3FD2] =	sst s25  }
0xa6: {  	s5 =	sshll.u32 s26, $0x1;
	_ =	strace $0x8000004F;
	[dreg:$0x1] =	wrdreg $0xFFFFFFFF  }
0xa7: {  	s28 =	simm.s32 $_size_execute0_lowered;
	s3 =	sadd.s32 s3, s5;
	[dreg:$0x0] =	wrdreg $0x0  }
0xa8: {  	s5 =	sshll.u32 s28, $0x1;
	[dreg:$0x2] =	wrdreg s3  }
0xa9: {  	[dreg:$0x3] =	wrdreg s5  }
0xaa: {  	[dreg:$0x4] =	wrdreg $0xC0  }
0xab: {  	_ =	task [dreg:s7], $0x5FFFF  }
0xac: {  	[dreg:$0x1] =	wrdreg $0xFFFFFFFF  }
0xad: {  	[dreg:$0x0] =	wrdreg $0x60  }
0xae: {  	[dreg:$0x2] =	wrdreg s24  }
0xaf: {  	[dreg:$0x3] =	wrdreg s2  }
0xb0: {  	[dreg:$0x4] =	wrdreg $0x9  }
0xb1: {  	_ =	task.clear_ibuf [dreg:s7], $0x5FFFF;
	_ =	strace $0x9000004F  }
0xb2: {  	s29 =	simm.s32 $0x9;
	_ =	strace $0x80000051  }
0xb3: {  	_ =	swait.ge [sflag:s29], $0x1  }
0xb4: {  	[sflag:s29] =	ssyncadd.s32 $0xFFFFFFFF  }
0xb5: {  	_ =	strace $0x90000051  }
0xb6: {  	_ =	sfence  }
0xb7: {  	s30 =	sld [smem:$0x0];
	_ =	sdelay $0x2  }
0xb8: {  	s31 =	sshll.u32 s1, $0xD;
	s1 =	sshrl.u32 s1, $0x2  }
0xb9: {  	s3 =	sand.u32 $0x4000, s31;
	s1 =	sadd.s32 s1, s30  }
0xba: {  	s0 =	sor.u32 s3, s0;
	s1 =	sshll.u32 s1, $0x11  }
0xbb: {  	s0 =	sor.u32 s1, s0  }
0xbc: {  	s0 =	sadd.s32 $0x8F2B, s0  }
0xbd: {  	[sflag:s0] =	ssyncadd.remote.s32 $0x1  }
0xbe: {  	_ =	sfence.sel $0xFFFF  }
0xbf: {  	[dreg:$0x0] =	wrdreg $0xFFFFFFFF;
	(pc) =	sbr.abs _section_cstart, $3  }
0xc0: {  	[dreg:$0x1] =	wrdreg $0xFFFFFFFF  }
0xc1: {  	_ =	task.clear_ibuf [dreg:s7], $0x2FFFF;
	_ =	strace $0x9FFFFFFF  }
0xc2: {  	(tm) =	ssettm $0x7FFFFFFF  }
0xc3: {  	_ =	shalt  }
tec
execute0_lowered:
.L_overlay_start_1:
0x0: {  	(tag) =	ssettag $0x1  }
0x1: {  	s4 =	rddreg [dreg:$0x0]  }
0x2: {  	s6 =	rddreg [dreg:$0x1];
	s1 =	simm.s32 $0x0;
	s2 =	srdreg.scid  }
0x3: {  	s12 =	simm.s32 $0x1000;
	s13 =	simm.s32 $0x2000;
	s14 =	simm.s32 $0x6000  }
0x4: {  	s15 =	simm.s32 $0x80;
	s16 =	simm.s32 $0xA000;
	s17 =	simm.s32 $0xE000  }
0x5: {  	s18 =	simm.s32 $0x1;
	s21 =	simm.s32 $0x2;
	s22 =	simm.s32 $0x3  }
0x6: {  	s23 =	simm.s32 $0x4;
	s25 =	simm.s32 $0x1F80;
	s26 =	simm.s32 $0x0  }
0x7: {  	[smem:$0x7FF] =	sst s1;
	s24 =	sand.u32 $0x1, s2;
	s3 =	sadd.s32 $0x3400, s4  }
0x8: {  	s2 =	stileid.u32;
	_ =	strace $0x80000050;
	s5 =	ssub.s32 $0x2, s24  }
0x9: {  	s7 =	sshll.u32 s2, $0x9;
	s8 =	sshll.u32 s24, $0x14;
	s20 =	sshll.u32 s2, $0x10  }
0xa: {  	v0 =	vmov s24;
	s24 =	simm.s32 $0xF80;
	s9 =	sshrl.u32 s5, $0x1;
	s10 =	sadd.s32 s7, s4  }
0xb: {  	s8 =	sadd.s32 s8, s4;
	s6 =	sadd.s32 s6, s7;
	s4 =	sadd.s32 $0x120E00, s10  }
0xc: {  	s11 =	ssub.s32 s5, s9;
	s5 =	sadd.s32 $0x122E00, s8;
	s7 =	sadd.s32 $0x322E00, s8  }
0xd: {  	s8 =	sor.u32 $0xF000, s20;
	s9 =	sor.u32 $0xF800, s20;
	s10 =	smax.u32 s11, $0x1  }
0xe: {  	s11 =	simm.s32 $0x5;
	s19 =	sadd.s32 s5, s20;
	s20 =	sadd.s32 s7, s20  }
.LBB2_1:
0xf: {  	[tilespmem:s1], [sflag:$0x5] =	stream.linear.gather [hbm4b:s4+s1], $0x1000, $0x38;
	[tilespmem:$0x12000] =	vst v63  }
0x10: {  	_ =	swait.ge [sflag:s11], $0x1000  }
0x11: {  	[sflag:s11] =	ssyncset.done $0x0  }
0x12: {  	[sflag:s11] =	ssyncadd.s32 $0xFFFFF000  }
0x13: {  	[tilespmem:s12], [sflag:$0x5] =	stream.linear.gather [hbm4b:s6+s1], $0x1000, $0x38;
	[tilespmem:$0x12000] =	vst v63  }
0x14: {  	_ =	swait.ge [sflag:s11], $0x1000  }
0x15: {  	[sflag:s11] =	ssyncset.done $0x0  }
0x16: {  	s28 =	simm.s32 $0x0;
	[sflag:s11] =	ssyncadd.s32 $0xFFFFF000  }
0x17: {  	s29 =	simm.s32 $0x40;
	v1 =	vld [tilespmem:s28+$0x0]  }
.LBB2_2:
0x18: {  	p0 =	sne.s32 s29, $0x3FC0;
	v2 =	vld [tilespmem:s28+$0x1000];
	_ =	sdelay $0x2  }
.Ltmp0:
0x19: {  	(pc) =	sbr.rel @p0 .LBB2_2-.Ltmp0, $4  }
0x1a: {  	v1 =	vshll.u32 v1, $0x1  }
0x1b: {  	v1 =	vor.u32 v0, v1;
	v2 =	vshll.u32 v2, $0x1  }
0x1c: {  	s30 =	sshra.s32 s29, $0x2;
	[tilespmem:s28+$0x0] =	vst v1;
	v2 =	vor.u32 v0, v2  }
0x1d: {  	s29 =	sadd.s32 $0x40, s29;
	v1 =	vld [tilespmem:s30+$0x0];
	[tilespmem:s28+$0x1000] =	vst v2;
	s28 =	smov.u32 s30  }
0x1e: {  	v2 =	vld [tilespmem:s28+$0x1000];
	_ =	sdelay $0x3  }
0x1f: {  	v1 =	vshll.u32 v1, $0x1  }
0x20: {  	v1 =	vor.u32 v0, v1;
	v2 =	vshll.u32 v2, $0x1  }
0x21: {  	[tilespmem:s28+$0x0] =	vst v1;
	v1 =	vor.u32 v0, v2  }
0x22: {  	s29 =	simm.s32 $0x0;
	[tilespmem:s28+$0x1000] =	vst v1;
	s28 =	simm.s32 $0x80  }
0x23: {  	[tilespmem:s13], [sflag:$0x1] =	stream.indirect.gather [hbm4b:s3+s28], $0x80, s29, s28, $0xb8;
	[tilespmem:$0x12000] =	vst v63  }
0x24: {  	_ = 	snop  }
0x25: {  	[tilespmem:s14], [sflag:$0x1] =	stream.indirect.gather [hbm4b:s3+s28], $0x80, s12, s28, $0xb8;
	[tilespmem:$0x12000] =	vst v63  }
0x26: {  	_ = 	snop  }
0x27: {  	[tilespmem:s16], [sflag:$0x2] =	stream.indirect.gather [hbm4b:s3+s15], $0x80, s28, s15, $0xb8;
	[tilespmem:$0x12000] =	vst v63  }
0x28: {  	s29 =	simm.s32 $0x1080  }
0x29: {  	[tilespmem:s17], [sflag:$0x2] =	stream.indirect.gather [hbm4b:s3+s15], $0x80, s29, s15, $0xb8;
	[tilespmem:$0x12000] =	vst v63  }
0x2a: {  	_ =	swait.ge [sflag:s18], $0x4000  }
0x2b: {  	[sflag:s18] =	ssyncset.done $0x0  }
0x2c: {  	[sflag:s18] =	ssyncadd.s32 $0xFFFFC000  }
0x2d: {  	_ =	swait.ge [sflag:s18], $0x4000  }
0x2e: {  	[sflag:s18] =	ssyncset.done $0x0  }
0x2f: {  	s30 =	sadd.s32 $0x0, s19;
	[sflag:s18] =	ssyncadd.s32 $0xFFFFC000  }
0x30: {  	[hbm4b:s30+s1] =	stream.linear.scatter [tilespmem:s13], [sflag:$0x3], $0x4000, $0x38;
	[tilespmem:$0x12000] =	vst v63  }
0x31: {  	s31 =	sadd.s32 $0x0, s20  }
0x32: {  	[hbm4b:s31+s1] =	stream.linear.scatter [tilespmem:s14], [sflag:$0x3], $0x4000, $0x38;
	[tilespmem:$0x12000] =	vst v63  }
0x33: {  	_ =	swait.ge [sflag:s21], $0x4000  }
0x34: {  	[sflag:s21] =	ssyncset.done $0x0  }
0x35: {  	[sflag:s21] =	ssyncadd.s32 $0xFFFFC000  }
0x36: {  	_ =	swait.ge [sflag:s21], $0x4000  }
0x37: {  	[sflag:s21] =	ssyncset.done $0x0  }
0x38: {  	s30 =	sadd.s32 $0x800, s30;
	[sflag:s21] =	ssyncadd.s32 $0xFFFFC000  }
0x39: {  	[hbm4b:s30+s1] =	stream.linear.scatter [tilespmem:s16], [sflag:$0x4], $0x4000, $0x38;
	[tilespmem:$0x12000] =	vst v63  }
0x3a: {  	s30 =	sadd.s32 $0x800, s31  }
0x3b: {  	[hbm4b:s30+s1] =	stream.linear.scatter [tilespmem:s17], [sflag:$0x4], $0x4000, $0x38;
	[tilespmem:$0x12000] =	vst v63  }
0x3c: {  	_ =	swait.ge [sflag:s22], $0x4000  }
0x3d: {  	[sflag:s22] =	ssyncset.done $0x0  }
0x3e: {  	[sflag:s22] =	ssyncadd.s32 $0xFFFFC000  }
0x3f: {  	_ =	swait.ge [sflag:s22], $0x4000  }
0x40: {  	[sflag:s22] =	ssyncset.done $0x0  }
0x41: {  	s30 =	simm.s32 $0x100;
	[sflag:s22] =	ssyncadd.s32 $0xFFFFC000  }
0x42: {  	[tilespmem:s13], [sflag:$0x1] =	stream.indirect.gather [hbm4b:s3+s15], $0x80, s30, s15, $0xb8;
	[tilespmem:$0x12000] =	vst v63  }
0x43: {  	s30 =	simm.s32 $0x1100  }
0x44: {  	[tilespmem:s14], [sflag:$0x1] =	stream.indirect.gather [hbm4b:s3+s15], $0x80, s30, s15, $0xb8;
	[tilespmem:$0x12000] =	vst v63  }
0x45: {  	_ =	swait.ge [sflag:s23], $0x4000  }
0x46: {  	[sflag:s23] =	ssyncset.done $0x0  }
0x47: {  	[sflag:s23] =	ssyncadd.s32 $0xFFFFC000  }
0x48: {  	_ =	swait.ge [sflag:s23], $0x4000  }
0x49: {  	s30 =	simm.s32 $0x1000;
	[sflag:s23] =	ssyncset.done $0x0  }
.LBB2_4:
0x4a: {  	[sflag:s23] =	ssyncadd.s32 $0xFFFFC000;
	s28 =	sadd.s32 $0x100, s28;
	s29 =	sadd.s32 $0x100, s29  }
0x4b: {  	[tilespmem:s16], [sflag:$0x2] =	stream.indirect.gather [hbm4b:s3+s15], $0x80, s28, s15, $0xb8;
	[tilespmem:$0x12000] =	vst v63  }
0x4c: {  	p0 =	sne.s32 s30, $0xE000;
	s31 =	smov.u32 s30;
	s30 =	sadd.s32 $0x1000, s30  }
0x4d: {  	[tilespmem:s17], [sflag:$0x2] =	stream.indirect.gather [hbm4b:s3+s15], $0x80, s29, s15, $0xb8;
	[tilespmem:$0x12000] =	vst v63  }
0x4e: {  	_ =	swait.ge [sflag:s18], $0x4000  }
0x4f: {  	[sflag:s18] =	ssyncset.done $0x0  }
0x50: {  	[sflag:s18] =	ssyncadd.s32 $0xFFFFC000  }
0x51: {  	_ =	swait.ge [sflag:s18], $0x4000  }
0x52: {  	[sflag:s18] =	ssyncset.done $0x0  }
0x53: {  	s0 =	sadd.s32 s31, s19;
	[sflag:s18] =	ssyncadd.s32 $0xFFFFC000  }
0x54: {  	[hbm4b:s0+s1] =	stream.linear.scatter [tilespmem:s13], [sflag:$0x3], $0x4000, $0x38;
	[tilespmem:$0x12000] =	vst v63  }
0x55: {  	s31 =	sadd.s32 s31, s20  }
0x56: {  	[hbm4b:s31+s1] =	stream.linear.scatter [tilespmem:s14], [sflag:$0x3], $0x4000, $0x38;
	[tilespmem:$0x12000] =	vst v63  }
0x57: {  	_ =	swait.ge [sflag:s21], $0x4000  }
0x58: {  	[sflag:s21] =	ssyncset.done $0x0  }
0x59: {  	[sflag:s21] =	ssyncadd.s32 $0xFFFFC000  }
0x5a: {  	_ =	swait.ge [sflag:s21], $0x4000  }
0x5b: {  	[sflag:s21] =	ssyncset.done $0x0  }
0x5c: {  	s0 =	sadd.s32 $0x800, s0;
	[sflag:s21] =	ssyncadd.s32 $0xFFFFC000  }
0x5d: {  	[hbm4b:s0+s1] =	stream.linear.scatter [tilespmem:s16], [sflag:$0x4], $0x4000, $0x38;
	[tilespmem:$0x12000] =	vst v63  }
0x5e: {  	s0 =	sadd.s32 $0x800, s31  }
0x5f: {  	[hbm4b:s0+s1] =	stream.linear.scatter [tilespmem:s17], [sflag:$0x4], $0x4000, $0x38;
	[tilespmem:$0x12000] =	vst v63  }
0x60: {  	_ =	swait.ge [sflag:s22], $0x4000  }
0x61: {  	[sflag:s22] =	ssyncset.done $0x0  }
0x62: {  	[sflag:s22] =	ssyncadd.s32 $0xFFFFC000  }
0x63: {  	_ =	swait.ge [sflag:s22], $0x4000  }
0x64: {  	[sflag:s22] =	ssyncset.done $0x0  }
0x65: {  	s0 =	sadd.s32 $0x80, s28;
	[sflag:s22] =	ssyncadd.s32 $0xFFFFC000  }
0x66: {  	[tilespmem:s13], [sflag:$0x1] =	stream.indirect.gather [hbm4b:s3+s15], $0x80, s0, s15, $0xb8;
	[tilespmem:$0x12000] =	vst v63  }
0x67: {  	s0 =	sadd.s32 $0x80, s29  }
0x68: {  	[tilespmem:s14], [sflag:$0x1] =	stream.indirect.gather [hbm4b:s3+s15], $0x80, s0, s15, $0xb8;
	[tilespmem:$0x12000] =	vst v63  }
.Ltmp1:
0x69: {  	_ =	swait.ge [sflag:s23], $0x4000;
	(pc) =	sbr.rel @p0 .LBB2_4-.Ltmp1, $4  }
0x6a: {  	[sflag:s23] =	ssyncset.done $0x0  }
0x6b: {  	[sflag:s23] =	ssyncadd.s32 $0xFFFFC000  }
0x6c: {  	_ =	swait.ge [sflag:s23], $0x4000  }
0x6d: {  	[sflag:s23] =	ssyncset.done $0x0  }
0x6e: {  	[sflag:s23] =	ssyncadd.s32 $0xFFFFC000  }
0x6f: {  	[tilespmem:s16], [sflag:$0x2] =	stream.indirect.gather [hbm4b:s3+s15], $0x80, s24, s15, $0xb8;
	[tilespmem:$0x12000] =	vst v63  }
0x70: {  	_ = 	snop  }
0x71: {  	[tilespmem:s17], [sflag:$0x2] =	stream.indirect.gather [hbm4b:s3+s15], $0x80, s25, s15, $0xb8;
	[tilespmem:$0x12000] =	vst v63  }
0x72: {  	_ =	swait.ge [sflag:s18], $0x4000  }
0x73: {  	[sflag:s18] =	ssyncset.done $0x0  }
0x74: {  	[sflag:s18] =	ssyncadd.s32 $0xFFFFC000  }
0x75: {  	_ =	swait.ge [sflag:s18], $0x4000  }
0x76: {  	[sflag:s18] =	ssyncset.done $0x0  }
0x77: {  	s0 =	sadd.s32 s8, s5;
	[sflag:s18] =	ssyncadd.s32 $0xFFFFC000  }
0x78: {  	[hbm4b:s0+s1] =	stream.linear.scatter [tilespmem:s13], [sflag:$0x3], $0x4000, $0x38;
	[tilespmem:$0x12000] =	vst v63  }
0x79: {  	s29 =	sadd.s32 s8, s7  }
0x7a: {  	[hbm4b:s29+s1] =	stream.linear.scatter [tilespmem:s14], [sflag:$0x3], $0x4000, $0x38;
	[tilespmem:$0x12000] =	vst v63  }
0x7b: {  	_ =	swait.ge [sflag:s21], $0x4000  }
0x7c: {  	[sflag:s21] =	ssyncset.done $0x0  }
0x7d: {  	[sflag:s21] =	ssyncadd.s32 $0xFFFFC000  }
0x7e: {  	_ =	swait.ge [sflag:s21], $0x4000  }
0x7f: {  	[sflag:s21] =	ssyncset.done $0x0  }
0x80: {  	s30 =	sadd.s32 s9, s5;
	[sflag:s21] =	ssyncadd.s32 $0xFFFFC000  }
0x81: {  	[hbm4b:s30+s1] =	stream.linear.scatter [tilespmem:s16], [sflag:$0x4], $0x4000, $0x38;
	[tilespmem:$0x12000] =	vst v63  }
0x82: {  	s31 =	sadd.s32 s9, s7  }
0x83: {  	[hbm4b:s31+s1] =	stream.linear.scatter [tilespmem:s17], [sflag:$0x4], $0x4000, $0x38;
	[tilespmem:$0x12000] =	vst v63  }
0x84: {  	_ =	swait.ge [sflag:s22], $0x4000  }
0x85: {  	[sflag:s22] =	ssyncset.done $0x0  }
0x86: {  	[sflag:s22] =	ssyncadd.s32 $0xFFFFC000  }
0x87: {  	_ =	swait.ge [sflag:s22], $0x4000  }
0x88: {  	[sflag:s22] =	ssyncset.done $0x0  }
0x89: {  	s26 =	sadd.s32 $0x1, s26;
	[sflag:s22] =	ssyncadd.s32 $0xFFFFC000  }
0x8a: {  	p0 =	sne.s32 s26, s10;
	_ =	swait.ge [sflag:s23], $0x4000  }
.Ltmp2:
0x8b: {  	[sflag:s23] =	ssyncset.done $0x0;
	(pc) =	sbr.rel @p0 .LBB2_1-.Ltmp2, $4  }
0x8c: {  	[sflag:s23] =	ssyncadd.s32 $0xFFFFC000  }
0x8d: {  	_ =	swait.ge [sflag:s23], $0x4000  }
0x8e: {  	[sflag:s23] =	ssyncset.done $0x0  }
0x8f: {  	[sflag:s23] =	ssyncadd.s32 $0xFFFFC000  }
0x90: {  	_ =	sfence.sel $0x180000  }
0x91: {  	[bflag:$0x0] =	sbarrier.arrive $0xFFFF  }
0x92: {  	_ =	strace $0x90000050  }
0x93: {  	[bflag:$0x2] =	sbarrier.arrive $0xFFFF  }
0x94: {  	p0 =	sne.s32 s2, $0x0;
	s0 =	rddreg [dreg:$0x2]  }
0x95: {  	s0 =	sadd.s32 @!p0 $0x100000, s0  }
0x96: {  	[sflag:s0] =	ssyncadd.tile.s32 @!p0 $0x1;
	_ =	shalt  }
.Lfunc_end2:
_tile_overlayer_lowered:
.L_overlay_start_2:
0x97: {  	(tag) =	ssettag $0x2  }
0x98: {  	s0 =	rddreg [dreg:$0x0];
	s2 =	stileid.u32  }
0x99: {  	s1 =	rddreg [dreg:$0x1];
	p0 =	sne.s32 s2, $0x0  }
0x9a: {  	s3 =	rddreg [dreg:$0x2];
	[bflag:$0x3] =	sbarrier.arrive $0xFFFF;
	s2 =	simm.s32 @!p0 $0x1C05  }
0x9b: {  	[timem:s3], [sflag:s2] =	dma.local @!p0 [hbm:s0], s1  }
0x9c: {  	s0 =	simm.s32 @!p0 $0x5  }
0x9d: {  	_ =	swait.ge @!p0 [sflag:s0], s1  }
0x9e: {  	s1 =	ssub.s32 @!p0 $0x0, s1;
	[sflag:s0] =	ssyncset.done @!p0 $0x0  }
0x9f: {  	[sflag:s0] =	ssyncadd.s32 @!p0 s1  }
0xa0: {  	[bflag:$0x3] =	sbarrier.arrive $0xFFFF  }
0xa1: {  	_ =	shalt  }

// kernel: kernel.9.cloned.1.call-start
scs
__scs_entry_jumppad:
0x0: {  	(pc) =	sbr.rel $0x88, $3  }
0x1: {  	(tag) =	ssettag $0x0;
	lr =	simm.s32 $0x1  }
0x2: {  	[smem:$0x3F94] =	sst lr;
	_ =	strace $0xD0000000  }
0x3: {  	_ = 	snop  }
0x4: {  	_ = 	snop  }
0x5: {  	_ = 	snop  }
0x6: {  	_ = 	snop  }
0x7: {  	_ = 	snop  }
__scs_overlays_trampoline_lowered:
0x8: {  	[smem:$0x3FA3] =	sst s0  }
0x9: {  	[smem:$0x3FA4] =	sst s1  }
0xa: {  	[smem:$0x3FA5] =	sst s2  }
0xb: {  	[smem:$0x3FA6] =	sst s3  }
0xc: {  	[smem:$0x3FA7] =	sst s4  }
0xd: {  	[smem:$0x3FA8] =	sst s5  }
0xe: {  	[smem:$0x3FA9] =	sst s6  }
0xf: {  	[smem:$0x3FAA] =	sst s7  }
0x10: {  	[smem:$0x3FAB] =	sst s8  }
0x11: {  	[smem:$0x3FAC] =	sst s9;
	s0 =	simm.s32 @!p0 $0x0  }
0x12: {  	s1 =	sld [smem:$0x3F92];
	s0 =	simm.s32 @p0 $0x1  }
0x13: {  	[smem:$0x3FAD] =	sst s0;
	s0 =	simm.s32 @!p1 $0x0  }
0x14: {  	s2 =	sld [smem:$0x3F91];
	s0 =	simm.s32 @p1 $0x1  }
0x15: {  	[smem:$0x3FAE] =	sst s0;
	s0 =	simm.s32 @!p2 $0x0  }
0x16: {  	s3 =	sld [smem:$0x3FDB];
	s0 =	simm.s32 @p2 $0x1  }
0x17: {  	s4 =	simm.s32 $0x1BF5;
	[smem:$0x3FB0] =	sst s0  }
0x18: {  	s0 =	sld [smem:$0x3F93];
	_ =	swait.ge [sflag:s4], $0x0  }
0x19: {  	s7 =	sld [smem:$0x3F94]  }
0x1a: {  	s8 =	sadd.s32 $0xFFFFE003, lr  }
0x1b: {  	s9 =	sadd.s32 $0xFFFFFEF7, lr;
	s5 =	simm.s32 $0xFFFFFFFF;
	p2 =	slt.u32 s8, $0xFFFFF086  }
0x1c: {  	p1 =	slt.u32 s9, $0xF7A;
	s5 =	simm.s32 @!p2 $0x0  }
0x1d: {  	s5 =	simm.s32 @p1 $0x1;
	p0 =	seq.s32 s7, s2  }
0x1e: {  	s7 =	smul.u32 @!p0 $0xF7A, s2;
	p2 =	seq.s32 @!p0 s5, $0x0  }
0x1f: {  	s9 =	smul.u32 $0xF7A, s1;
	s8 =	simm.s32 @!p0 $0x1BF5;
	p2 =	por !p2, p0  }
0x20: {  	[sflag:s8] =	ssyncset.s32 @!p0 $0xFFFFF086;
	s6 =	sadd.s32 @!p0 s3, s7;
	s7 =	simm.s32 @!p0 $0x108  }
0x21: {  	s3 =	sadd.s32 s3, s9;
	s6 =	sadd.s32 @!p0 $0x88, s6;
	s7 =	simm.s32 @p2 $0x1082  }
0x22: {  	[simem:s7], [sflag:s8] =	dma.local @!p0 [hbm:s6], $0xF7A  }
0x23: {  	s9 =	sor.u32 $0xD0000000, s2;
	s6 =	simm.s32 $0x108;
	_ =	swait.ge @!p0 [sflag:s8], $0x0  }
0x24: {  	s3 =	sadd.s32 $0x88, s3;
	s6 =	simm.s32 @!p1 $0x1082;
	[sflag:s4] =	ssyncset.s32 $0xFFFFF086  }
0x25: {  	[simem:s6], [sflag:s4] =	dma.local [hbm:s3], $0xF7A  }
0x26: {  	[smem:$0x3F94] =	sst s1;
	(tag) =	ssettag s2;
	_ =	strace s9  }
0x27: {  	s1 =	sld [smem:$0x3FA4]  }
0x28: {  	s2 =	sld [smem:$0x3FA5]  }
0x29: {  	s4 =	sld [smem:$0x3FA7]  }
0x2a: {  	p0 =	seq.s32 s5, $0x0;
	s5 =	sld [smem:$0x3FA8]  }
0x2b: {  	s6 =	sld [smem:$0x3FA9]  }
0x2c: {  	s7 =	sld [smem:$0x3FAA]  }
0x2d: {  	s3 =	simm.s32 $0x108;
	s8 =	sld [smem:$0x3FAB]  }
0x2e: {  	s3 =	simm.s32 @!p0 $0x1082;
	s9 =	sld [smem:$0x3FAC]  }
0x2f: {  	lr =	sadd.s32 s0, s3;
	s0 =	sld [smem:$0x3FA3]  }
0x30: {  	s3 =	sld [smem:$0x3FA6]  }
0x31: {  	[smem:$0x3FAF] =	sst s10  }
0x32: {  	s10 =	sld [smem:$0x3FAD];
	_ =	sdelay $0x3  }
0x33: {  	p0 =	seq.s32 s10, $0x1;
	s10 =	sld [smem:$0x3FAF];
	_ =	sdelay $0x3  }
0x34: {  	[smem:$0x3FAF] =	sst s10  }
0x35: {  	s10 =	sld [smem:$0x3FAE];
	_ =	sdelay $0x3  }
0x36: {  	p1 =	seq.s32 s10, $0x1;
	s10 =	sld [smem:$0x3FAF];
	_ =	sdelay $0x3  }
0x37: {  	[smem:$0x3FAF] =	sst s10  }
0x38: {  	s10 =	sld [smem:$0x3FB0]  }
0x39: {  	_ = 	snop;
	(pc) =	sbr.ind lr, $3  }
0x3a: {  	_ = 	snop  }
0x3b: {  	_ = 	snop  }
0x3c: {  	p2 =	seq.s32 s10, $0x1;
	s10 =	sld [smem:$0x3FAF]  }
0x3d: {  	_ =	shalt  }
0x3e: {  	_ =	shalt  }
0x3f: {  	_ =	shalt  }
0x40: {  	_ =	shalt  }
0x41: {  	_ =	shalt  }
0x42: {  	_ =	shalt  }
0x43: {  	_ =	shalt  }
0x44: {  	_ =	shalt  }
0x45: {  	_ =	shalt  }
0x46: {  	_ =	shalt  }
0x47: {  	_ =	shalt  }
0x48: {  	_ =	shalt  }
0x49: {  	_ =	shalt  }
0x4a: {  	_ =	shalt  }
0x4b: {  	_ =	shalt  }
0x4c: {  	_ =	shalt  }
0x4d: {  	_ =	shalt  }
0x4e: {  	_ =	shalt  }
0x4f: {  	_ =	shalt  }
0x50: {  	_ =	shalt  }
0x51: {  	_ =	shalt  }
0x52: {  	_ =	shalt  }
0x53: {  	_ =	shalt  }
0x54: {  	_ =	shalt  }
0x55: {  	_ =	shalt  }
0x56: {  	_ =	shalt  }
0x57: {  	_ =	shalt  }
0x58: {  	_ =	shalt  }
0x59: {  	_ =	shalt  }
0x5a: {  	_ =	shalt  }
0x5b: {  	_ =	shalt  }
0x5c: {  	_ =	shalt  }
0x5d: {  	_ =	shalt  }
0x5e: {  	_ =	shalt  }
0x5f: {  	_ =	shalt  }
0x60: {  	_ =	shalt  }
0x61: {  	_ =	shalt  }
0x62: {  	_ =	shalt  }
0x63: {  	_ =	shalt  }
0x64: {  	_ =	shalt  }
0x65: {  	_ =	shalt  }
0x66: {  	_ =	shalt  }
0x67: {  	_ =	shalt  }
0x68: {  	_ =	shalt  }
0x69: {  	_ =	shalt  }
0x6a: {  	_ =	shalt  }
0x6b: {  	_ =	shalt  }
0x6c: {  	_ =	shalt  }
0x6d: {  	_ =	shalt  }
0x6e: {  	_ =	shalt  }
0x6f: {  	_ =	shalt  }
0x70: {  	_ =	shalt  }
0x71: {  	_ =	shalt  }
0x72: {  	_ =	shalt  }
0x73: {  	_ =	shalt  }
0x74: {  	_ =	shalt  }
0x75: {  	_ =	shalt  }
0x76: {  	_ =	shalt  }
0x77: {  	_ =	shalt  }
0x78: {  	_ =	shalt  }
0x79: {  	_ =	shalt  }
0x7a: {  	_ =	shalt  }
0x7b: {  	_ =	shalt  }
0x7c: {  	_ =	shalt  }
0x7d: {  	_ =	shalt  }
0x7e: {  	_ =	shalt  }
0x7f: {  	_ =	shalt  }
0x80: {  	_ =	shalt  }
0x81: {  	_ =	shalt  }
0x82: {  	_ =	shalt  }
0x83: {  	_ =	shalt  }
0x84: {  	_ =	shalt  }
0x85: {  	_ =	shalt  }
0x86: {  	_ =	shalt  }
0x87: {  	_ =	shalt  }
.Lfunc_end0:
.L_simem_size_0:
called_computation_lowered:
.L_overlay_start_0:
0x88: {  	s2 =	sld [smem:$0x3FD9]  }
0x89: {  	s3 =	sld [smem:$0x3FFE];
	_ =	sdelay $0x1  }
0x8a: {  	s1 =	srdreg.scid  }
0x8b: {  	s0 =	sand.u32 $0x1, s1  }
0x8c: {  	s17 =	sshll.u32 s0, $0xA;
	s2 =	sadd.s32 s3, s2  }
0x8d: {  	s2 =	sadd.s32 s2, s17  }
0x8e: {  	[smem:$0x3FBB] =	sst s2  }
0x8f: {  	_ = 	snop  }
0x90: {  	s18 =	sld [smem:$0x3FD0];
	(tm) =	ssettm $0x1  }
0x91: {  	s19 =	sld [smem:$0x3FFB];
	_ =	sdelay $0x3  }
0x92: {  	_ =	strace s19  }
0x93: {  	s2 =	sld [smem:$0x3FFC];
	_ =	sdelay $0x3  }
0x94: {  	_ =	strace s2  }
0x95: {  	s2 =	sld [smem:$0x3FFD];
	_ =	sdelay $0x3  }
0x96: {  	_ =	strace s2  }
0x97: {  	_ =	strace $0x8FFFFFFF  }
0x98: {  	s20 =	sld [smem:$0x3FDB];
	_ =	sdelay $0x1  }
0x99: {  	s4 =	simm.s32 $_scs_section_size  }
0x9a: {  	s5 =	simm.s32 $_size__tile_overlayer_lowered;
	s6 =	simm.s32 $_tile_overlayer_lowered  }
0x9b: {  	s7 =	simm.s32 $0x1BFF;
	s21 =	sshll.u32 s6, $0x1;
	s4 =	sadd.s32 s4, s20  }
0x9c: {  	s22 =	simm.s32 $0x0;
	s5 =	sshll.u32 s5, $0x1;
	s6 =	sadd.s32 s21, s4  }
0x9d: {  	[timem:s22], [sflag:s7] =	dma.local [hbm:s6], s5  }
0x9e: {  	_ =	swait.ge [sflag:s7], s5  }
0x9f: {  	s5 =	ssub.s32 $0x0, s5;
	[sflag:s7] =	ssyncset.done $0x0  }
0xa0: {  	[sflag:s7] =	ssyncadd.s32 s5;
	_ =	sdelay $0x1  }
0xa1: {  	s23 =	simm.s32 $0x1B8B  }
0xa2: {  	_ =	swait.ge [sflag:s23], $0x1  }
0xa3: {  	[sflag:s23] =	ssyncset.done $0x0  }
0xa4: {  	[sflag:s23] =	ssyncadd.s32 $0xFFFFFFFF  }
0xa5: {  	s5 =	sld [smem:$0x0]  }
0xa6: {  	s6 =	sand.u32 $0xFFFFFFFE, s1  }
0xa7: {  	p0 =	sne.s32 s1, s6  }
0xa8: {  	s6 =	sshll.u32 @p0 s6, $0xE  }
0xa9: {  	s6 =	sadd.s32 @p0 $0x11B8D, s6;
	s7 =	sshll.u32 @p0 s5, $0x11  }
0xaa: {  	s6 =	sor.u32 @p0 s7, s6  }
0xab: {  	[sflag:s6] =	ssyncadd.remote.s32 @p0 $0x1;
	_ =	sdelay $0x1  }
0xac: {  	s6 =	simm.s32 @p0 $0x1B8D  }
0xad: {  	_ =	swait.eq @p0 [sflag:s6], $0x1  }
0xae: {  	[sflag:s6] =	ssyncadd.s32 @p0 $0xFFFFFFFF  }
0xaf: {  	s7 =	sshll.u32 @!p0 s1, $0xE  }
0xb0: {  	s7 =	sor.u32 @!p0 $0x4000, s7;
	s6 =	simm.s32 @!p0 $0x1B8D  }
0xb1: {  	s5 =	sshll.u32 @!p0 s5, $0x11;
	s7 =	sadd.s32 @!p0 $0x11B8D, s7;
	_ =	swait.eq @!p0 [sflag:s6], $0x1  }
0xb2: {  	s5 =	sor.u32 @!p0 s5, s7;
	[sflag:s6] =	ssyncadd.s32 @!p0 $0xFFFFFFFF  }
0xb3: {  	s25 =	simm.s32 $0x1B8E;
	s24 =	sld [smem:$0x3FFE];
	[sflag:s5] =	ssyncadd.remote.s32 @!p0 $0x1  }
0xb4: {  	s26 =	simm.s32 $execute0_lowered;
	[smem:$0x3FD2] =	sst s25  }
0xb5: {  	s6 =	sshll.u32 s26, $0x1;
	_ =	strace $0x80000049;
	[dreg:$0x1] =	wrdreg $0xFFFFFFFF  }
0xb6: {  	s28 =	simm.s32 $_size_execute0_lowered;
	s4 =	sadd.s32 s4, s6;
	[dreg:$0x0] =	wrdreg $0x0  }
0xb7: {  	s6 =	sshll.u32 s28, $0x1;
	[dreg:$0x2] =	wrdreg s4  }
0xb8: {  	[dreg:$0x3] =	wrdreg s6  }
0xb9: {  	[dreg:$0x4] =	wrdreg $0xC0  }
0xba: {  	_ =	task [dreg:s22], $0x5FFFF  }
0xbb: {  	[dreg:$0x1] =	wrdreg $0xFFFFFFFF  }
0xbc: {  	[dreg:$0x0] =	wrdreg $0x60  }
0xbd: {  	[dreg:$0x2] =	wrdreg s24  }
0xbe: {  	[dreg:$0x3] =	wrdreg s18  }
0xbf: {  	[dreg:$0x4] =	wrdreg $0x2F800  }
0xc0: {  	[dreg:$0x5] =	wrdreg $0x9  }
0xc1: {  	_ =	task.clear_ibuf [dreg:s22], $0x6FFFF;
	_ =	strace $0x90000049  }
0xc2: {  	s29 =	simm.s32 $0x9;
	_ =	strace $0x8000004B  }
0xc3: {  	_ =	swait.ge [sflag:s29], $0x1  }
0xc4: {  	[sflag:s29] =	ssyncadd.s32 $0xFFFFFFFF  }
0xc5: {  	_ =	strace $0x9000004B  }
0xc6: {  	_ =	sfence  }
0xc7: {  	s30 =	sld [smem:$0x0];
	_ =	sdelay $0x2  }
0xc8: {  	s31 =	sshll.u32 s1, $0xD;
	s1 =	sshrl.u32 s1, $0x2  }
0xc9: {  	s4 =	sand.u32 $0x4000, s31;
	s1 =	sadd.s32 s1, s30  }
0xca: {  	s0 =	sor.u32 s4, s0;
	s1 =	sshll.u32 s1, $0x11  }
0xcb: {  	s0 =	sor.u32 s1, s0  }
0xcc: {  	s0 =	sadd.s32 $0x8F2B, s0  }
0xcd: {  	[sflag:s0] =	ssyncadd.remote.s32 $0x1  }
0xce: {  	_ =	sfence.sel $0xFFFF  }
0xcf: {  	[dreg:$0x0] =	wrdreg $0xFFFFFFFF;
	(pc) =	sbr.abs _section_cstart, $3  }
0xd0: {  	[dreg:$0x1] =	wrdreg $0xFFFFFFFF  }
0xd1: {  	_ =	task.clear_ibuf [dreg:s22], $0x2FFFF;
	_ =	strace $0x9FFFFFFF  }
0xd2: {  	(tm) =	ssettm $0x7FFFFFFF  }
0xd3: {  	_ =	shalt  }
tec
execute0_lowered:
.L_overlay_start_1:
0x0: {  	(tag) =	ssettag $0x1  }
0x1: {  	s6 =	rddreg [dreg:$0x0]  }
0x2: {  	s2 =	rddreg [dreg:$0x1]  }
0x3: {  	s3 =	rddreg [dreg:$0x2]  }
0x4: {  	s0 =	rddreg [dreg:$0x3];
	s1 =	stileid.u32  }
0x5: {  	s4 =	simm.s32 $0x0;
	s5 =	srdreg.scid;
	s7 =	smul.u32 $0x4E2, s1  }
0x6: {  	[smem:$0x7FF] =	sst s4;
	s15 =	smul.u32 $0x2780, s1  }
0x7: {  	s5 =	sand.u32 $0x1, s5;
	s10 =	smul.u32 $0x4F000, s1;
	s31 =	sshll.u32 s1, $0x6  }
0x8: {  	_ =	strace $0x8000004A;
	s8 =	smul.u32 $0x27800, s5;
	s26 =	ssub.s32 $0x2, s5  }
0x9: {  	s30 =	smul.u32 $0x4EC0, s5;
	s9 =	sadd.s32 s7, s6;
	s11 =	sadd.s32 s15, s6  }
0xa: {  	s28 =	sshrl.u32 s26, $0x1;
	s29 =	sshrl.u32 s10, $0x2;
	s7 =	sor.u32 $0x1C02, s31  }
0xb: {  	s12 =	sadd.s32 s8, s6;
	s13 =	ssub.s32 s26, s28;
	s14 =	sadd.s32 s29, s3  }
0xc: {  	s6 =	sadd.s32 $0x5B600, s11;
	s8 =	sadd.s32 $0x3400, s9;
	s10 =	sshrl.u32 s30, $0x2  }
0xd: {  	s16 =	sadd.s32 $0xD1E00, s12;
	s9 =	smax.u32 s13, $0x1;
	s10 =	sadd.s32 $0x20, s10  }
0xe: {  	s11 =	sshrl.u32 s14, $0x3;
	s12 =	simm.s32 $0x2;
	s13 =	simm.s32 $0x2780  }
0xf: {  	vm0 =	vmmov $0xffff;
	s14 =	simm.s32 $0x1;
	s15 =	sadd.s32 s15, s16;
	s16 =	simm.s32 $0x0  }
.LBB2_1:
0x10: {  	[spmem:s11], [sflag:s7] =	dma.local [hbm:s6], $0x2780  }
0x11: {  	_ =	swait.ge [sflag:s12], $0x2780  }
0x12: {  	[sflag:s12] =	ssyncset.done $0x0  }
0x13: {  	[sflag:s12] =	ssyncadd.s32 $0xFFFFD880  }
0x14: {  	[tilespmem:s13], [sflag:$0x2] =	stream.linear.gather [hbm4b:s2+s4], $0x800, $0x38;
	[tilespmem:$0x16B80] =	vst v63  }
0x15: {  	_ =	swait.ge [sflag:s12], $0x800  }
0x16: {  	[sflag:s12] =	ssyncset.done $0x0  }
0x17: {  	[sflag:s12] =	ssyncadd.s32 $0xFFFFF800  }
0x18: {  	[tilespmem:s4], [sflag:$0x2] =	stream.linear.gather [hbm4b:s8+s4], $0x2710, $0x38;
	[tilespmem:$0x16B80] =	vst v63  }
0x19: {  	_ =	swait.ge [sflag:s12], $0x2710  }
0x1a: {  	[sflag:s12] =	ssyncset.done $0x0  }
0x1b: {  	[sflag:s12] =	ssyncadd.s32 $0xFFFFD8F0  }
0x1c: {  	s17 =	smov.u32 s10;
	s18 =	simm.s32 $0x1;
	[bflag:$0x0] =	sbarrier.arrive $0xFFFF  }
.LBB2_2:
0x1d: {  	v0 =	vld [tilespmem:s17+$0xFFFFFFE0];
	_ =	sdelay $0x7  }
0x1e: {  	[spmem:s3] =	stream.indirect_vreg.scatter.add.f32 [tilespmem:s13], [sflag:$0x1], $0x80, v0, vm0, $0xb8;
	[tilespmem:$0x16B80] =	vst v63  }
0x1f: {  	v0 =	vld [tilespmem:s17+$0xFFFFFFF0];
	_ =	sdelay $0x7  }
0x20: {  	[spmem:s3] =	stream.indirect_vreg.scatter.add.f32 [tilespmem:s13], [sflag:$0x1], $0x80, v0, vm0, $0xb8;
	[tilespmem:$0x16B80] =	vst v63  }
0x21: {  	v0 =	vld [tilespmem:s17+$0x0];
	_ =	sdelay $0x7  }
0x22: {  	[spmem:s3] =	stream.indirect_vreg.scatter.add.f32 [tilespmem:s13], [sflag:$0x1], $0x80, v0, vm0, $0xb8;
	[tilespmem:$0x16B80] =	vst v63  }
0x23: {  	v0 =	vld [tilespmem:s17+$0x10];
	_ =	sdelay $0x7  }
0x24: {  	[spmem:s3] =	stream.indirect_vreg.scatter.add.f32 [tilespmem:s13], [sflag:$0x1], $0x80, v0, vm0, $0xb8;
	[tilespmem:$0x16B80] =	vst v63  }
0x25: {  	v0 =	vld [tilespmem:s17+$0x20];
	_ =	sdelay $0x7  }
0x26: {  	[spmem:s3] =	stream.indirect_vreg.scatter.add.f32 [tilespmem:s13], [sflag:$0x1], $0x80, v0, vm0, $0xb8;
	[tilespmem:$0x16B80] =	vst v63  }
0x27: {  	_ =	swait.ge [sflag:s14], $0x800  }
0x28: {  	[sflag:s14] =	ssyncset.done $0x0  }
0x29: {  	[sflag:s14] =	ssyncadd.s32 $0xFFFFF800  }
0x2a: {  	_ =	swait.ge [sflag:s14], $0x800  }
0x2b: {  	[sflag:s14] =	ssyncset.done $0x0  }
0x2c: {  	[sflag:s14] =	ssyncadd.s32 $0xFFFFF800  }
0x2d: {  	_ =	swait.ge [sflag:s14], $0x800  }
0x2e: {  	[sflag:s14] =	ssyncset.done $0x0  }
0x2f: {  	s19 =	sxor.u32 s18, s5;
	[sflag:s14] =	ssyncadd.s32 $0xFFFFF800  }
0x30: {  	p0 =	sne.s32 s19, $0x3F;
	_ =	swait.ge [sflag:s14], $0x800  }
.Ltmp0:
0x31: {  	[sflag:s14] =	ssyncset.done $0x0;
	(pc) =	sbr.rel @p0 .LBB2_2-.Ltmp0, $4  }
0x32: {  	[sflag:s14] =	ssyncadd.s32 $0xFFFFF800  }
0x33: {  	_ =	swait.ge [sflag:s14], $0x800  }
0x34: {  	[sflag:s14] =	ssyncset.done $0x0  }
0x35: {  	s18 =	sadd.s32 $0x1, s18;
	s17 =	sadd.s32 $0x50, s17;
	[sflag:s14] =	ssyncadd.s32 $0xFFFFF800  }
0x36: {  	s16 =	sadd.s32 $0x1, s16  }
0x37: {  	p0 =	sne.s32 s16, s9  }
.Ltmp1:
0x38: {  	[bflag:$0x0] =	sbarrier.arrive $0xFFFF;
	(pc) =	sbr.rel @p0 .LBB2_1-.Ltmp1, $4  }
0x39: {  	[hbm:s15], [sflag:s7] =	dma.local [spmem:s11], $0x2780  }
0x3a: {  	_ =	swait.ge [sflag:s12], $0x2780  }
0x3b: {  	[sflag:s12] =	ssyncset.done $0x0  }
0x3c: {  	[sflag:s12] =	ssyncadd.s32 $0xFFFFD880  }
0x3d: {  	_ =	sfence.sel $0x180000  }
0x3e: {  	[bflag:$0x0] =	sbarrier.arrive $0xFFFF  }
0x3f: {  	p0 =	sne.s32 s1, $0x0;
	_ =	strace $0x9000004A  }
0x40: {  	s0 =	sadd.s32 @!p0 $0x100000, s0;
	[bflag:$0x2] =	sbarrier.arrive $0xFFFF  }
0x41: {  	[sflag:s0] =	ssyncadd.tile.s32 @!p0 $0x1;
	_ =	shalt  }
.Lfunc_end2:
_tile_overlayer_lowered:
.L_overlay_start_2:
0x42: {  	(tag) =	ssettag $0x2  }
0x43: {  	s0 =	rddreg [dreg:$0x0];
	s2 =	stileid.u32  }
0x44: {  	s1 =	rddreg [dreg:$0x1];
	p0 =	sne.s32 s2, $0x0  }
0x45: {  	s3 =	rddreg [dreg:$0x2];
	[bflag:$0x3] =	sbarrier.arrive $0xFFFF;
	s2 =	simm.s32 @!p0 $0x1C02  }
0x46: {  	[timem:s3], [sflag:s2] =	dma.local @!p0 [hbm:s0], s1  }
0x47: {  	s0 =	simm.s32 @!p0 $0x2  }
0x48: {  	_ =	swait.ge @!p0 [sflag:s0], s1  }
0x49: {  	s1 =	ssub.s32 @!p0 $0x0, s1;
	[sflag:s0] =	ssyncset.done @!p0 $0x0  }
0x4a: {  	[sflag:s0] =	ssyncadd.s32 @!p0 s1  }
0x4b: {  	[bflag:$0x3] =	sbarrier.arrive $0xFFFF  }
0x4c: {  	_ =	shalt  }

</sc_bundles>
